<compile_context>
chip_gen: v7x
topology: tpu7x:2x2x1
jax: 0.10.2.dev20260603
libtpu: 0.0.44.dev20260713+nightly
codegen_flags: <defaults>
</compile_context>

<pallas_src>
import functools

import jax
import jax.numpy as jnp
from jax.experimental import pallas as pl
from jax.experimental.pallas import tpu as pltpu
from jax.experimental.pallas import tpu_sc as plsc

_M = 4096
_B = 256
_NB = _M // _B
_P = 512
_THRESH = 0.1


def _nms_kernel(payload_ref, scal_ref, res_ref, valid_ref):
    f32 = jnp.float32
    bt = jnp.transpose(payload_ref[:, 0:8])
    pre = scal_ref[0, 0]
    post = scal_ref[0, 1]

    cx, cy, cz = bt[0:1], bt[1:2], bt[2:3]
    dx, dy, dz = bt[3:4], bt[4:5], bt[5:6]
    lox, hix = cx - dx / 2.0, cx + dx / 2.0
    loy, hiy = cy - dy / 2.0, cy + dy / 2.0
    loz, hiz = cz - dz / 2.0, cz + dz / 2.0
    volj = dx * dy * dz

    colid = jax.lax.broadcasted_iota(jnp.int32, (1, _M), 1)
    keep_tail = jnp.where(colid < pre, 1.0, 0.0)
    rowid = jax.lax.broadcasted_iota(jnp.int32, (_B, 1), 0)
    tri = jnp.where(colid[:, :_B] > rowid, 1.0, 0.0)

    done_blocks = []
    for ib in range(_NB):
        base = ib * _B
        blk = payload_ref[pl.ds(base, _B), :]
        bcx, bcy, bcz = blk[:, 0:1], blk[:, 1:2], blk[:, 2:3]
        bdx, bdy, bdz = blk[:, 3:4], blk[:, 4:5], blk[:, 5:6]
        blox, bhix = bcx - bdx / 2.0, bcx + bdx / 2.0
        bloy, bhiy = bcy - bdy / 2.0, bcy + bdy / 2.0
        bloz, bhiz = bcz - bdz / 2.0, bcz + bdz / 2.0
        voli = bdx * bdy * bdz

        wx = jnp.maximum(jnp.minimum(bhix, hix[:, base:]) - jnp.maximum(blox, lox[:, base:]), 0.0)
        wy = jnp.maximum(jnp.minimum(bhiy, hiy[:, base:]) - jnp.maximum(bloy, loy[:, base:]), 0.0)
        wz = jnp.maximum(jnp.minimum(bhiz, hiz[:, base:]) - jnp.maximum(bloz, loz[:, base:]), 0.0)
        inter = wx * wy * wz
        union = voli + volj[:, base:] - inter
        iou = inter / jnp.maximum(union, 1e-6)
        tc = jnp.where(iou > _THRESH, 1.0, 0.0)
        tb = tc[:, :_B] * tri

        init = keep_tail[:, :_B]

        def cond(c):
            return jnp.logical_not(c[1])

        def body(c, tb=tb, init=init):
            local, _ = c
            sup = jnp.dot(local, tb, preferred_element_type=f32)
            new = jnp.where(sup > 0.0, 0.0, init)
            return new, jnp.all(new == local)

        local, _ = jax.lax.while_loop(cond, body, (init, jnp.bool_(False)))

        if ib < _NB - 1:
            sup_all = jnp.dot(local, tc[:, _B:], preferred_element_type=f32)
            keep_tail = jnp.where(sup_all > 0.0, 0.0, keep_tail[:, _B:])
        done_blocks.append(local)
    keep = jnp.concatenate(done_blocks, axis=1)

    keep2 = keep.reshape(32, 128)
    u_r = jax.lax.broadcasted_iota(jnp.int32, (128, 128), 0)
    u_c = jax.lax.broadcasted_iota(jnp.int32, (128, 128), 1)
    umat = jnp.where(u_r <= u_c, 1.0, 0.0)
    incl = jnp.dot(keep2, umat, preferred_element_type=f32)
    rowtot = incl[:, 127:128]
    s_r = jax.lax.broadcasted_iota(jnp.int32, (32, 32), 0)
    s_c = jax.lax.broadcasted_iota(jnp.int32, (32, 32), 1)
    smat = jnp.where(s_c < s_r, 1.0, 0.0)
    offs = jnp.dot(smat, rowtot, preferred_element_type=f32)
    pos = (incl + offs - 1.0).reshape(1, _M)
    nc = jnp.sum(keep)

    prow = jax.lax.broadcasted_iota(jnp.int32, (_P, 1), 0).astype(f32)
    oh = jnp.where((pos == prow) & (keep > 0.0), 1.0, 0.0)
    payload = payload_ref[:]
    l1 = payload.astype(jnp.bfloat16).astype(f32)
    r1 = payload - l1
    l2 = r1.astype(jnp.bfloat16).astype(f32)
    l3 = r1 - l2
    res = (jnp.dot(oh, l1, preferred_element_type=f32)
           + jnp.dot(oh, l2, preferred_element_type=f32)
           + jnp.dot(oh, l3, preferred_element_type=f32))
    validc = jnp.where((prow < nc) & (prow < post.astype(f32)), 1.0, 0.0)
    res_ref[:] = res * validc
    valid_ref[:] = validc


def _run(payload, scal):
    return pl.pallas_call(
        _nms_kernel,
        out_shape=[
            jax.ShapeDtypeStruct((_P, 16), jnp.float32),
            jax.ShapeDtypeStruct((_P, 1), jnp.float32),
        ],
        in_specs=[
            pl.BlockSpec(memory_space=pltpu.VMEM),
            pl.BlockSpec(memory_space=pltpu.SMEM),
        ],
        out_specs=[
            pl.BlockSpec(memory_space=pltpu.VMEM),
            pl.BlockSpec(memory_space=pltpu.VMEM),
        ],
    )(payload, scal)


def _sc_gather(table, idx):
    info = plsc.get_sparse_core_info()
    nw = info.num_cores * info.num_subcores
    bpw = _M // nw
    mesh = plsc.VectorSubcoreMesh(core_axis_name="c", subcore_axis_name="s")

    @functools.partial(
        pl.kernel, mesh=mesh,
        out_type=jax.ShapeDtypeStruct((_M, 16), jnp.float32),
        compiler_params=pltpu.CompilerParams(use_tc_tiling_on_sc=False),
        scratch_types=[
            pltpu.VMEM((bpw,), jnp.int32),
            pltpu.VMEM((bpw, 16), jnp.float32),
            pltpu.SemaphoreType.DMA,
        ],
    )
    def k(table_hbm, idx_hbm, out_hbm, idx_v, rows_v, sem):
        wid = jax.lax.axis_index("s") * info.num_cores + jax.lax.axis_index("c")
        base = wid * bpw
        pltpu.sync_copy(idx_hbm.at[pl.ds(base, bpw)], idx_v)
        pltpu.async_copy(table_hbm.at[idx_v], rows_v, sem).wait()
        pltpu.sync_copy(rows_v, out_hbm.at[pl.ds(base, bpw)])

    return k(table, idx)


def kernel(boxes, scores, pre_maxsize, post_max_size):
    f32 = jnp.float32
    n = boxes.shape[0]
    _, order = jax.lax.top_k(scores, _M)
    table = jnp.concatenate(
        [boxes, jnp.zeros((n, 1), f32),
         jnp.arange(n, dtype=jnp.int32).astype(f32)[:, None],
         scores[:, None], jnp.zeros((n, 6), f32)], axis=1)
    payload = _sc_gather(table, order)
    scal = jnp.stack([pre_maxsize, post_max_size]).astype(jnp.int32).reshape(1, 2)
    res, validf = _run(payload, scal)
    selected_boxes = res[:500, :7]
    sel_global = res[:500, 8].astype(jnp.int32)
    selected_scores = res[:500, 9]
    valid = validf[:500, 0] > 0.5
    return selected_boxes, selected_scores, sel_global, valid

# --- scband reference (transcript-rebuilt; emitter-appended) ---
"""Pipeline reference for scband-e2-eseq-token-head-26259430048558 (READ-ONLY COPY).

The authoritative reference and input builder live on the scoring server;
editing this copy changes nothing except your own understanding.
"""

import jax, jax.numpy as jnp
import numpy as np


def _pairwise_iou3d_axis_aligned(b):
    # b: [M, 7] = (x, y, z, dx, dy, dz, heading); heading treated as axis-aligned
    c = b[:, 0:3]
    d = b[:, 3:6]
    lo = c - d / 2.0
    hi = c + d / 2.0
    lt = jnp.maximum(lo[:, None, :], lo[None, :, :])
    rb = jnp.minimum(hi[:, None, :], hi[None, :, :])
    inter = jnp.prod(jnp.clip(rb - lt, 0.0, None), axis=-1)
    vol = jnp.prod(d, axis=-1)
    union = vol[:, None] + vol[None, :] - inter
    return inter / jnp.maximum(union, 1e-6)


def setup_inputs(seed: int = 0) -> dict:
    key = jax.random.key(seed)
    k1, k2 = jax.random.split(key)
    N = 20000
    u = jax.random.uniform(k1, (N, 7))
    cx = u[:, 0] * 150.4 - 75.2
    cy = u[:, 1] * 150.4 - 75.2
    cz = u[:, 2] * 6.0 - 2.0
    dx = u[:, 3] * 4.0 + 0.5
    dy = u[:, 4] * 2.0 + 0.5
    dz = u[:, 5] * 1.5 + 0.5
    heading = u[:, 6] * 2.0 * np.pi - np.pi
    boxes = jnp.stack([cx, cy, cz, dx, dy, dz, heading], axis=1).astype(jnp.float32)
    scores = jax.random.normal(k2, (N,), dtype=jnp.float32)
    return {"boxes": boxes, "scores": scores, "pre_maxsize": 4096, "post_max_size": 500}


def reference(boxes, scores, pre_maxsize, post_max_size):
    # Faithful port of E2ESeqTokenHead._nms_gpu_3d (iou3d_nms_cuda.nms_gpu):
    # sort by score desc, truncate to pre_maxsize, greedy IoU suppression, truncate to post_max_size.
    thresh = 0.1
    PRE_MAXSIZE = 4096
    POST_MAX_SIZE = 500
    order = jnp.argsort(-scores)[:PRE_MAXSIZE]
    b = boxes[order]
    iou = _pairwise_iou3d_axis_aligned(b)
    M = b.shape[0]
    idxs = jnp.arange(M)

    def body(i, keep):
        sup = (iou[i] > thresh) & (idxs > i) & keep[i]
        return keep & (~sup)

    keep = jax.lax.fori_loop(0, M, body, idxs < pre_maxsize)
    ncount = jnp.sum(keep.astype(jnp.int32))
    sel_local = jnp.nonzero(keep, size=POST_MAX_SIZE, fill_value=0)[0]
    valid = (jnp.arange(POST_MAX_SIZE) < ncount) & (jnp.arange(POST_MAX_SIZE) < post_max_size)
    sel_global = jnp.where(valid, order[sel_local], 0)
    selected_boxes = boxes[sel_global] * valid[:, None].astype(boxes.dtype)
    selected_scores = scores[sel_global] * valid.astype(scores.dtype)
    return selected_boxes, selected_scores, sel_global, valid

if __name__ == "__main__":
    import jax
    _d = setup_inputs()
    print(jax.jit(kernel)(*tuple(_d.values())))

</pallas_src>

<mosaic_0001>
#map = affine_map<(d0, d1) -> (0, 0)>
#map1 = affine_map<(d0, d1) -> (0)>
module attributes {stable_mosaic.version = 14 : i64} {
  func.func @k(%arg0: i32, %arg1: i32, %arg2: memref<20000x16xf32, #tpu.memory_space<hbm>>, %arg3: memref<4096xi32, #tpu.memory_space<hbm>>, %arg4: memref<4096x16xf32, #tpu.memory_space<hbm>>, %arg5: memref<128xi32, #tpu.memory_space<vmem>>, %arg6: memref<128x16xf32, #tpu.memory_space<vmem>>, %arg7: memref<!tpu.dma_semaphore, #tpu.memory_space<semaphore_mem>>) attributes {dimension_semantics = [#tpu.dimension_semantics<core_parallel>, #tpu.dimension_semantics<subcore_parallel>], iteration_bounds = array<i64: 2, 16>, scalar_prefetch = 0 : i64, scratch_operands = 3 : i64, tpu.core_type = #tpu.core_type<sc_vector_subcore>, window_params = [{transform_indices = #map}, {transform_indices = #map1}, {transform_indices = #map}]} {
    %mul3A = arith.constant 2 : i32
    %mul3A_0 = arith.muli %arg1, %mul3A : i32
    %add3A = arith.addi %mul3A_0, %arg0 : i32
    %mul3A_1 = arith.constant 128 : i32
    %mul3A_2 = arith.muli %add3A, %mul3A_1 : i32
    "tpu.region"() ({
      %run_scoped3A = tpu.sem_alloc : memref<!tpu.dma_semaphore, #tpu.memory_space<semaphore_mem>>
      %dma_start3A_7 = tpu.memref_slice %arg3[%mul3A_2] : memref<4096xi32, #tpu.memory_space<hbm>> -> memref<128xi32, #tpu.memory_space<hbm>>
      %dma_start3A_8 = tpu.memref_slice %arg3[%mul3A_2] : memref<4096xi32, #tpu.memory_space<hbm>> -> memref<128xi32, #tpu.memory_space<hbm>>
      tpu.enqueue_dma source(%dma_start3A_8 : memref<128xi32, #tpu.memory_space<hbm>>) target(%arg5 : memref<128xi32, #tpu.memory_space<vmem>>) target_semaphore(%run_scoped3A : memref<!tpu.dma_semaphore, #tpu.memory_space<semaphore_mem>>)
      %dma_wait3A_9 = tpu.memref_slice %arg3[%mul3A_2] : memref<4096xi32, #tpu.memory_space<hbm>> -> memref<128xi32, #tpu.memory_space<hbm>>
      %dma_wait3A_10 = tpu.memref_slice %arg3[%mul3A_2] : memref<4096xi32, #tpu.memory_space<hbm>> -> memref<128xi32, #tpu.memory_space<hbm>>
      tpu.wait_dma2 semaphore(%run_scoped3A : memref<!tpu.dma_semaphore, #tpu.memory_space<semaphore_mem>>) src(%dma_wait3A_10 : memref<128xi32, #tpu.memory_space<hbm>>) dst(%arg5 : memref<128xi32, #tpu.memory_space<vmem>>)
      tpu.yield
    }) : () -> ()
    %dma_start3A = arith.constant 0 : i32
    %dma_start3A_3 = arith.constant 0 : i32
    %dma_start3A_4 = tpu.memref_slice %arg2[%dma_start3A, %dma_start3A_3] : memref<20000x16xf32, #tpu.memory_space<hbm>> -> memref<20000x16xf32, #tpu.memory_space<hbm>>
    tpu.enqueue_indirect_dma source(%dma_start3A_4 : memref<20000x16xf32, #tpu.memory_space<hbm>>) target(%arg6 : memref<128x16xf32, #tpu.memory_space<vmem>>) offsets(%arg5 : memref<128xi32, #tpu.memory_space<vmem>>) semaphore(%arg7 : memref<!tpu.dma_semaphore, #tpu.memory_space<semaphore_mem>>)
    %dma_wait3A = arith.constant 0 : i32
    %dma_wait3A_5 = arith.constant 0 : i32
    %dma_wait3A_6 = tpu.memref_slice %arg2[%dma_wait3A, %dma_wait3A_5] : memref<20000x16xf32, #tpu.memory_space<hbm>> -> memref<20000x16xf32, #tpu.memory_space<hbm>>
    tpu.wait_indirect_dma semaphore(%arg7 : memref<!tpu.dma_semaphore, #tpu.memory_space<semaphore_mem>>) src(%dma_wait3A_6 : memref<20000x16xf32, #tpu.memory_space<hbm>>) dst(%arg6 : memref<128x16xf32, #tpu.memory_space<vmem>>)
    "tpu.region"() ({
      %run_scoped3A = tpu.sem_alloc : memref<!tpu.dma_semaphore, #tpu.memory_space<semaphore_mem>>
      %dma_start3A_7 = arith.constant 0 : i32
      %dma_start3A_8 = tpu.memref_slice %arg4[%mul3A_2, %dma_start3A_7] : memref<4096x16xf32, #tpu.memory_space<hbm>> -> memref<128x16xf32, #tpu.memory_space<hbm>>
      %dma_start3A_9 = arith.constant 0 : i32
      %dma_start3A_10 = tpu.memref_slice %arg4[%mul3A_2, %dma_start3A_9] : memref<4096x16xf32, #tpu.memory_space<hbm>> -> memref<128x16xf32, #tpu.memory_space<hbm>>
      tpu.enqueue_dma source(%arg6 : memref<128x16xf32, #tpu.memory_space<vmem>>) target(%dma_start3A_10 : memref<128x16xf32, #tpu.memory_space<hbm>>) target_semaphore(%run_scoped3A : memref<!tpu.dma_semaphore, #tpu.memory_space<semaphore_mem>>)
      %dma_wait3A_11 = arith.constant 0 : i32
      %dma_wait3A_12 = tpu.memref_slice %arg4[%mul3A_2, %dma_wait3A_11] : memref<4096x16xf32, #tpu.memory_space<hbm>> -> memref<128x16xf32, #tpu.memory_space<hbm>>
      %dma_wait3A_13 = arith.constant 0 : i32
      %dma_wait3A_14 = tpu.memref_slice %arg4[%mul3A_2, %dma_wait3A_13] : memref<4096x16xf32, #tpu.memory_space<hbm>> -> memref<128x16xf32, #tpu.memory_space<hbm>>
      tpu.wait_dma2 semaphore(%run_scoped3A : memref<!tpu.dma_semaphore, #tpu.memory_space<semaphore_mem>>) src(%arg6 : memref<128x16xf32, #tpu.memory_space<vmem>>) dst(%dma_wait3A_14 : memref<128x16xf32, #tpu.memory_space<hbm>>)
      tpu.yield
    }) : () -> ()
    return
  }
}

module attributes {stable_mosaic.version = 14 : i64} {
  func.func @_nms_kernel(%arg0: memref<4096x16xf32, #tpu.memory_space<vmem>>, %arg1: memref<1x2xi32, #tpu.memory_space<smem>>, %arg2: memref<512x16xf32, #tpu.memory_space<vmem>>, %arg3: memref<512x1xf32, #tpu.memory_space<vmem>>) attributes {dimension_semantics = [], scalar_prefetch = 0 : i64, scratch_operands = 0 : i64, tpu.core_type = #tpu.core_type<tc>} {
    %get3A = arith.constant 0 : index
    %get3A_0 = arith.constant 0 : index
    %get3A_1 = vector.load %arg0[%get3A, %get3A_0] : memref<4096x16xf32, #tpu.memory_space<vmem>>, vector<4096x8xf32>
    %transpose3A = tpu.transpose %get3A_1, [1, 0] : vector<4096x8xf32> -> vector<8x4096xf32>
    %get3A_2 = arith.constant 0 : index
    %get3A_3 = arith.constant 0 : index
    %get3A_4 = memref.load %arg1[%get3A_2, %get3A_3] : memref<1x2xi32, #tpu.memory_space<smem>>
    %get3A_5 = arith.constant 0 : index
    %get3A_6 = arith.constant 1 : index
    %get3A_7 = memref.load %arg1[%get3A_5, %get3A_6] : memref<1x2xi32, #tpu.memory_space<smem>>
    %slice3A = vector.extract_strided_slice %transpose3A {offsets = [0, 0], sizes = [1, 4096], strides = [1, 1]} : vector<8x4096xf32> to vector<1x4096xf32>
    %slice3A_8 = vector.extract_strided_slice %transpose3A {offsets = [1, 0], sizes = [1, 4096], strides = [1, 1]} : vector<8x4096xf32> to vector<1x4096xf32>
    %slice3A_9 = vector.extract_strided_slice %transpose3A {offsets = [2, 0], sizes = [1, 4096], strides = [1, 1]} : vector<8x4096xf32> to vector<1x4096xf32>
    %slice3A_10 = vector.extract_strided_slice %transpose3A {offsets = [3, 0], sizes = [1, 4096], strides = [1, 1]} : vector<8x4096xf32> to vector<1x4096xf32>
    %slice3A_11 = vector.extract_strided_slice %transpose3A {offsets = [4, 0], sizes = [1, 4096], strides = [1, 1]} : vector<8x4096xf32> to vector<1x4096xf32>
    %slice3A_12 = vector.extract_strided_slice %transpose3A {offsets = [5, 0], sizes = [1, 4096], strides = [1, 1]} : vector<8x4096xf32> to vector<1x4096xf32>
    %div3A = arith.constant 2.000000e+00 : f32
    %div3A_13 = vector.broadcast %div3A : f32 to vector<1x4096xf32>
    %div3A_14 = arith.divf %slice3A_10, %div3A_13 : vector<1x4096xf32>
    %sub3A = arith.subf %slice3A, %div3A_14 : vector<1x4096xf32>
    %div3A_15 = arith.constant 2.000000e+00 : f32
    %div3A_16 = vector.broadcast %div3A_15 : f32 to vector<1x4096xf32>
    %div3A_17 = arith.divf %slice3A_10, %div3A_16 : vector<1x4096xf32>
    %add3A = arith.addf %slice3A, %div3A_17 : vector<1x4096xf32>
    %div3A_18 = arith.constant 2.000000e+00 : f32
    %div3A_19 = vector.broadcast %div3A_18 : f32 to vector<1x4096xf32>
    %div3A_20 = arith.divf %slice3A_11, %div3A_19 : vector<1x4096xf32>
    %sub3A_21 = arith.subf %slice3A_8, %div3A_20 : vector<1x4096xf32>
    %div3A_22 = arith.constant 2.000000e+00 : f32
    %div3A_23 = vector.broadcast %div3A_22 : f32 to vector<1x4096xf32>
    %div3A_24 = arith.divf %slice3A_11, %div3A_23 : vector<1x4096xf32>
    %add3A_25 = arith.addf %slice3A_8, %div3A_24 : vector<1x4096xf32>
    %div3A_26 = arith.constant 2.000000e+00 : f32
    %div3A_27 = vector.broadcast %div3A_26 : f32 to vector<1x4096xf32>
    %div3A_28 = arith.divf %slice3A_12, %div3A_27 : vector<1x4096xf32>
    %sub3A_29 = arith.subf %slice3A_9, %div3A_28 : vector<1x4096xf32>
    %div3A_30 = arith.constant 2.000000e+00 : f32
    %div3A_31 = vector.broadcast %div3A_30 : f32 to vector<1x4096xf32>
    %div3A_32 = arith.divf %slice3A_12, %div3A_31 : vector<1x4096xf32>
    %add3A_33 = arith.addf %slice3A_9, %div3A_32 : vector<1x4096xf32>
    %mul3A = arith.mulf %slice3A_10, %slice3A_11 : vector<1x4096xf32>
    %mul3A_34 = arith.mulf %mul3A, %slice3A_12 : vector<1x4096xf32>
    %iota3A = tpu.iota {dimensions = array<i32: 1>} : vector<1x4096xi32>
    %lt3A = vector.broadcast %get3A_4 : i32 to vector<1x4096xi32>
    %lt3A_35 = arith.cmpi slt, %iota3A, %lt3A : vector<1x4096xi32>
    %jit3A = arith.constant 1.000000e+00 : f32
    %jit3A_36 = arith.constant 0.000000e+00 : f32
    %broadcast_in_dim3A = vector.broadcast %jit3A : f32 to vector<1x4096xf32>
    %broadcast_in_dim3A_37 = vector.broadcast %jit3A_36 : f32 to vector<1x4096xf32>
    %select_n3A = arith.select %lt3A_35, %broadcast_in_dim3A, %broadcast_in_dim3A_37 : vector<1x4096xi1>, vector<1x4096xf32>
    %iota3A_38 = tpu.iota {dimensions = array<i32: 0>} : vector<256x1xi32>
    %slice3A_39 = vector.extract_strided_slice %iota3A {offsets = [0, 0], sizes = [1, 256], strides = [1, 1]} : vector<1x4096xi32> to vector<1x256xi32>
    %gt3A = vector.broadcast %slice3A_39 : vector<1x256xi32> to vector<256x256xi32>
    %gt3A_40 = vector.broadcast %iota3A_38 : vector<256x1xi32> to vector<256x256xi32>
    %gt3A_41 = arith.cmpi sgt, %gt3A, %gt3A_40 : vector<256x256xi32>
    %jit3A_42 = arith.constant 1.000000e+00 : f32
    %jit3A_43 = arith.constant 0.000000e+00 : f32
    %broadcast_in_dim3A_44 = vector.broadcast %jit3A_42 : f32 to vector<256x256xf32>
    %broadcast_in_dim3A_45 = vector.broadcast %jit3A_43 : f32 to vector<256x256xf32>
    %select_n3A_46 = arith.select %gt3A_41, %broadcast_in_dim3A_44, %broadcast_in_dim3A_45 : vector<256x256xi1>, vector<256x256xf32>
    %get3A_47 = arith.constant 0 : index
    %get3A_48 = arith.constant 0 : index
    %get3A_49 = vector.load %arg0[%get3A_47, %get3A_48] : memref<4096x16xf32, #tpu.memory_space<vmem>>, vector<256x16xf32>
    %slice3A_50 = vector.extract_strided_slice %get3A_49 {offsets = [0, 0], sizes = [256, 1], strides = [1, 1]} : vector<256x16xf32> to vector<256x1xf32>
    %slice3A_51 = vector.extract_strided_slice %get3A_49 {offsets = [0, 1], sizes = [256, 1], strides = [1, 1]} : vector<256x16xf32> to vector<256x1xf32>
    %slice3A_52 = vector.extract_strided_slice %get3A_49 {offsets = [0, 2], sizes = [256, 1], strides = [1, 1]} : vector<256x16xf32> to vector<256x1xf32>
    %slice3A_53 = vector.extract_strided_slice %get3A_49 {offsets = [0, 3], sizes = [256, 1], strides = [1, 1]} : vector<256x16xf32> to vector<256x1xf32>
    %slice3A_54 = vector.extract_strided_slice %get3A_49 {offsets = [0, 4], sizes = [256, 1], strides = [1, 1]} : vector<256x16xf32> to vector<256x1xf32>
    %slice3A_55 = vector.extract_strided_slice %get3A_49 {offsets = [0, 5], sizes = [256, 1], strides = [1, 1]} : vector<256x16xf32> to vector<256x1xf32>
    %div3A_56 = arith.constant 2.000000e+00 : f32
    %div3A_57 = vector.broadcast %div3A_56 : f32 to vector<256x1xf32>
    %div3A_58 = arith.divf %slice3A_53, %div3A_57 : vector<256x1xf32>
    %sub3A_59 = arith.subf %slice3A_50, %div3A_58 : vector<256x1xf32>
    %div3A_60 = arith.constant 2.000000e+00 : f32
    %div3A_61 = vector.broadcast %div3A_60 : f32 to vector<256x1xf32>
    %div3A_62 = arith.divf %slice3A_53, %div3A_61 : vector<256x1xf32>
    %add3A_63 = arith.addf %slice3A_50, %div3A_62 : vector<256x1xf32>
    %div3A_64 = arith.constant 2.000000e+00 : f32
    %div3A_65 = vector.broadcast %div3A_64 : f32 to vector<256x1xf32>
    %div3A_66 = arith.divf %slice3A_54, %div3A_65 : vector<256x1xf32>
    %sub3A_67 = arith.subf %slice3A_51, %div3A_66 : vector<256x1xf32>
    %div3A_68 = arith.constant 2.000000e+00 : f32
    %div3A_69 = vector.broadcast %div3A_68 : f32 to vector<256x1xf32>
    %div3A_70 = arith.divf %slice3A_54, %div3A_69 : vector<256x1xf32>
    %add3A_71 = arith.addf %slice3A_51, %div3A_70 : vector<256x1xf32>
    %div3A_72 = arith.constant 2.000000e+00 : f32
    %div3A_73 = vector.broadcast %div3A_72 : f32 to vector<256x1xf32>
    %div3A_74 = arith.divf %slice3A_55, %div3A_73 : vector<256x1xf32>
    %sub3A_75 = arith.subf %slice3A_52, %div3A_74 : vector<256x1xf32>
    %div3A_76 = arith.constant 2.000000e+00 : f32
    %div3A_77 = vector.broadcast %div3A_76 : f32 to vector<256x1xf32>
    %div3A_78 = arith.divf %slice3A_55, %div3A_77 : vector<256x1xf32>
    %add3A_79 = arith.addf %slice3A_52, %div3A_78 : vector<256x1xf32>
    %mul3A_80 = arith.mulf %slice3A_53, %slice3A_54 : vector<256x1xf32>
    %mul3A_81 = arith.mulf %mul3A_80, %slice3A_55 : vector<256x1xf32>
    %min3A = vector.broadcast %add3A_63 : vector<256x1xf32> to vector<256x4096xf32>
    %min3A_82 = vector.broadcast %add3A : vector<1x4096xf32> to vector<256x4096xf32>
    %min3A_83 = arith.minimumf %min3A, %min3A_82 : vector<256x4096xf32>
    %max3A = vector.broadcast %sub3A_59 : vector<256x1xf32> to vector<256x4096xf32>
    %max3A_84 = vector.broadcast %sub3A : vector<1x4096xf32> to vector<256x4096xf32>
    %max3A_85 = arith.maximumf %max3A, %max3A_84 : vector<256x4096xf32>
    %sub3A_86 = arith.subf %min3A_83, %max3A_85 : vector<256x4096xf32>
    %max3A_87 = arith.constant 0.000000e+00 : f32
    %max3A_88 = vector.broadcast %max3A_87 : f32 to vector<256x4096xf32>
    %max3A_89 = arith.maximumf %sub3A_86, %max3A_88 : vector<256x4096xf32>
    %min3A_90 = vector.broadcast %add3A_71 : vector<256x1xf32> to vector<256x4096xf32>
    %min3A_91 = vector.broadcast %add3A_25 : vector<1x4096xf32> to vector<256x4096xf32>
    %min3A_92 = arith.minimumf %min3A_90, %min3A_91 : vector<256x4096xf32>
    %max3A_93 = vector.broadcast %sub3A_67 : vector<256x1xf32> to vector<256x4096xf32>
    %max3A_94 = vector.broadcast %sub3A_21 : vector<1x4096xf32> to vector<256x4096xf32>
    %max3A_95 = arith.maximumf %max3A_93, %max3A_94 : vector<256x4096xf32>
    %sub3A_96 = arith.subf %min3A_92, %max3A_95 : vector<256x4096xf32>
    %max3A_97 = arith.constant 0.000000e+00 : f32
    %max3A_98 = vector.broadcast %max3A_97 : f32 to vector<256x4096xf32>
    %max3A_99 = arith.maximumf %sub3A_96, %max3A_98 : vector<256x4096xf32>
    %min3A_100 = vector.broadcast %add3A_79 : vector<256x1xf32> to vector<256x4096xf32>
    %min3A_101 = vector.broadcast %add3A_33 : vector<1x4096xf32> to vector<256x4096xf32>
    %min3A_102 = arith.minimumf %min3A_100, %min3A_101 : vector<256x4096xf32>
    %max3A_103 = vector.broadcast %sub3A_75 : vector<256x1xf32> to vector<256x4096xf32>
    %max3A_104 = vector.broadcast %sub3A_29 : vector<1x4096xf32> to vector<256x4096xf32>
    %max3A_105 = arith.maximumf %max3A_103, %max3A_104 : vector<256x4096xf32>
    %sub3A_106 = arith.subf %min3A_102, %max3A_105 : vector<256x4096xf32>
    %max3A_107 = arith.constant 0.000000e+00 : f32
    %max3A_108 = vector.broadcast %max3A_107 : f32 to vector<256x4096xf32>
    %max3A_109 = arith.maximumf %sub3A_106, %max3A_108 : vector<256x4096xf32>
    %mul3A_110 = arith.mulf %max3A_89, %max3A_99 : vector<256x4096xf32>
    %mul3A_111 = arith.mulf %mul3A_110, %max3A_109 : vector<256x4096xf32>
    %add3A_112 = vector.broadcast %mul3A_81 : vector<256x1xf32> to vector<256x4096xf32>
    %add3A_113 = vector.broadcast %mul3A_34 : vector<1x4096xf32> to vector<256x4096xf32>
    %add3A_114 = arith.addf %add3A_112, %add3A_113 : vector<256x4096xf32>
    %sub3A_115 = arith.subf %add3A_114, %mul3A_111 : vector<256x4096xf32>
    %max3A_116 = arith.constant 9.99999997E-7 : f32
    %max3A_117 = vector.broadcast %max3A_116 : f32 to vector<256x4096xf32>
    %max3A_118 = arith.maximumf %sub3A_115, %max3A_117 : vector<256x4096xf32>
    %div3A_119 = arith.divf %mul3A_111, %max3A_118 : vector<256x4096xf32>
    %gt3A_120 = arith.constant 1.000000e-01 : f32
    %gt3A_121 = vector.broadcast %gt3A_120 : f32 to vector<256x4096xf32>
    %gt3A_122 = arith.cmpf ogt, %div3A_119, %gt3A_121 : vector<256x4096xf32>
    %jit3A_123 = arith.constant 1.000000e+00 : f32
    %jit3A_124 = arith.constant 0.000000e+00 : f32
    %broadcast_in_dim3A_125 = vector.broadcast %jit3A_123 : f32 to vector<256x4096xf32>
    %broadcast_in_dim3A_126 = vector.broadcast %jit3A_124 : f32 to vector<256x4096xf32>
    %select_n3A_127 = arith.select %gt3A_122, %broadcast_in_dim3A_125, %broadcast_in_dim3A_126 : vector<256x4096xi1>, vector<256x4096xf32>
    %slice3A_128 = vector.extract_strided_slice %select_n3A_127 {offsets = [0, 0], sizes = [256, 256], strides = [1, 1]} : vector<256x4096xf32> to vector<256x256xf32>
    %mul3A_129 = arith.mulf %slice3A_128, %select_n3A_46 : vector<256x256xf32>
    %slice3A_130 = vector.extract_strided_slice %select_n3A {offsets = [0, 0], sizes = [1, 256], strides = [1, 1]} : vector<1x4096xf32> to vector<1x256xf32>
    %while3A = arith.constant false
    %while3A_131:2 = scf.while (%while3A_1781 = %slice3A_130, %while3A_1782 = %while3A) : (vector<1x256xf32>, i1) -> (vector<1x256xf32>, i1) {
      %not3A = arith.constant true
      %not3A_1783 = arith.xori %while3A_1782, %not3A : i1
      scf.condition(%not3A_1783) %while3A_1781, %while3A_1782 : vector<1x256xf32>, i1
    } do {
    ^bb0(%while3A_1781: vector<1x256xf32>, %while3A_1782: i1):
      %dot_general3A_1783 = arith.constant dense<0.000000e+00> : vector<1x256xf32>
      %dot_general3A_1784 = tpu.matmul %while3A_1781, %mul3A_129, %dot_general3A_1783 {dimension_numbers = #tpu.dot_dimension_numbers<[1], [0], [0], [1], [0, 0, 1, 1], [], []>, transpose_lhs_hint = false} : vector<1x256xf32>, vector<256x256xf32>, vector<1x256xf32> -> vector<1x256xf32>
      %gt3A_1785 = arith.constant 0.000000e+00 : f32
      %gt3A_1786 = vector.broadcast %gt3A_1785 : f32 to vector<1x256xf32>
      %gt3A_1787 = arith.cmpf ogt, %dot_general3A_1784, %gt3A_1786 : vector<1x256xf32>
      %jit3A_1788 = arith.constant 0.000000e+00 : f32
      %broadcast_in_dim3A_1789 = vector.broadcast %jit3A_1788 : f32 to vector<1x256xf32>
      %select_n3A_1790 = arith.select %gt3A_1787, %broadcast_in_dim3A_1789, %slice3A_130 : vector<1x256xi1>, vector<1x256xf32>
      %eq3A_1791 = arith.cmpf oeq, %select_n3A_1790, %while3A_1781 : vector<1x256xf32>
      %reduce_and3A = arith.constant 1.000000e+00 : f32
      %reduce_and3A_1792 = arith.constant 0.000000e+00 : f32
      %reduce_and3A_1793 = vector.broadcast %reduce_and3A : f32 to vector<1x256xf32>
      %reduce_and3A_1794 = vector.broadcast %reduce_and3A_1792 : f32 to vector<1x256xf32>
      %reduce_and3A_1795 = arith.select %eq3A_1791, %reduce_and3A_1793, %reduce_and3A_1794 : vector<1x256xi1>, vector<1x256xf32>
      %reduce_and3A_1796 = vector.shape_cast %reduce_and3A_1795 : vector<1x256xf32> to vector<1x1x256xf32>
      %reduce_and3A_1797 = arith.constant dense<0x7F800000> : vector<1xf32>
      %reduce_and3A_1798 = vector.multi_reduction <minimumf>, %reduce_and3A_1796, %reduce_and3A_1797 [1, 2] : vector<1x1x256xf32> to vector<1xf32>
      %reduce_and3A_1799 = vector.shape_cast %reduce_and3A_1798 : vector<1xf32> to vector<1x1x1xf32>
      %reduce_and3A_1800 = vector.extract %reduce_and3A_1799[0, 0, 0] : f32 from vector<1x1x1xf32>
      %reduce_and3A_1801 = arith.constant 0.000000e+00 : f32
      %reduce_and3A_1802 = arith.cmpf ogt, %reduce_and3A_1800, %reduce_and3A_1801 : f32
      scf.yield %select_n3A_1790, %reduce_and3A_1802 : vector<1x256xf32>, i1
    }
    %slice3A_132 = vector.extract_strided_slice %select_n3A_127 {offsets = [0, 256], sizes = [256, 3840], strides = [1, 1]} : vector<256x4096xf32> to vector<256x3840xf32>
    %dot_general3A = arith.constant dense<0.000000e+00> : vector<1x3840xf32>
    %dot_general3A_133 = tpu.matmul %while3A_131#0, %slice3A_132, %dot_general3A {dimension_numbers = #tpu.dot_dimension_numbers<[1], [0], [0], [1], [0, 0, 1, 1], [], []>, transpose_lhs_hint = false} : vector<1x256xf32>, vector<256x3840xf32>, vector<1x3840xf32> -> vector<1x3840xf32>
    %gt3A_134 = arith.constant 0.000000e+00 : f32
    %gt3A_135 = vector.broadcast %gt3A_134 : f32 to vector<1x3840xf32>
    %gt3A_136 = arith.cmpf ogt, %dot_general3A_133, %gt3A_135 : vector<1x3840xf32>
    %slice3A_137 = vector.extract_strided_slice %select_n3A {offsets = [0, 256], sizes = [1, 3840], strides = [1, 1]} : vector<1x4096xf32> to vector<1x3840xf32>
    %jit3A_138 = arith.constant 0.000000e+00 : f32
    %broadcast_in_dim3A_139 = vector.broadcast %jit3A_138 : f32 to vector<1x3840xf32>
    %select_n3A_140 = arith.select %gt3A_136, %broadcast_in_dim3A_139, %slice3A_137 : vector<1x3840xi1>, vector<1x3840xf32>
    %get3A_141 = arith.constant 256 : index
    %get3A_142 = arith.constant 0 : index
    %get3A_143 = vector.load %arg0[%get3A_141, %get3A_142] : memref<4096x16xf32, #tpu.memory_space<vmem>>, vector<256x16xf32>
    %slice3A_144 = vector.extract_strided_slice %get3A_143 {offsets = [0, 0], sizes = [256, 1], strides = [1, 1]} : vector<256x16xf32> to vector<256x1xf32>
    %slice3A_145 = vector.extract_strided_slice %get3A_143 {offsets = [0, 1], sizes = [256, 1], strides = [1, 1]} : vector<256x16xf32> to vector<256x1xf32>
    %slice3A_146 = vector.extract_strided_slice %get3A_143 {offsets = [0, 2], sizes = [256, 1], strides = [1, 1]} : vector<256x16xf32> to vector<256x1xf32>
    %slice3A_147 = vector.extract_strided_slice %get3A_143 {offsets = [0, 3], sizes = [256, 1], strides = [1, 1]} : vector<256x16xf32> to vector<256x1xf32>
    %slice3A_148 = vector.extract_strided_slice %get3A_143 {offsets = [0, 4], sizes = [256, 1], strides = [1, 1]} : vector<256x16xf32> to vector<256x1xf32>
    %slice3A_149 = vector.extract_strided_slice %get3A_143 {offsets = [0, 5], sizes = [256, 1], strides = [1, 1]} : vector<256x16xf32> to vector<256x1xf32>
    %div3A_150 = arith.constant 2.000000e+00 : f32
    %div3A_151 = vector.broadcast %div3A_150 : f32 to vector<256x1xf32>
    %div3A_152 = arith.divf %slice3A_147, %div3A_151 : vector<256x1xf32>
    %sub3A_153 = arith.subf %slice3A_144, %div3A_152 : vector<256x1xf32>
    %div3A_154 = arith.constant 2.000000e+00 : f32
    %div3A_155 = vector.broadcast %div3A_154 : f32 to vector<256x1xf32>
    %div3A_156 = arith.divf %slice3A_147, %div3A_155 : vector<256x1xf32>
    %add3A_157 = arith.addf %slice3A_144, %div3A_156 : vector<256x1xf32>
    %div3A_158 = arith.constant 2.000000e+00 : f32
    %div3A_159 = vector.broadcast %div3A_158 : f32 to vector<256x1xf32>
    %div3A_160 = arith.divf %slice3A_148, %div3A_159 : vector<256x1xf32>
    %sub3A_161 = arith.subf %slice3A_145, %div3A_160 : vector<256x1xf32>
    %div3A_162 = arith.constant 2.000000e+00 : f32
    %div3A_163 = vector.broadcast %div3A_162 : f32 to vector<256x1xf32>
    %div3A_164 = arith.divf %slice3A_148, %div3A_163 : vector<256x1xf32>
    %add3A_165 = arith.addf %slice3A_145, %div3A_164 : vector<256x1xf32>
    %div3A_166 = arith.constant 2.000000e+00 : f32
    %div3A_167 = vector.broadcast %div3A_166 : f32 to vector<256x1xf32>
    %div3A_168 = arith.divf %slice3A_149, %div3A_167 : vector<256x1xf32>
    %sub3A_169 = arith.subf %slice3A_146, %div3A_168 : vector<256x1xf32>
    %div3A_170 = arith.constant 2.000000e+00 : f32
    %div3A_171 = vector.broadcast %div3A_170 : f32 to vector<256x1xf32>
    %div3A_172 = arith.divf %slice3A_149, %div3A_171 : vector<256x1xf32>
    %add3A_173 = arith.addf %slice3A_146, %div3A_172 : vector<256x1xf32>
    %mul3A_174 = arith.mulf %slice3A_147, %slice3A_148 : vector<256x1xf32>
    %mul3A_175 = arith.mulf %mul3A_174, %slice3A_149 : vector<256x1xf32>
    %slice3A_176 = vector.extract_strided_slice %add3A {offsets = [0, 256], sizes = [1, 3840], strides = [1, 1]} : vector<1x4096xf32> to vector<1x3840xf32>
    %min3A_177 = vector.broadcast %add3A_157 : vector<256x1xf32> to vector<256x3840xf32>
    %min3A_178 = vector.broadcast %slice3A_176 : vector<1x3840xf32> to vector<256x3840xf32>
    %min3A_179 = arith.minimumf %min3A_177, %min3A_178 : vector<256x3840xf32>
    %slice3A_180 = vector.extract_strided_slice %sub3A {offsets = [0, 256], sizes = [1, 3840], strides = [1, 1]} : vector<1x4096xf32> to vector<1x3840xf32>
    %max3A_181 = vector.broadcast %sub3A_153 : vector<256x1xf32> to vector<256x3840xf32>
    %max3A_182 = vector.broadcast %slice3A_180 : vector<1x3840xf32> to vector<256x3840xf32>
    %max3A_183 = arith.maximumf %max3A_181, %max3A_182 : vector<256x3840xf32>
    %sub3A_184 = arith.subf %min3A_179, %max3A_183 : vector<256x3840xf32>
    %max3A_185 = arith.constant 0.000000e+00 : f32
    %max3A_186 = vector.broadcast %max3A_185 : f32 to vector<256x3840xf32>
    %max3A_187 = arith.maximumf %sub3A_184, %max3A_186 : vector<256x3840xf32>
    %slice3A_188 = vector.extract_strided_slice %add3A_25 {offsets = [0, 256], sizes = [1, 3840], strides = [1, 1]} : vector<1x4096xf32> to vector<1x3840xf32>
    %min3A_189 = vector.broadcast %add3A_165 : vector<256x1xf32> to vector<256x3840xf32>
    %min3A_190 = vector.broadcast %slice3A_188 : vector<1x3840xf32> to vector<256x3840xf32>
    %min3A_191 = arith.minimumf %min3A_189, %min3A_190 : vector<256x3840xf32>
    %slice3A_192 = vector.extract_strided_slice %sub3A_21 {offsets = [0, 256], sizes = [1, 3840], strides = [1, 1]} : vector<1x4096xf32> to vector<1x3840xf32>
    %max3A_193 = vector.broadcast %sub3A_161 : vector<256x1xf32> to vector<256x3840xf32>
    %max3A_194 = vector.broadcast %slice3A_192 : vector<1x3840xf32> to vector<256x3840xf32>
    %max3A_195 = arith.maximumf %max3A_193, %max3A_194 : vector<256x3840xf32>
    %sub3A_196 = arith.subf %min3A_191, %max3A_195 : vector<256x3840xf32>
    %max3A_197 = arith.constant 0.000000e+00 : f32
    %max3A_198 = vector.broadcast %max3A_197 : f32 to vector<256x3840xf32>
    %max3A_199 = arith.maximumf %sub3A_196, %max3A_198 : vector<256x3840xf32>
    %slice3A_200 = vector.extract_strided_slice %add3A_33 {offsets = [0, 256], sizes = [1, 3840], strides = [1, 1]} : vector<1x4096xf32> to vector<1x3840xf32>
    %min3A_201 = vector.broadcast %add3A_173 : vector<256x1xf32> to vector<256x3840xf32>
    %min3A_202 = vector.broadcast %slice3A_200 : vector<1x3840xf32> to vector<256x3840xf32>
    %min3A_203 = arith.minimumf %min3A_201, %min3A_202 : vector<256x3840xf32>
    %slice3A_204 = vector.extract_strided_slice %sub3A_29 {offsets = [0, 256], sizes = [1, 3840], strides = [1, 1]} : vector<1x4096xf32> to vector<1x3840xf32>
    %max3A_205 = vector.broadcast %sub3A_169 : vector<256x1xf32> to vector<256x3840xf32>
    %max3A_206 = vector.broadcast %slice3A_204 : vector<1x3840xf32> to vector<256x3840xf32>
    %max3A_207 = arith.maximumf %max3A_205, %max3A_206 : vector<256x3840xf32>
    %sub3A_208 = arith.subf %min3A_203, %max3A_207 : vector<256x3840xf32>
    %max3A_209 = arith.constant 0.000000e+00 : f32
    %max3A_210 = vector.broadcast %max3A_209 : f32 to vector<256x3840xf32>
    %max3A_211 = arith.maximumf %sub3A_208, %max3A_210 : vector<256x3840xf32>
    %mul3A_212 = arith.mulf %max3A_187, %max3A_199 : vector<256x3840xf32>
    %mul3A_213 = arith.mulf %mul3A_212, %max3A_211 : vector<256x3840xf32>
    %slice3A_214 = vector.extract_strided_slice %mul3A_34 {offsets = [0, 256], sizes = [1, 3840], strides = [1, 1]} : vector<1x4096xf32> to vector<1x3840xf32>
    %add3A_215 = vector.broadcast %mul3A_175 : vector<256x1xf32> to vector<256x3840xf32>
    %add3A_216 = vector.broadcast %slice3A_214 : vector<1x3840xf32> to vector<256x3840xf32>
    %add3A_217 = arith.addf %add3A_215, %add3A_216 : vector<256x3840xf32>
    %sub3A_218 = arith.subf %add3A_217, %mul3A_213 : vector<256x3840xf32>
    %max3A_219 = arith.constant 9.99999997E-7 : f32
    %max3A_220 = vector.broadcast %max3A_219 : f32 to vector<256x3840xf32>
    %max3A_221 = arith.maximumf %sub3A_218, %max3A_220 : vector<256x3840xf32>
    %div3A_222 = arith.divf %mul3A_213, %max3A_221 : vector<256x3840xf32>
    %gt3A_223 = arith.constant 1.000000e-01 : f32
    %gt3A_224 = vector.broadcast %gt3A_223 : f32 to vector<256x3840xf32>
    %gt3A_225 = arith.cmpf ogt, %div3A_222, %gt3A_224 : vector<256x3840xf32>
    %jit3A_226 = arith.constant 1.000000e+00 : f32
    %jit3A_227 = arith.constant 0.000000e+00 : f32
    %broadcast_in_dim3A_228 = vector.broadcast %jit3A_226 : f32 to vector<256x3840xf32>
    %broadcast_in_dim3A_229 = vector.broadcast %jit3A_227 : f32 to vector<256x3840xf32>
    %select_n3A_230 = arith.select %gt3A_225, %broadcast_in_dim3A_228, %broadcast_in_dim3A_229 : vector<256x3840xi1>, vector<256x3840xf32>
    %slice3A_231 = vector.extract_strided_slice %select_n3A_230 {offsets = [0, 0], sizes = [256, 256], strides = [1, 1]} : vector<256x3840xf32> to vector<256x256xf32>
    %mul3A_232 = arith.mulf %slice3A_231, %select_n3A_46 : vector<256x256xf32>
    %slice3A_233 = vector.extract_strided_slice %select_n3A_140 {offsets = [0, 0], sizes = [1, 256], strides = [1, 1]} : vector<1x3840xf32> to vector<1x256xf32>
    %while3A_234 = arith.constant false
    %while3A_235:2 = scf.while (%while3A_1781 = %slice3A_233, %while3A_1782 = %while3A_234) : (vector<1x256xf32>, i1) -> (vector<1x256xf32>, i1) {
      %not3A = arith.constant true
      %not3A_1783 = arith.xori %while3A_1782, %not3A : i1
      scf.condition(%not3A_1783) %while3A_1781, %while3A_1782 : vector<1x256xf32>, i1
    } do {
    ^bb0(%while3A_1781: vector<1x256xf32>, %while3A_1782: i1):
      %dot_general3A_1783 = arith.constant dense<0.000000e+00> : vector<1x256xf32>
      %dot_general3A_1784 = tpu.matmul %while3A_1781, %mul3A_232, %dot_general3A_1783 {dimension_numbers = #tpu.dot_dimension_numbers<[1], [0], [0], [1], [0, 0, 1, 1], [], []>, transpose_lhs_hint = false} : vector<1x256xf32>, vector<256x256xf32>, vector<1x256xf32> -> vector<1x256xf32>
      %gt3A_1785 = arith.constant 0.000000e+00 : f32
      %gt3A_1786 = vector.broadcast %gt3A_1785 : f32 to vector<1x256xf32>
      %gt3A_1787 = arith.cmpf ogt, %dot_general3A_1784, %gt3A_1786 : vector<1x256xf32>
      %jit3A_1788 = arith.constant 0.000000e+00 : f32
      %broadcast_in_dim3A_1789 = vector.broadcast %jit3A_1788 : f32 to vector<1x256xf32>
      %select_n3A_1790 = arith.select %gt3A_1787, %broadcast_in_dim3A_1789, %slice3A_233 : vector<1x256xi1>, vector<1x256xf32>
      %eq3A_1791 = arith.cmpf oeq, %select_n3A_1790, %while3A_1781 : vector<1x256xf32>
      %reduce_and3A = arith.constant 1.000000e+00 : f32
      %reduce_and3A_1792 = arith.constant 0.000000e+00 : f32
      %reduce_and3A_1793 = vector.broadcast %reduce_and3A : f32 to vector<1x256xf32>
      %reduce_and3A_1794 = vector.broadcast %reduce_and3A_1792 : f32 to vector<1x256xf32>
      %reduce_and3A_1795 = arith.select %eq3A_1791, %reduce_and3A_1793, %reduce_and3A_1794 : vector<1x256xi1>, vector<1x256xf32>
      %reduce_and3A_1796 = vector.shape_cast %reduce_and3A_1795 : vector<1x256xf32> to vector<1x1x256xf32>
      %reduce_and3A_1797 = arith.constant dense<0x7F800000> : vector<1xf32>
      %reduce_and3A_1798 = vector.multi_reduction <minimumf>, %reduce_and3A_1796, %reduce_and3A_1797 [1, 2] : vector<1x1x256xf32> to vector<1xf32>
      %reduce_and3A_1799 = vector.shape_cast %reduce_and3A_1798 : vector<1xf32> to vector<1x1x1xf32>
      %reduce_and3A_1800 = vector.extract %reduce_and3A_1799[0, 0, 0] : f32 from vector<1x1x1xf32>
      %reduce_and3A_1801 = arith.constant 0.000000e+00 : f32
      %reduce_and3A_1802 = arith.cmpf ogt, %reduce_and3A_1800, %reduce_and3A_1801 : f32
      scf.yield %select_n3A_1790, %reduce_and3A_1802 : vector<1x256xf32>, i1
    }
    %slice3A_236 = vector.extract_strided_slice %select_n3A_230 {offsets = [0, 256], sizes = [256, 3584], strides = [1, 1]} : vector<256x3840xf32> to vector<256x3584xf32>
    %dot_general3A_237 = arith.constant dense<0.000000e+00> : vector<1x3584xf32>
    %dot_general3A_238 = tpu.matmul %while3A_235#0, %slice3A_236, %dot_general3A_237 {dimension_numbers = #tpu.dot_dimension_numbers<[1], [0], [0], [1], [0, 0, 1, 1], [], []>, transpose_lhs_hint = false} : vector<1x256xf32>, vector<256x3584xf32>, vector<1x3584xf32> -> vector<1x3584xf32>
    %gt3A_239 = arith.constant 0.000000e+00 : f32
    %gt3A_240 = vector.broadcast %gt3A_239 : f32 to vector<1x3584xf32>
    %gt3A_241 = arith.cmpf ogt, %dot_general3A_238, %gt3A_240 : vector<1x3584xf32>
    %slice3A_242 = vector.extract_strided_slice %select_n3A_140 {offsets = [0, 256], sizes = [1, 3584], strides = [1, 1]} : vector<1x3840xf32> to vector<1x3584xf32>
    %jit3A_243 = arith.constant 0.000000e+00 : f32
    %broadcast_in_dim3A_244 = vector.broadcast %jit3A_243 : f32 to vector<1x3584xf32>
    %select_n3A_245 = arith.select %gt3A_241, %broadcast_in_dim3A_244, %slice3A_242 : vector<1x3584xi1>, vector<1x3584xf32>
    %get3A_246 = arith.constant 512 : index
    %get3A_247 = arith.constant 0 : index
    %get3A_248 = vector.load %arg0[%get3A_246, %get3A_247] : memref<4096x16xf32, #tpu.memory_space<vmem>>, vector<256x16xf32>
    %slice3A_249 = vector.extract_strided_slice %get3A_248 {offsets = [0, 0], sizes = [256, 1], strides = [1, 1]} : vector<256x16xf32> to vector<256x1xf32>
    %slice3A_250 = vector.extract_strided_slice %get3A_248 {offsets = [0, 1], sizes = [256, 1], strides = [1, 1]} : vector<256x16xf32> to vector<256x1xf32>
    %slice3A_251 = vector.extract_strided_slice %get3A_248 {offsets = [0, 2], sizes = [256, 1], strides = [1, 1]} : vector<256x16xf32> to vector<256x1xf32>
    %slice3A_252 = vector.extract_strided_slice %get3A_248 {offsets = [0, 3], sizes = [256, 1], strides = [1, 1]} : vector<256x16xf32> to vector<256x1xf32>
    %slice3A_253 = vector.extract_strided_slice %get3A_248 {offsets = [0, 4], sizes = [256, 1], strides = [1, 1]} : vector<256x16xf32> to vector<256x1xf32>
    %slice3A_254 = vector.extract_strided_slice %get3A_248 {offsets = [0, 5], sizes = [256, 1], strides = [1, 1]} : vector<256x16xf32> to vector<256x1xf32>
    %div3A_255 = arith.constant 2.000000e+00 : f32
    %div3A_256 = vector.broadcast %div3A_255 : f32 to vector<256x1xf32>
    %div3A_257 = arith.divf %slice3A_252, %div3A_256 : vector<256x1xf32>
    %sub3A_258 = arith.subf %slice3A_249, %div3A_257 : vector<256x1xf32>
    %div3A_259 = arith.constant 2.000000e+00 : f32
    %div3A_260 = vector.broadcast %div3A_259 : f32 to vector<256x1xf32>
    %div3A_261 = arith.divf %slice3A_252, %div3A_260 : vector<256x1xf32>
    %add3A_262 = arith.addf %slice3A_249, %div3A_261 : vector<256x1xf32>
    %div3A_263 = arith.constant 2.000000e+00 : f32
    %div3A_264 = vector.broadcast %div3A_263 : f32 to vector<256x1xf32>
    %div3A_265 = arith.divf %slice3A_253, %div3A_264 : vector<256x1xf32>
    %sub3A_266 = arith.subf %slice3A_250, %div3A_265 : vector<256x1xf32>
    %div3A_267 = arith.constant 2.000000e+00 : f32
    %div3A_268 = vector.broadcast %div3A_267 : f32 to vector<256x1xf32>
    %div3A_269 = arith.divf %slice3A_253, %div3A_268 : vector<256x1xf32>
    %add3A_270 = arith.addf %slice3A_250, %div3A_269 : vector<256x1xf32>
    %div3A_271 = arith.constant 2.000000e+00 : f32
    %div3A_272 = vector.broadcast %div3A_271 : f32 to vector<256x1xf32>
    %div3A_273 = arith.divf %slice3A_254, %div3A_272 : vector<256x1xf32>
    %sub3A_274 = arith.subf %slice3A_251, %div3A_273 : vector<256x1xf32>
    %div3A_275 = arith.constant 2.000000e+00 : f32
    %div3A_276 = vector.broadcast %div3A_275 : f32 to vector<256x1xf32>
    %div3A_277 = arith.divf %slice3A_254, %div3A_276 : vector<256x1xf32>
    %add3A_278 = arith.addf %slice3A_251, %div3A_277 : vector<256x1xf32>
    %mul3A_279 = arith.mulf %slice3A_252, %slice3A_253 : vector<256x1xf32>
    %mul3A_280 = arith.mulf %mul3A_279, %slice3A_254 : vector<256x1xf32>
    %slice3A_281 = vector.extract_strided_slice %add3A {offsets = [0, 512], sizes = [1, 3584], strides = [1, 1]} : vector<1x4096xf32> to vector<1x3584xf32>
    %min3A_282 = vector.broadcast %add3A_262 : vector<256x1xf32> to vector<256x3584xf32>
    %min3A_283 = vector.broadcast %slice3A_281 : vector<1x3584xf32> to vector<256x3584xf32>
    %min3A_284 = arith.minimumf %min3A_282, %min3A_283 : vector<256x3584xf32>
    %slice3A_285 = vector.extract_strided_slice %sub3A {offsets = [0, 512], sizes = [1, 3584], strides = [1, 1]} : vector<1x4096xf32> to vector<1x3584xf32>
    %max3A_286 = vector.broadcast %sub3A_258 : vector<256x1xf32> to vector<256x3584xf32>
    %max3A_287 = vector.broadcast %slice3A_285 : vector<1x3584xf32> to vector<256x3584xf32>
    %max3A_288 = arith.maximumf %max3A_286, %max3A_287 : vector<256x3584xf32>
    %sub3A_289 = arith.subf %min3A_284, %max3A_288 : vector<256x3584xf32>
    %max3A_290 = arith.constant 0.000000e+00 : f32
    %max3A_291 = vector.broadcast %max3A_290 : f32 to vector<256x3584xf32>
    %max3A_292 = arith.maximumf %sub3A_289, %max3A_291 : vector<256x3584xf32>
    %slice3A_293 = vector.extract_strided_slice %add3A_25 {offsets = [0, 512], sizes = [1, 3584], strides = [1, 1]} : vector<1x4096xf32> to vector<1x3584xf32>
    %min3A_294 = vector.broadcast %add3A_270 : vector<256x1xf32> to vector<256x3584xf32>
    %min3A_295 = vector.broadcast %slice3A_293 : vector<1x3584xf32> to vector<256x3584xf32>
    %min3A_296 = arith.minimumf %min3A_294, %min3A_295 : vector<256x3584xf32>
    %slice3A_297 = vector.extract_strided_slice %sub3A_21 {offsets = [0, 512], sizes = [1, 3584], strides = [1, 1]} : vector<1x4096xf32> to vector<1x3584xf32>
    %max3A_298 = vector.broadcast %sub3A_266 : vector<256x1xf32> to vector<256x3584xf32>
    %max3A_299 = vector.broadcast %slice3A_297 : vector<1x3584xf32> to vector<256x3584xf32>
    %max3A_300 = arith.maximumf %max3A_298, %max3A_299 : vector<256x3584xf32>
    %sub3A_301 = arith.subf %min3A_296, %max3A_300 : vector<256x3584xf32>
    %max3A_302 = arith.constant 0.000000e+00 : f32
    %max3A_303 = vector.broadcast %max3A_302 : f32 to vector<256x3584xf32>
    %max3A_304 = arith.maximumf %sub3A_301, %max3A_303 : vector<256x3584xf32>
    %slice3A_305 = vector.extract_strided_slice %add3A_33 {offsets = [0, 512], sizes = [1, 3584], strides = [1, 1]} : vector<1x4096xf32> to vector<1x3584xf32>
    %min3A_306 = vector.broadcast %add3A_278 : vector<256x1xf32> to vector<256x3584xf32>
    %min3A_307 = vector.broadcast %slice3A_305 : vector<1x3584xf32> to vector<256x3584xf32>
    %min3A_308 = arith.minimumf %min3A_306, %min3A_307 : vector<256x3584xf32>
    %slice3A_309 = vector.extract_strided_slice %sub3A_29 {offsets = [0, 512], sizes = [1, 3584], strides = [1, 1]} : vector<1x4096xf32> to vector<1x3584xf32>
    %max3A_310 = vector.broadcast %sub3A_274 : vector<256x1xf32> to vector<256x3584xf32>
    %max3A_311 = vector.broadcast %slice3A_309 : vector<1x3584xf32> to vector<256x3584xf32>
    %max3A_312 = arith.maximumf %max3A_310, %max3A_311 : vector<256x3584xf32>
    %sub3A_313 = arith.subf %min3A_308, %max3A_312 : vector<256x3584xf32>
    %max3A_314 = arith.constant 0.000000e+00 : f32
    %max3A_315 = vector.broadcast %max3A_314 : f32 to vector<256x3584xf32>
    %max3A_316 = arith.maximumf %sub3A_313, %max3A_315 : vector<256x3584xf32>
    %mul3A_317 = arith.mulf %max3A_292, %max3A_304 : vector<256x3584xf32>
    %mul3A_318 = arith.mulf %mul3A_317, %max3A_316 : vector<256x3584xf32>
    %slice3A_319 = vector.extract_strided_slice %mul3A_34 {offsets = [0, 512], sizes = [1, 3584], strides = [1, 1]} : vector<1x4096xf32> to vector<1x3584xf32>
    %add3A_320 = vector.broadcast %mul3A_280 : vector<256x1xf32> to vector<256x3584xf32>
    %add3A_321 = vector.broadcast %slice3A_319 : vector<1x3584xf32> to vector<256x3584xf32>
    %add3A_322 = arith.addf %add3A_320, %add3A_321 : vector<256x3584xf32>
    %sub3A_323 = arith.subf %add3A_322, %mul3A_318 : vector<256x3584xf32>
    %max3A_324 = arith.constant 9.99999997E-7 : f32
    %max3A_325 = vector.broadcast %max3A_324 : f32 to vector<256x3584xf32>
    %max3A_326 = arith.maximumf %sub3A_323, %max3A_325 : vector<256x3584xf32>
    %div3A_327 = arith.divf %mul3A_318, %max3A_326 : vector<256x3584xf32>
    %gt3A_328 = arith.constant 1.000000e-01 : f32
    %gt3A_329 = vector.broadcast %gt3A_328 : f32 to vector<256x3584xf32>
    %gt3A_330 = arith.cmpf ogt, %div3A_327, %gt3A_329 : vector<256x3584xf32>
    %jit3A_331 = arith.constant 1.000000e+00 : f32
    %jit3A_332 = arith.constant 0.000000e+00 : f32
    %broadcast_in_dim3A_333 = vector.broadcast %jit3A_331 : f32 to vector<256x3584xf32>
    %broadcast_in_dim3A_334 = vector.broadcast %jit3A_332 : f32 to vector<256x3584xf32>
    %select_n3A_335 = arith.select %gt3A_330, %broadcast_in_dim3A_333, %broadcast_in_dim3A_334 : vector<256x3584xi1>, vector<256x3584xf32>
    %slice3A_336 = vector.extract_strided_slice %select_n3A_335 {offsets = [0, 0], sizes = [256, 256], strides = [1, 1]} : vector<256x3584xf32> to vector<256x256xf32>
    %mul3A_337 = arith.mulf %slice3A_336, %select_n3A_46 : vector<256x256xf32>
    %slice3A_338 = vector.extract_strided_slice %select_n3A_245 {offsets = [0, 0], sizes = [1, 256], strides = [1, 1]} : vector<1x3584xf32> to vector<1x256xf32>
    %while3A_339 = arith.constant false
    %while3A_340:2 = scf.while (%while3A_1781 = %slice3A_338, %while3A_1782 = %while3A_339) : (vector<1x256xf32>, i1) -> (vector<1x256xf32>, i1) {
      %not3A = arith.constant true
      %not3A_1783 = arith.xori %while3A_1782, %not3A : i1
      scf.condition(%not3A_1783) %while3A_1781, %while3A_1782 : vector<1x256xf32>, i1
    } do {
    ^bb0(%while3A_1781: vector<1x256xf32>, %while3A_1782: i1):
      %dot_general3A_1783 = arith.constant dense<0.000000e+00> : vector<1x256xf32>
      %dot_general3A_1784 = tpu.matmul %while3A_1781, %mul3A_337, %dot_general3A_1783 {dimension_numbers = #tpu.dot_dimension_numbers<[1], [0], [0], [1], [0, 0, 1, 1], [], []>, transpose_lhs_hint = false} : vector<1x256xf32>, vector<256x256xf32>, vector<1x256xf32> -> vector<1x256xf32>
      %gt3A_1785 = arith.constant 0.000000e+00 : f32
      %gt3A_1786 = vector.broadcast %gt3A_1785 : f32 to vector<1x256xf32>
      %gt3A_1787 = arith.cmpf ogt, %dot_general3A_1784, %gt3A_1786 : vector<1x256xf32>
      %jit3A_1788 = arith.constant 0.000000e+00 : f32
      %broadcast_in_dim3A_1789 = vector.broadcast %jit3A_1788 : f32 to vector<1x256xf32>
      %select_n3A_1790 = arith.select %gt3A_1787, %broadcast_in_dim3A_1789, %slice3A_338 : vector<1x256xi1>, vector<1x256xf32>
      %eq3A_1791 = arith.cmpf oeq, %select_n3A_1790, %while3A_1781 : vector<1x256xf32>
      %reduce_and3A = arith.constant 1.000000e+00 : f32
      %reduce_and3A_1792 = arith.constant 0.000000e+00 : f32
      %reduce_and3A_1793 = vector.broadcast %reduce_and3A : f32 to vector<1x256xf32>
      %reduce_and3A_1794 = vector.broadcast %reduce_and3A_1792 : f32 to vector<1x256xf32>
      %reduce_and3A_1795 = arith.select %eq3A_1791, %reduce_and3A_1793, %reduce_and3A_1794 : vector<1x256xi1>, vector<1x256xf32>
      %reduce_and3A_1796 = vector.shape_cast %reduce_and3A_1795 : vector<1x256xf32> to vector<1x1x256xf32>
      %reduce_and3A_1797 = arith.constant dense<0x7F800000> : vector<1xf32>
      %reduce_and3A_1798 = vector.multi_reduction <minimumf>, %reduce_and3A_1796, %reduce_and3A_1797 [1, 2] : vector<1x1x256xf32> to vector<1xf32>
      %reduce_and3A_1799 = vector.shape_cast %reduce_and3A_1798 : vector<1xf32> to vector<1x1x1xf32>
      %reduce_and3A_1800 = vector.extract %reduce_and3A_1799[0, 0, 0] : f32 from vector<1x1x1xf32>
      %reduce_and3A_1801 = arith.constant 0.000000e+00 : f32
      %reduce_and3A_1802 = arith.cmpf ogt, %reduce_and3A_1800, %reduce_and3A_1801 : f32
      scf.yield %select_n3A_1790, %reduce_and3A_1802 : vector<1x256xf32>, i1
    }
    %slice3A_341 = vector.extract_strided_slice %select_n3A_335 {offsets = [0, 256], sizes = [256, 3328], strides = [1, 1]} : vector<256x3584xf32> to vector<256x3328xf32>
    %dot_general3A_342 = arith.constant dense<0.000000e+00> : vector<1x3328xf32>
    %dot_general3A_343 = tpu.matmul %while3A_340#0, %slice3A_341, %dot_general3A_342 {dimension_numbers = #tpu.dot_dimension_numbers<[1], [0], [0], [1], [0, 0, 1, 1], [], []>, transpose_lhs_hint = false} : vector<1x256xf32>, vector<256x3328xf32>, vector<1x3328xf32> -> vector<1x3328xf32>
    %gt3A_344 = arith.constant 0.000000e+00 : f32
    %gt3A_345 = vector.broadcast %gt3A_344 : f32 to vector<1x3328xf32>
    %gt3A_346 = arith.cmpf ogt, %dot_general3A_343, %gt3A_345 : vector<1x3328xf32>
    %slice3A_347 = vector.extract_strided_slice %select_n3A_245 {offsets = [0, 256], sizes = [1, 3328], strides = [1, 1]} : vector<1x3584xf32> to vector<1x3328xf32>
    %jit3A_348 = arith.constant 0.000000e+00 : f32
    %broadcast_in_dim3A_349 = vector.broadcast %jit3A_348 : f32 to vector<1x3328xf32>
    %select_n3A_350 = arith.select %gt3A_346, %broadcast_in_dim3A_349, %slice3A_347 : vector<1x3328xi1>, vector<1x3328xf32>
    %get3A_351 = arith.constant 768 : index
    %get3A_352 = arith.constant 0 : index
    %get3A_353 = vector.load %arg0[%get3A_351, %get3A_352] : memref<4096x16xf32, #tpu.memory_space<vmem>>, vector<256x16xf32>
    %slice3A_354 = vector.extract_strided_slice %get3A_353 {offsets = [0, 0], sizes = [256, 1], strides = [1, 1]} : vector<256x16xf32> to vector<256x1xf32>
    %slice3A_355 = vector.extract_strided_slice %get3A_353 {offsets = [0, 1], sizes = [256, 1], strides = [1, 1]} : vector<256x16xf32> to vector<256x1xf32>
    %slice3A_356 = vector.extract_strided_slice %get3A_353 {offsets = [0, 2], sizes = [256, 1], strides = [1, 1]} : vector<256x16xf32> to vector<256x1xf32>
    %slice3A_357 = vector.extract_strided_slice %get3A_353 {offsets = [0, 3], sizes = [256, 1], strides = [1, 1]} : vector<256x16xf32> to vector<256x1xf32>
    %slice3A_358 = vector.extract_strided_slice %get3A_353 {offsets = [0, 4], sizes = [256, 1], strides = [1, 1]} : vector<256x16xf32> to vector<256x1xf32>
    %slice3A_359 = vector.extract_strided_slice %get3A_353 {offsets = [0, 5], sizes = [256, 1], strides = [1, 1]} : vector<256x16xf32> to vector<256x1xf32>
    %div3A_360 = arith.constant 2.000000e+00 : f32
    %div3A_361 = vector.broadcast %div3A_360 : f32 to vector<256x1xf32>
    %div3A_362 = arith.divf %slice3A_357, %div3A_361 : vector<256x1xf32>
    %sub3A_363 = arith.subf %slice3A_354, %div3A_362 : vector<256x1xf32>
    %div3A_364 = arith.constant 2.000000e+00 : f32
    %div3A_365 = vector.broadcast %div3A_364 : f32 to vector<256x1xf32>
    %div3A_366 = arith.divf %slice3A_357, %div3A_365 : vector<256x1xf32>
    %add3A_367 = arith.addf %slice3A_354, %div3A_366 : vector<256x1xf32>
    %div3A_368 = arith.constant 2.000000e+00 : f32
    %div3A_369 = vector.broadcast %div3A_368 : f32 to vector<256x1xf32>
    %div3A_370 = arith.divf %slice3A_358, %div3A_369 : vector<256x1xf32>
    %sub3A_371 = arith.subf %slice3A_355, %div3A_370 : vector<256x1xf32>
    %div3A_372 = arith.constant 2.000000e+00 : f32
    %div3A_373 = vector.broadcast %div3A_372 : f32 to vector<256x1xf32>
    %div3A_374 = arith.divf %slice3A_358, %div3A_373 : vector<256x1xf32>
    %add3A_375 = arith.addf %slice3A_355, %div3A_374 : vector<256x1xf32>
    %div3A_376 = arith.constant 2.000000e+00 : f32
    %div3A_377 = vector.broadcast %div3A_376 : f32 to vector<256x1xf32>
    %div3A_378 = arith.divf %slice3A_359, %div3A_377 : vector<256x1xf32>
    %sub3A_379 = arith.subf %slice3A_356, %div3A_378 : vector<256x1xf32>
    %div3A_380 = arith.constant 2.000000e+00 : f32
    %div3A_381 = vector.broadcast %div3A_380 : f32 to vector<256x1xf32>
    %div3A_382 = arith.divf %slice3A_359, %div3A_381 : vector<256x1xf32>
    %add3A_383 = arith.addf %slice3A_356, %div3A_382 : vector<256x1xf32>
    %mul3A_384 = arith.mulf %slice3A_357, %slice3A_358 : vector<256x1xf32>
    %mul3A_385 = arith.mulf %mul3A_384, %slice3A_359 : vector<256x1xf32>
    %slice3A_386 = vector.extract_strided_slice %add3A {offsets = [0, 768], sizes = [1, 3328], strides = [1, 1]} : vector<1x4096xf32> to vector<1x3328xf32>
    %min3A_387 = vector.broadcast %add3A_367 : vector<256x1xf32> to vector<256x3328xf32>
    %min3A_388 = vector.broadcast %slice3A_386 : vector<1x3328xf32> to vector<256x3328xf32>
    %min3A_389 = arith.minimumf %min3A_387, %min3A_388 : vector<256x3328xf32>
    %slice3A_390 = vector.extract_strided_slice %sub3A {offsets = [0, 768], sizes = [1, 3328], strides = [1, 1]} : vector<1x4096xf32> to vector<1x3328xf32>
    %max3A_391 = vector.broadcast %sub3A_363 : vector<256x1xf32> to vector<256x3328xf32>
    %max3A_392 = vector.broadcast %slice3A_390 : vector<1x3328xf32> to vector<256x3328xf32>
    %max3A_393 = arith.maximumf %max3A_391, %max3A_392 : vector<256x3328xf32>
    %sub3A_394 = arith.subf %min3A_389, %max3A_393 : vector<256x3328xf32>
    %max3A_395 = arith.constant 0.000000e+00 : f32
    %max3A_396 = vector.broadcast %max3A_395 : f32 to vector<256x3328xf32>
    %max3A_397 = arith.maximumf %sub3A_394, %max3A_396 : vector<256x3328xf32>
    %slice3A_398 = vector.extract_strided_slice %add3A_25 {offsets = [0, 768], sizes = [1, 3328], strides = [1, 1]} : vector<1x4096xf32> to vector<1x3328xf32>
    %min3A_399 = vector.broadcast %add3A_375 : vector<256x1xf32> to vector<256x3328xf32>
    %min3A_400 = vector.broadcast %slice3A_398 : vector<1x3328xf32> to vector<256x3328xf32>
    %min3A_401 = arith.minimumf %min3A_399, %min3A_400 : vector<256x3328xf32>
    %slice3A_402 = vector.extract_strided_slice %sub3A_21 {offsets = [0, 768], sizes = [1, 3328], strides = [1, 1]} : vector<1x4096xf32> to vector<1x3328xf32>
    %max3A_403 = vector.broadcast %sub3A_371 : vector<256x1xf32> to vector<256x3328xf32>
    %max3A_404 = vector.broadcast %slice3A_402 : vector<1x3328xf32> to vector<256x3328xf32>
    %max3A_405 = arith.maximumf %max3A_403, %max3A_404 : vector<256x3328xf32>
    %sub3A_406 = arith.subf %min3A_401, %max3A_405 : vector<256x3328xf32>
    %max3A_407 = arith.constant 0.000000e+00 : f32
    %max3A_408 = vector.broadcast %max3A_407 : f32 to vector<256x3328xf32>
    %max3A_409 = arith.maximumf %sub3A_406, %max3A_408 : vector<256x3328xf32>
    %slice3A_410 = vector.extract_strided_slice %add3A_33 {offsets = [0, 768], sizes = [1, 3328], strides = [1, 1]} : vector<1x4096xf32> to vector<1x3328xf32>
    %min3A_411 = vector.broadcast %add3A_383 : vector<256x1xf32> to vector<256x3328xf32>
    %min3A_412 = vector.broadcast %slice3A_410 : vector<1x3328xf32> to vector<256x3328xf32>
    %min3A_413 = arith.minimumf %min3A_411, %min3A_412 : vector<256x3328xf32>
    %slice3A_414 = vector.extract_strided_slice %sub3A_29 {offsets = [0, 768], sizes = [1, 3328], strides = [1, 1]} : vector<1x4096xf32> to vector<1x3328xf32>
    %max3A_415 = vector.broadcast %sub3A_379 : vector<256x1xf32> to vector<256x3328xf32>
    %max3A_416 = vector.broadcast %slice3A_414 : vector<1x3328xf32> to vector<256x3328xf32>
    %max3A_417 = arith.maximumf %max3A_415, %max3A_416 : vector<256x3328xf32>
    %sub3A_418 = arith.subf %min3A_413, %max3A_417 : vector<256x3328xf32>
    %max3A_419 = arith.constant 0.000000e+00 : f32
    %max3A_420 = vector.broadcast %max3A_419 : f32 to vector<256x3328xf32>
    %max3A_421 = arith.maximumf %sub3A_418, %max3A_420 : vector<256x3328xf32>
    %mul3A_422 = arith.mulf %max3A_397, %max3A_409 : vector<256x3328xf32>
    %mul3A_423 = arith.mulf %mul3A_422, %max3A_421 : vector<256x3328xf32>
    %slice3A_424 = vector.extract_strided_slice %mul3A_34 {offsets = [0, 768], sizes = [1, 3328], strides = [1, 1]} : vector<1x4096xf32> to vector<1x3328xf32>
    %add3A_425 = vector.broadcast %mul3A_385 : vector<256x1xf32> to vector<256x3328xf32>
    %add3A_426 = vector.broadcast %slice3A_424 : vector<1x3328xf32> to vector<256x3328xf32>
    %add3A_427 = arith.addf %add3A_425, %add3A_426 : vector<256x3328xf32>
    %sub3A_428 = arith.subf %add3A_427, %mul3A_423 : vector<256x3328xf32>
    %max3A_429 = arith.constant 9.99999997E-7 : f32
    %max3A_430 = vector.broadcast %max3A_429 : f32 to vector<256x3328xf32>
    %max3A_431 = arith.maximumf %sub3A_428, %max3A_430 : vector<256x3328xf32>
    %div3A_432 = arith.divf %mul3A_423, %max3A_431 : vector<256x3328xf32>
    %gt3A_433 = arith.constant 1.000000e-01 : f32
    %gt3A_434 = vector.broadcast %gt3A_433 : f32 to vector<256x3328xf32>
    %gt3A_435 = arith.cmpf ogt, %div3A_432, %gt3A_434 : vector<256x3328xf32>
    %jit3A_436 = arith.constant 1.000000e+00 : f32
    %jit3A_437 = arith.constant 0.000000e+00 : f32
    %broadcast_in_dim3A_438 = vector.broadcast %jit3A_436 : f32 to vector<256x3328xf32>
    %broadcast_in_dim3A_439 = vector.broadcast %jit3A_437 : f32 to vector<256x3328xf32>
    %select_n3A_440 = arith.select %gt3A_435, %broadcast_in_dim3A_438, %broadcast_in_dim3A_439 : vector<256x3328xi1>, vector<256x3328xf32>
    %slice3A_441 = vector.extract_strided_slice %select_n3A_440 {offsets = [0, 0], sizes = [256, 256], strides = [1, 1]} : vector<256x3328xf32> to vector<256x256xf32>
    %mul3A_442 = arith.mulf %slice3A_441, %select_n3A_46 : vector<256x256xf32>
    %slice3A_443 = vector.extract_strided_slice %select_n3A_350 {offsets = [0, 0], sizes = [1, 256], strides = [1, 1]} : vector<1x3328xf32> to vector<1x256xf32>
    %while3A_444 = arith.constant false
    %while3A_445:2 = scf.while (%while3A_1781 = %slice3A_443, %while3A_1782 = %while3A_444) : (vector<1x256xf32>, i1) -> (vector<1x256xf32>, i1) {
      %not3A = arith.constant true
      %not3A_1783 = arith.xori %while3A_1782, %not3A : i1
      scf.condition(%not3A_1783) %while3A_1781, %while3A_1782 : vector<1x256xf32>, i1
    } do {
    ^bb0(%while3A_1781: vector<1x256xf32>, %while3A_1782: i1):
      %dot_general3A_1783 = arith.constant dense<0.000000e+00> : vector<1x256xf32>
      %dot_general3A_1784 = tpu.matmul %while3A_1781, %mul3A_442, %dot_general3A_1783 {dimension_numbers = #tpu.dot_dimension_numbers<[1], [0], [0], [1], [0, 0, 1, 1], [], []>, transpose_lhs_hint = false} : vector<1x256xf32>, vector<256x256xf32>, vector<1x256xf32> -> vector<1x256xf32>
      %gt3A_1785 = arith.constant 0.000000e+00 : f32
      %gt3A_1786 = vector.broadcast %gt3A_1785 : f32 to vector<1x256xf32>
      %gt3A_1787 = arith.cmpf ogt, %dot_general3A_1784, %gt3A_1786 : vector<1x256xf32>
      %jit3A_1788 = arith.constant 0.000000e+00 : f32
      %broadcast_in_dim3A_1789 = vector.broadcast %jit3A_1788 : f32 to vector<1x256xf32>
      %select_n3A_1790 = arith.select %gt3A_1787, %broadcast_in_dim3A_1789, %slice3A_443 : vector<1x256xi1>, vector<1x256xf32>
      %eq3A_1791 = arith.cmpf oeq, %select_n3A_1790, %while3A_1781 : vector<1x256xf32>
      %reduce_and3A = arith.constant 1.000000e+00 : f32
      %reduce_and3A_1792 = arith.constant 0.000000e+00 : f32
      %reduce_and3A_1793 = vector.broadcast %reduce_and3A : f32 to vector<1x256xf32>
      %reduce_and3A_1794 = vector.broadcast %reduce_and3A_1792 : f32 to vector<1x256xf32>
      %reduce_and3A_1795 = arith.select %eq3A_1791, %reduce_and3A_1793, %reduce_and3A_1794 : vector<1x256xi1>, vector<1x256xf32>
      %reduce_and3A_1796 = vector.shape_cast %reduce_and3A_1795 : vector<1x256xf32> to vector<1x1x256xf32>
      %reduce_and3A_1797 = arith.constant dense<0x7F800000> : vector<1xf32>
      %reduce_and3A_1798 = vector.multi_reduction <minimumf>, %reduce_and3A_1796, %reduce_and3A_1797 [1, 2] : vector<1x1x256xf32> to vector<1xf32>
      %reduce_and3A_1799 = vector.shape_cast %reduce_and3A_1798 : vector<1xf32> to vector<1x1x1xf32>
      %reduce_and3A_1800 = vector.extract %reduce_and3A_1799[0, 0, 0] : f32 from vector<1x1x1xf32>
      %reduce_and3A_1801 = arith.constant 0.000000e+00 : f32
      %reduce_and3A_1802 = arith.cmpf ogt, %reduce_and3A_1800, %reduce_and3A_1801 : f32
      scf.yield %select_n3A_1790, %reduce_and3A_1802 : vector<1x256xf32>, i1
    }
    %slice3A_446 = vector.extract_strided_slice %select_n3A_440 {offsets = [0, 256], sizes = [256, 3072], strides = [1, 1]} : vector<256x3328xf32> to vector<256x3072xf32>
    %dot_general3A_447 = arith.constant dense<0.000000e+00> : vector<1x3072xf32>
    %dot_general3A_448 = tpu.matmul %while3A_445#0, %slice3A_446, %dot_general3A_447 {dimension_numbers = #tpu.dot_dimension_numbers<[1], [0], [0], [1], [0, 0, 1, 1], [], []>, transpose_lhs_hint = false} : vector<1x256xf32>, vector<256x3072xf32>, vector<1x3072xf32> -> vector<1x3072xf32>
    %gt3A_449 = arith.constant 0.000000e+00 : f32
    %gt3A_450 = vector.broadcast %gt3A_449 : f32 to vector<1x3072xf32>
    %gt3A_451 = arith.cmpf ogt, %dot_general3A_448, %gt3A_450 : vector<1x3072xf32>
    %slice3A_452 = vector.extract_strided_slice %select_n3A_350 {offsets = [0, 256], sizes = [1, 3072], strides = [1, 1]} : vector<1x3328xf32> to vector<1x3072xf32>
    %jit3A_453 = arith.constant 0.000000e+00 : f32
    %broadcast_in_dim3A_454 = vector.broadcast %jit3A_453 : f32 to vector<1x3072xf32>
    %select_n3A_455 = arith.select %gt3A_451, %broadcast_in_dim3A_454, %slice3A_452 : vector<1x3072xi1>, vector<1x3072xf32>
    %get3A_456 = arith.constant 1024 : index
    %get3A_457 = arith.constant 0 : index
    %get3A_458 = vector.load %arg0[%get3A_456, %get3A_457] : memref<4096x16xf32, #tpu.memory_space<vmem>>, vector<256x16xf32>
    %slice3A_459 = vector.extract_strided_slice %get3A_458 {offsets = [0, 0], sizes = [256, 1], strides = [1, 1]} : vector<256x16xf32> to vector<256x1xf32>
    %slice3A_460 = vector.extract_strided_slice %get3A_458 {offsets = [0, 1], sizes = [256, 1], strides = [1, 1]} : vector<256x16xf32> to vector<256x1xf32>
    %slice3A_461 = vector.extract_strided_slice %get3A_458 {offsets = [0, 2], sizes = [256, 1], strides = [1, 1]} : vector<256x16xf32> to vector<256x1xf32>
    %slice3A_462 = vector.extract_strided_slice %get3A_458 {offsets = [0, 3], sizes = [256, 1], strides = [1, 1]} : vector<256x16xf32> to vector<256x1xf32>
    %slice3A_463 = vector.extract_strided_slice %get3A_458 {offsets = [0, 4], sizes = [256, 1], strides = [1, 1]} : vector<256x16xf32> to vector<256x1xf32>
    %slice3A_464 = vector.extract_strided_slice %get3A_458 {offsets = [0, 5], sizes = [256, 1], strides = [1, 1]} : vector<256x16xf32> to vector<256x1xf32>
    %div3A_465 = arith.constant 2.000000e+00 : f32
    %div3A_466 = vector.broadcast %div3A_465 : f32 to vector<256x1xf32>
    %div3A_467 = arith.divf %slice3A_462, %div3A_466 : vector<256x1xf32>
    %sub3A_468 = arith.subf %slice3A_459, %div3A_467 : vector<256x1xf32>
    %div3A_469 = arith.constant 2.000000e+00 : f32
    %div3A_470 = vector.broadcast %div3A_469 : f32 to vector<256x1xf32>
    %div3A_471 = arith.divf %slice3A_462, %div3A_470 : vector<256x1xf32>
    %add3A_472 = arith.addf %slice3A_459, %div3A_471 : vector<256x1xf32>
    %div3A_473 = arith.constant 2.000000e+00 : f32
    %div3A_474 = vector.broadcast %div3A_473 : f32 to vector<256x1xf32>
    %div3A_475 = arith.divf %slice3A_463, %div3A_474 : vector<256x1xf32>
    %sub3A_476 = arith.subf %slice3A_460, %div3A_475 : vector<256x1xf32>
    %div3A_477 = arith.constant 2.000000e+00 : f32
    %div3A_478 = vector.broadcast %div3A_477 : f32 to vector<256x1xf32>
    %div3A_479 = arith.divf %slice3A_463, %div3A_478 : vector<256x1xf32>
    %add3A_480 = arith.addf %slice3A_460, %div3A_479 : vector<256x1xf32>
    %div3A_481 = arith.constant 2.000000e+00 : f32
    %div3A_482 = vector.broadcast %div3A_481 : f32 to vector<256x1xf32>
    %div3A_483 = arith.divf %slice3A_464, %div3A_482 : vector<256x1xf32>
    %sub3A_484 = arith.subf %slice3A_461, %div3A_483 : vector<256x1xf32>
    %div3A_485 = arith.constant 2.000000e+00 : f32
    %div3A_486 = vector.broadcast %div3A_485 : f32 to vector<256x1xf32>
    %div3A_487 = arith.divf %slice3A_464, %div3A_486 : vector<256x1xf32>
    %add3A_488 = arith.addf %slice3A_461, %div3A_487 : vector<256x1xf32>
    %mul3A_489 = arith.mulf %slice3A_462, %slice3A_463 : vector<256x1xf32>
    %mul3A_490 = arith.mulf %mul3A_489, %slice3A_464 : vector<256x1xf32>
    %slice3A_491 = vector.extract_strided_slice %add3A {offsets = [0, 1024], sizes = [1, 3072], strides = [1, 1]} : vector<1x4096xf32> to vector<1x3072xf32>
    %min3A_492 = vector.broadcast %add3A_472 : vector<256x1xf32> to vector<256x3072xf32>
    %min3A_493 = vector.broadcast %slice3A_491 : vector<1x3072xf32> to vector<256x3072xf32>
    %min3A_494 = arith.minimumf %min3A_492, %min3A_493 : vector<256x3072xf32>
    %slice3A_495 = vector.extract_strided_slice %sub3A {offsets = [0, 1024], sizes = [1, 3072], strides = [1, 1]} : vector<1x4096xf32> to vector<1x3072xf32>
    %max3A_496 = vector.broadcast %sub3A_468 : vector<256x1xf32> to vector<256x3072xf32>
    %max3A_497 = vector.broadcast %slice3A_495 : vector<1x3072xf32> to vector<256x3072xf32>
    %max3A_498 = arith.maximumf %max3A_496, %max3A_497 : vector<256x3072xf32>
    %sub3A_499 = arith.subf %min3A_494, %max3A_498 : vector<256x3072xf32>
    %max3A_500 = arith.constant 0.000000e+00 : f32
    %max3A_501 = vector.broadcast %max3A_500 : f32 to vector<256x3072xf32>
    %max3A_502 = arith.maximumf %sub3A_499, %max3A_501 : vector<256x3072xf32>
    %slice3A_503 = vector.extract_strided_slice %add3A_25 {offsets = [0, 1024], sizes = [1, 3072], strides = [1, 1]} : vector<1x4096xf32> to vector<1x3072xf32>
    %min3A_504 = vector.broadcast %add3A_480 : vector<256x1xf32> to vector<256x3072xf32>
    %min3A_505 = vector.broadcast %slice3A_503 : vector<1x3072xf32> to vector<256x3072xf32>
    %min3A_506 = arith.minimumf %min3A_504, %min3A_505 : vector<256x3072xf32>
    %slice3A_507 = vector.extract_strided_slice %sub3A_21 {offsets = [0, 1024], sizes = [1, 3072], strides = [1, 1]} : vector<1x4096xf32> to vector<1x3072xf32>
    %max3A_508 = vector.broadcast %sub3A_476 : vector<256x1xf32> to vector<256x3072xf32>
    %max3A_509 = vector.broadcast %slice3A_507 : vector<1x3072xf32> to vector<256x3072xf32>
    %max3A_510 = arith.maximumf %max3A_508, %max3A_509 : vector<256x3072xf32>
    %sub3A_511 = arith.subf %min3A_506, %max3A_510 : vector<256x3072xf32>
    %max3A_512 = arith.constant 0.000000e+00 : f32
    %max3A_513 = vector.broadcast %max3A_512 : f32 to vector<256x3072xf32>
    %max3A_514 = arith.maximumf %sub3A_511, %max3A_513 : vector<256x3072xf32>
    %slice3A_515 = vector.extract_strided_slice %add3A_33 {offsets = [0, 1024], sizes = [1, 3072], strides = [1, 1]} : vector<1x4096xf32> to vector<1x3072xf32>
    %min3A_516 = vector.broadcast %add3A_488 : vector<256x1xf32> to vector<256x3072xf32>
    %min3A_517 = vector.broadcast %slice3A_515 : vector<1x3072xf32> to vector<256x3072xf32>
    %min3A_518 = arith.minimumf %min3A_516, %min3A_517 : vector<256x3072xf32>
    %slice3A_519 = vector.extract_strided_slice %sub3A_29 {offsets = [0, 1024], sizes = [1, 3072], strides = [1, 1]} : vector<1x4096xf32> to vector<1x3072xf32>
    %max3A_520 = vector.broadcast %sub3A_484 : vector<256x1xf32> to vector<256x3072xf32>
    %max3A_521 = vector.broadcast %slice3A_519 : vector<1x3072xf32> to vector<256x3072xf32>
    %max3A_522 = arith.maximumf %max3A_520, %max3A_521 : vector<256x3072xf32>
    %sub3A_523 = arith.subf %min3A_518, %max3A_522 : vector<256x3072xf32>
    %max3A_524 = arith.constant 0.000000e+00 : f32
    %max3A_525 = vector.broadcast %max3A_524 : f32 to vector<256x3072xf32>
    %max3A_526 = arith.maximumf %sub3A_523, %max3A_525 : vector<256x3072xf32>
    %mul3A_527 = arith.mulf %max3A_502, %max3A_514 : vector<256x3072xf32>
    %mul3A_528 = arith.mulf %mul3A_527, %max3A_526 : vector<256x3072xf32>
    %slice3A_529 = vector.extract_strided_slice %mul3A_34 {offsets = [0, 1024], sizes = [1, 3072], strides = [1, 1]} : vector<1x4096xf32> to vector<1x3072xf32>
    %add3A_530 = vector.broadcast %mul3A_490 : vector<256x1xf32> to vector<256x3072xf32>
    %add3A_531 = vector.broadcast %slice3A_529 : vector<1x3072xf32> to vector<256x3072xf32>
    %add3A_532 = arith.addf %add3A_530, %add3A_531 : vector<256x3072xf32>
    %sub3A_533 = arith.subf %add3A_532, %mul3A_528 : vector<256x3072xf32>
    %max3A_534 = arith.constant 9.99999997E-7 : f32
    %max3A_535 = vector.broadcast %max3A_534 : f32 to vector<256x3072xf32>
    %max3A_536 = arith.maximumf %sub3A_533, %max3A_535 : vector<256x3072xf32>
    %div3A_537 = arith.divf %mul3A_528, %max3A_536 : vector<256x3072xf32>
    %gt3A_538 = arith.constant 1.000000e-01 : f32
    %gt3A_539 = vector.broadcast %gt3A_538 : f32 to vector<256x3072xf32>
    %gt3A_540 = arith.cmpf ogt, %div3A_537, %gt3A_539 : vector<256x3072xf32>
    %jit3A_541 = arith.constant 1.000000e+00 : f32
    %jit3A_542 = arith.constant 0.000000e+00 : f32
    %broadcast_in_dim3A_543 = vector.broadcast %jit3A_541 : f32 to vector<256x3072xf32>
    %broadcast_in_dim3A_544 = vector.broadcast %jit3A_542 : f32 to vector<256x3072xf32>
    %select_n3A_545 = arith.select %gt3A_540, %broadcast_in_dim3A_543, %broadcast_in_dim3A_544 : vector<256x3072xi1>, vector<256x3072xf32>
    %slice3A_546 = vector.extract_strided_slice %select_n3A_545 {offsets = [0, 0], sizes = [256, 256], strides = [1, 1]} : vector<256x3072xf32> to vector<256x256xf32>
    %mul3A_547 = arith.mulf %slice3A_546, %select_n3A_46 : vector<256x256xf32>
    %slice3A_548 = vector.extract_strided_slice %select_n3A_455 {offsets = [0, 0], sizes = [1, 256], strides = [1, 1]} : vector<1x3072xf32> to vector<1x256xf32>
    %while3A_549 = arith.constant false
    %while3A_550:2 = scf.while (%while3A_1781 = %slice3A_548, %while3A_1782 = %while3A_549) : (vector<1x256xf32>, i1) -> (vector<1x256xf32>, i1) {
      %not3A = arith.constant true
      %not3A_1783 = arith.xori %while3A_1782, %not3A : i1
      scf.condition(%not3A_1783) %while3A_1781, %while3A_1782 : vector<1x256xf32>, i1
    } do {
    ^bb0(%while3A_1781: vector<1x256xf32>, %while3A_1782: i1):
      %dot_general3A_1783 = arith.constant dense<0.000000e+00> : vector<1x256xf32>
      %dot_general3A_1784 = tpu.matmul %while3A_1781, %mul3A_547, %dot_general3A_1783 {dimension_numbers = #tpu.dot_dimension_numbers<[1], [0], [0], [1], [0, 0, 1, 1], [], []>, transpose_lhs_hint = false} : vector<1x256xf32>, vector<256x256xf32>, vector<1x256xf32> -> vector<1x256xf32>
      %gt3A_1785 = arith.constant 0.000000e+00 : f32
      %gt3A_1786 = vector.broadcast %gt3A_1785 : f32 to vector<1x256xf32>
      %gt3A_1787 = arith.cmpf ogt, %dot_general3A_1784, %gt3A_1786 : vector<1x256xf32>
      %jit3A_1788 = arith.constant 0.000000e+00 : f32
      %broadcast_in_dim3A_1789 = vector.broadcast %jit3A_1788 : f32 to vector<1x256xf32>
      %select_n3A_1790 = arith.select %gt3A_1787, %broadcast_in_dim3A_1789, %slice3A_548 : vector<1x256xi1>, vector<1x256xf32>
      %eq3A_1791 = arith.cmpf oeq, %select_n3A_1790, %while3A_1781 : vector<1x256xf32>
      %reduce_and3A = arith.constant 1.000000e+00 : f32
      %reduce_and3A_1792 = arith.constant 0.000000e+00 : f32
      %reduce_and3A_1793 = vector.broadcast %reduce_and3A : f32 to vector<1x256xf32>
      %reduce_and3A_1794 = vector.broadcast %reduce_and3A_1792 : f32 to vector<1x256xf32>
      %reduce_and3A_1795 = arith.select %eq3A_1791, %reduce_and3A_1793, %reduce_and3A_1794 : vector<1x256xi1>, vector<1x256xf32>
      %reduce_and3A_1796 = vector.shape_cast %reduce_and3A_1795 : vector<1x256xf32> to vector<1x1x256xf32>
      %reduce_and3A_1797 = arith.constant dense<0x7F800000> : vector<1xf32>
      %reduce_and3A_1798 = vector.multi_reduction <minimumf>, %reduce_and3A_1796, %reduce_and3A_1797 [1, 2] : vector<1x1x256xf32> to vector<1xf32>
      %reduce_and3A_1799 = vector.shape_cast %reduce_and3A_1798 : vector<1xf32> to vector<1x1x1xf32>
      %reduce_and3A_1800 = vector.extract %reduce_and3A_1799[0, 0, 0] : f32 from vector<1x1x1xf32>
      %reduce_and3A_1801 = arith.constant 0.000000e+00 : f32
      %reduce_and3A_1802 = arith.cmpf ogt, %reduce_and3A_1800, %reduce_and3A_1801 : f32
      scf.yield %select_n3A_1790, %reduce_and3A_1802 : vector<1x256xf32>, i1
    }
    %slice3A_551 = vector.extract_strided_slice %select_n3A_545 {offsets = [0, 256], sizes = [256, 2816], strides = [1, 1]} : vector<256x3072xf32> to vector<256x2816xf32>
    %dot_general3A_552 = arith.constant dense<0.000000e+00> : vector<1x2816xf32>
    %dot_general3A_553 = tpu.matmul %while3A_550#0, %slice3A_551, %dot_general3A_552 {dimension_numbers = #tpu.dot_dimension_numbers<[1], [0], [0], [1], [0, 0, 1, 1], [], []>, transpose_lhs_hint = false} : vector<1x256xf32>, vector<256x2816xf32>, vector<1x2816xf32> -> vector<1x2816xf32>
    %gt3A_554 = arith.constant 0.000000e+00 : f32
    %gt3A_555 = vector.broadcast %gt3A_554 : f32 to vector<1x2816xf32>
    %gt3A_556 = arith.cmpf ogt, %dot_general3A_553, %gt3A_555 : vector<1x2816xf32>
    %slice3A_557 = vector.extract_strided_slice %select_n3A_455 {offsets = [0, 256], sizes = [1, 2816], strides = [1, 1]} : vector<1x3072xf32> to vector<1x2816xf32>
    %jit3A_558 = arith.constant 0.000000e+00 : f32
    %broadcast_in_dim3A_559 = vector.broadcast %jit3A_558 : f32 to vector<1x2816xf32>
    %select_n3A_560 = arith.select %gt3A_556, %broadcast_in_dim3A_559, %slice3A_557 : vector<1x2816xi1>, vector<1x2816xf32>
    %get3A_561 = arith.constant 1280 : index
    %get3A_562 = arith.constant 0 : index
    %get3A_563 = vector.load %arg0[%get3A_561, %get3A_562] : memref<4096x16xf32, #tpu.memory_space<vmem>>, vector<256x16xf32>
    %slice3A_564 = vector.extract_strided_slice %get3A_563 {offsets = [0, 0], sizes = [256, 1], strides = [1, 1]} : vector<256x16xf32> to vector<256x1xf32>
    %slice3A_565 = vector.extract_strided_slice %get3A_563 {offsets = [0, 1], sizes = [256, 1], strides = [1, 1]} : vector<256x16xf32> to vector<256x1xf32>
    %slice3A_566 = vector.extract_strided_slice %get3A_563 {offsets = [0, 2], sizes = [256, 1], strides = [1, 1]} : vector<256x16xf32> to vector<256x1xf32>
    %slice3A_567 = vector.extract_strided_slice %get3A_563 {offsets = [0, 3], sizes = [256, 1], strides = [1, 1]} : vector<256x16xf32> to vector<256x1xf32>
    %slice3A_568 = vector.extract_strided_slice %get3A_563 {offsets = [0, 4], sizes = [256, 1], strides = [1, 1]} : vector<256x16xf32> to vector<256x1xf32>
    %slice3A_569 = vector.extract_strided_slice %get3A_563 {offsets = [0, 5], sizes = [256, 1], strides = [1, 1]} : vector<256x16xf32> to vector<256x1xf32>
    %div3A_570 = arith.constant 2.000000e+00 : f32
    %div3A_571 = vector.broadcast %div3A_570 : f32 to vector<256x1xf32>
    %div3A_572 = arith.divf %slice3A_567, %div3A_571 : vector<256x1xf32>
    %sub3A_573 = arith.subf %slice3A_564, %div3A_572 : vector<256x1xf32>
    %div3A_574 = arith.constant 2.000000e+00 : f32
    %div3A_575 = vector.broadcast %div3A_574 : f32 to vector<256x1xf32>
    %div3A_576 = arith.divf %slice3A_567, %div3A_575 : vector<256x1xf32>
    %add3A_577 = arith.addf %slice3A_564, %div3A_576 : vector<256x1xf32>
    %div3A_578 = arith.constant 2.000000e+00 : f32
    %div3A_579 = vector.broadcast %div3A_578 : f32 to vector<256x1xf32>
    %div3A_580 = arith.divf %slice3A_568, %div3A_579 : vector<256x1xf32>
    %sub3A_581 = arith.subf %slice3A_565, %div3A_580 : vector<256x1xf32>
    %div3A_582 = arith.constant 2.000000e+00 : f32
    %div3A_583 = vector.broadcast %div3A_582 : f32 to vector<256x1xf32>
    %div3A_584 = arith.divf %slice3A_568, %div3A_583 : vector<256x1xf32>
    %add3A_585 = arith.addf %slice3A_565, %div3A_584 : vector<256x1xf32>
    %div3A_586 = arith.constant 2.000000e+00 : f32
    %div3A_587 = vector.broadcast %div3A_586 : f32 to vector<256x1xf32>
    %div3A_588 = arith.divf %slice3A_569, %div3A_587 : vector<256x1xf32>
    %sub3A_589 = arith.subf %slice3A_566, %div3A_588 : vector<256x1xf32>
    %div3A_590 = arith.constant 2.000000e+00 : f32
    %div3A_591 = vector.broadcast %div3A_590 : f32 to vector<256x1xf32>
    %div3A_592 = arith.divf %slice3A_569, %div3A_591 : vector<256x1xf32>
    %add3A_593 = arith.addf %slice3A_566, %div3A_592 : vector<256x1xf32>
    %mul3A_594 = arith.mulf %slice3A_567, %slice3A_568 : vector<256x1xf32>
    %mul3A_595 = arith.mulf %mul3A_594, %slice3A_569 : vector<256x1xf32>
    %slice3A_596 = vector.extract_strided_slice %add3A {offsets = [0, 1280], sizes = [1, 2816], strides = [1, 1]} : vector<1x4096xf32> to vector<1x2816xf32>
    %min3A_597 = vector.broadcast %add3A_577 : vector<256x1xf32> to vector<256x2816xf32>
    %min3A_598 = vector.broadcast %slice3A_596 : vector<1x2816xf32> to vector<256x2816xf32>
    %min3A_599 = arith.minimumf %min3A_597, %min3A_598 : vector<256x2816xf32>
    %slice3A_600 = vector.extract_strided_slice %sub3A {offsets = [0, 1280], sizes = [1, 2816], strides = [1, 1]} : vector<1x4096xf32> to vector<1x2816xf32>
    %max3A_601 = vector.broadcast %sub3A_573 : vector<256x1xf32> to vector<256x2816xf32>
    %max3A_602 = vector.broadcast %slice3A_600 : vector<1x2816xf32> to vector<256x2816xf32>
    %max3A_603 = arith.maximumf %max3A_601, %max3A_602 : vector<256x2816xf32>
    %sub3A_604 = arith.subf %min3A_599, %max3A_603 : vector<256x2816xf32>
    %max3A_605 = arith.constant 0.000000e+00 : f32
    %max3A_606 = vector.broadcast %max3A_605 : f32 to vector<256x2816xf32>
    %max3A_607 = arith.maximumf %sub3A_604, %max3A_606 : vector<256x2816xf32>
    %slice3A_608 = vector.extract_strided_slice %add3A_25 {offsets = [0, 1280], sizes = [1, 2816], strides = [1, 1]} : vector<1x4096xf32> to vector<1x2816xf32>
    %min3A_609 = vector.broadcast %add3A_585 : vector<256x1xf32> to vector<256x2816xf32>
    %min3A_610 = vector.broadcast %slice3A_608 : vector<1x2816xf32> to vector<256x2816xf32>
    %min3A_611 = arith.minimumf %min3A_609, %min3A_610 : vector<256x2816xf32>
    %slice3A_612 = vector.extract_strided_slice %sub3A_21 {offsets = [0, 1280], sizes = [1, 2816], strides = [1, 1]} : vector<1x4096xf32> to vector<1x2816xf32>
    %max3A_613 = vector.broadcast %sub3A_581 : vector<256x1xf32> to vector<256x2816xf32>
    %max3A_614 = vector.broadcast %slice3A_612 : vector<1x2816xf32> to vector<256x2816xf32>
    %max3A_615 = arith.maximumf %max3A_613, %max3A_614 : vector<256x2816xf32>
    %sub3A_616 = arith.subf %min3A_611, %max3A_615 : vector<256x2816xf32>
    %max3A_617 = arith.constant 0.000000e+00 : f32
    %max3A_618 = vector.broadcast %max3A_617 : f32 to vector<256x2816xf32>
    %max3A_619 = arith.maximumf %sub3A_616, %max3A_618 : vector<256x2816xf32>
    %slice3A_620 = vector.extract_strided_slice %add3A_33 {offsets = [0, 1280], sizes = [1, 2816], strides = [1, 1]} : vector<1x4096xf32> to vector<1x2816xf32>
    %min3A_621 = vector.broadcast %add3A_593 : vector<256x1xf32> to vector<256x2816xf32>
    %min3A_622 = vector.broadcast %slice3A_620 : vector<1x2816xf32> to vector<256x2816xf32>
    %min3A_623 = arith.minimumf %min3A_621, %min3A_622 : vector<256x2816xf32>
    %slice3A_624 = vector.extract_strided_slice %sub3A_29 {offsets = [0, 1280], sizes = [1, 2816], strides = [1, 1]} : vector<1x4096xf32> to vector<1x2816xf32>
    %max3A_625 = vector.broadcast %sub3A_589 : vector<256x1xf32> to vector<256x2816xf32>
    %max3A_626 = vector.broadcast %slice3A_624 : vector<1x2816xf32> to vector<256x2816xf32>
    %max3A_627 = arith.maximumf %max3A_625, %max3A_626 : vector<256x2816xf32>
    %sub3A_628 = arith.subf %min3A_623, %max3A_627 : vector<256x2816xf32>
    %max3A_629 = arith.constant 0.000000e+00 : f32
    %max3A_630 = vector.broadcast %max3A_629 : f32 to vector<256x2816xf32>
    %max3A_631 = arith.maximumf %sub3A_628, %max3A_630 : vector<256x2816xf32>
    %mul3A_632 = arith.mulf %max3A_607, %max3A_619 : vector<256x2816xf32>
    %mul3A_633 = arith.mulf %mul3A_632, %max3A_631 : vector<256x2816xf32>
    %slice3A_634 = vector.extract_strided_slice %mul3A_34 {offsets = [0, 1280], sizes = [1, 2816], strides = [1, 1]} : vector<1x4096xf32> to vector<1x2816xf32>
    %add3A_635 = vector.broadcast %mul3A_595 : vector<256x1xf32> to vector<256x2816xf32>
    %add3A_636 = vector.broadcast %slice3A_634 : vector<1x2816xf32> to vector<256x2816xf32>
    %add3A_637 = arith.addf %add3A_635, %add3A_636 : vector<256x2816xf32>
    %sub3A_638 = arith.subf %add3A_637, %mul3A_633 : vector<256x2816xf32>
    %max3A_639 = arith.constant 9.99999997E-7 : f32
    %max3A_640 = vector.broadcast %max3A_639 : f32 to vector<256x2816xf32>
    %max3A_641 = arith.maximumf %sub3A_638, %max3A_640 : vector<256x2816xf32>
    %div3A_642 = arith.divf %mul3A_633, %max3A_641 : vector<256x2816xf32>
    %gt3A_643 = arith.constant 1.000000e-01 : f32
    %gt3A_644 = vector.broadcast %gt3A_643 : f32 to vector<256x2816xf32>
    %gt3A_645 = arith.cmpf ogt, %div3A_642, %gt3A_644 : vector<256x2816xf32>
    %jit3A_646 = arith.constant 1.000000e+00 : f32
    %jit3A_647 = arith.constant 0.000000e+00 : f32
    %broadcast_in_dim3A_648 = vector.broadcast %jit3A_646 : f32 to vector<256x2816xf32>
    %broadcast_in_dim3A_649 = vector.broadcast %jit3A_647 : f32 to vector<256x2816xf32>
    %select_n3A_650 = arith.select %gt3A_645, %broadcast_in_dim3A_648, %broadcast_in_dim3A_649 : vector<256x2816xi1>, vector<256x2816xf32>
    %slice3A_651 = vector.extract_strided_slice %select_n3A_650 {offsets = [0, 0], sizes = [256, 256], strides = [1, 1]} : vector<256x2816xf32> to vector<256x256xf32>
    %mul3A_652 = arith.mulf %slice3A_651, %select_n3A_46 : vector<256x256xf32>
    %slice3A_653 = vector.extract_strided_slice %select_n3A_560 {offsets = [0, 0], sizes = [1, 256], strides = [1, 1]} : vector<1x2816xf32> to vector<1x256xf32>
    %while3A_654 = arith.constant false
    %while3A_655:2 = scf.while (%while3A_1781 = %slice3A_653, %while3A_1782 = %while3A_654) : (vector<1x256xf32>, i1) -> (vector<1x256xf32>, i1) {
      %not3A = arith.constant true
      %not3A_1783 = arith.xori %while3A_1782, %not3A : i1
      scf.condition(%not3A_1783) %while3A_1781, %while3A_1782 : vector<1x256xf32>, i1
    } do {
    ^bb0(%while3A_1781: vector<1x256xf32>, %while3A_1782: i1):
      %dot_general3A_1783 = arith.constant dense<0.000000e+00> : vector<1x256xf32>
      %dot_general3A_1784 = tpu.matmul %while3A_1781, %mul3A_652, %dot_general3A_1783 {dimension_numbers = #tpu.dot_dimension_numbers<[1], [0], [0], [1], [0, 0, 1, 1], [], []>, transpose_lhs_hint = false} : vector<1x256xf32>, vector<256x256xf32>, vector<1x256xf32> -> vector<1x256xf32>
      %gt3A_1785 = arith.constant 0.000000e+00 : f32
      %gt3A_1786 = vector.broadcast %gt3A_1785 : f32 to vector<1x256xf32>
      %gt3A_1787 = arith.cmpf ogt, %dot_general3A_1784, %gt3A_1786 : vector<1x256xf32>
      %jit3A_1788 = arith.constant 0.000000e+00 : f32
      %broadcast_in_dim3A_1789 = vector.broadcast %jit3A_1788 : f32 to vector<1x256xf32>
      %select_n3A_1790 = arith.select %gt3A_1787, %broadcast_in_dim3A_1789, %slice3A_653 : vector<1x256xi1>, vector<1x256xf32>
      %eq3A_1791 = arith.cmpf oeq, %select_n3A_1790, %while3A_1781 : vector<1x256xf32>
      %reduce_and3A = arith.constant 1.000000e+00 : f32
      %reduce_and3A_1792 = arith.constant 0.000000e+00 : f32
      %reduce_and3A_1793 = vector.broadcast %reduce_and3A : f32 to vector<1x256xf32>
      %reduce_and3A_1794 = vector.broadcast %reduce_and3A_1792 : f32 to vector<1x256xf32>
      %reduce_and3A_1795 = arith.select %eq3A_1791, %reduce_and3A_1793, %reduce_and3A_1794 : vector<1x256xi1>, vector<1x256xf32>
      %reduce_and3A_1796 = vector.shape_cast %reduce_and3A_1795 : vector<1x256xf32> to vector<1x1x256xf32>
      %reduce_and3A_1797 = arith.constant dense<0x7F800000> : vector<1xf32>
      %reduce_and3A_1798 = vector.multi_reduction <minimumf>, %reduce_and3A_1796, %reduce_and3A_1797 [1, 2] : vector<1x1x256xf32> to vector<1xf32>
      %reduce_and3A_1799 = vector.shape_cast %reduce_and3A_1798 : vector<1xf32> to vector<1x1x1xf32>
      %reduce_and3A_1800 = vector.extract %reduce_and3A_1799[0, 0, 0] : f32 from vector<1x1x1xf32>
      %reduce_and3A_1801 = arith.constant 0.000000e+00 : f32
      %reduce_and3A_1802 = arith.cmpf ogt, %reduce_and3A_1800, %reduce_and3A_1801 : f32
      scf.yield %select_n3A_1790, %reduce_and3A_1802 : vector<1x256xf32>, i1
    }
    %slice3A_656 = vector.extract_strided_slice %select_n3A_650 {offsets = [0, 256], sizes = [256, 2560], strides = [1, 1]} : vector<256x2816xf32> to vector<256x2560xf32>
    %dot_general3A_657 = arith.constant dense<0.000000e+00> : vector<1x2560xf32>
    %dot_general3A_658 = tpu.matmul %while3A_655#0, %slice3A_656, %dot_general3A_657 {dimension_numbers = #tpu.dot_dimension_numbers<[1], [0], [0], [1], [0, 0, 1, 1], [], []>, transpose_lhs_hint = false} : vector<1x256xf32>, vector<256x2560xf32>, vector<1x2560xf32> -> vector<1x2560xf32>
    %gt3A_659 = arith.constant 0.000000e+00 : f32
    %gt3A_660 = vector.broadcast %gt3A_659 : f32 to vector<1x2560xf32>
    %gt3A_661 = arith.cmpf ogt, %dot_general3A_658, %gt3A_660 : vector<1x2560xf32>
    %slice3A_662 = vector.extract_strided_slice %select_n3A_560 {offsets = [0, 256], sizes = [1, 2560], strides = [1, 1]} : vector<1x2816xf32> to vector<1x2560xf32>
    %jit3A_663 = arith.constant 0.000000e+00 : f32
    %broadcast_in_dim3A_664 = vector.broadcast %jit3A_663 : f32 to vector<1x2560xf32>
    %select_n3A_665 = arith.select %gt3A_661, %broadcast_in_dim3A_664, %slice3A_662 : vector<1x2560xi1>, vector<1x2560xf32>
    %get3A_666 = arith.constant 1536 : index
    %get3A_667 = arith.constant 0 : index
    %get3A_668 = vector.load %arg0[%get3A_666, %get3A_667] : memref<4096x16xf32, #tpu.memory_space<vmem>>, vector<256x16xf32>
    %slice3A_669 = vector.extract_strided_slice %get3A_668 {offsets = [0, 0], sizes = [256, 1], strides = [1, 1]} : vector<256x16xf32> to vector<256x1xf32>
    %slice3A_670 = vector.extract_strided_slice %get3A_668 {offsets = [0, 1], sizes = [256, 1], strides = [1, 1]} : vector<256x16xf32> to vector<256x1xf32>
    %slice3A_671 = vector.extract_strided_slice %get3A_668 {offsets = [0, 2], sizes = [256, 1], strides = [1, 1]} : vector<256x16xf32> to vector<256x1xf32>
    %slice3A_672 = vector.extract_strided_slice %get3A_668 {offsets = [0, 3], sizes = [256, 1], strides = [1, 1]} : vector<256x16xf32> to vector<256x1xf32>
    %slice3A_673 = vector.extract_strided_slice %get3A_668 {offsets = [0, 4], sizes = [256, 1], strides = [1, 1]} : vector<256x16xf32> to vector<256x1xf32>
    %slice3A_674 = vector.extract_strided_slice %get3A_668 {offsets = [0, 5], sizes = [256, 1], strides = [1, 1]} : vector<256x16xf32> to vector<256x1xf32>
    %div3A_675 = arith.constant 2.000000e+00 : f32
    %div3A_676 = vector.broadcast %div3A_675 : f32 to vector<256x1xf32>
    %div3A_677 = arith.divf %slice3A_672, %div3A_676 : vector<256x1xf32>
    %sub3A_678 = arith.subf %slice3A_669, %div3A_677 : vector<256x1xf32>
    %div3A_679 = arith.constant 2.000000e+00 : f32
    %div3A_680 = vector.broadcast %div3A_679 : f32 to vector<256x1xf32>
    %div3A_681 = arith.divf %slice3A_672, %div3A_680 : vector<256x1xf32>
    %add3A_682 = arith.addf %slice3A_669, %div3A_681 : vector<256x1xf32>
    %div3A_683 = arith.constant 2.000000e+00 : f32
    %div3A_684 = vector.broadcast %div3A_683 : f32 to vector<256x1xf32>
    %div3A_685 = arith.divf %slice3A_673, %div3A_684 : vector<256x1xf32>
    %sub3A_686 = arith.subf %slice3A_670, %div3A_685 : vector<256x1xf32>
    %div3A_687 = arith.constant 2.000000e+00 : f32
    %div3A_688 = vector.broadcast %div3A_687 : f32 to vector<256x1xf32>
    %div3A_689 = arith.divf %slice3A_673, %div3A_688 : vector<256x1xf32>
    %add3A_690 = arith.addf %slice3A_670, %div3A_689 : vector<256x1xf32>
    %div3A_691 = arith.constant 2.000000e+00 : f32
    %div3A_692 = vector.broadcast %div3A_691 : f32 to vector<256x1xf32>
    %div3A_693 = arith.divf %slice3A_674, %div3A_692 : vector<256x1xf32>
    %sub3A_694 = arith.subf %slice3A_671, %div3A_693 : vector<256x1xf32>
    %div3A_695 = arith.constant 2.000000e+00 : f32
    %div3A_696 = vector.broadcast %div3A_695 : f32 to vector<256x1xf32>
    %div3A_697 = arith.divf %slice3A_674, %div3A_696 : vector<256x1xf32>
    %add3A_698 = arith.addf %slice3A_671, %div3A_697 : vector<256x1xf32>
    %mul3A_699 = arith.mulf %slice3A_672, %slice3A_673 : vector<256x1xf32>
    %mul3A_700 = arith.mulf %mul3A_699, %slice3A_674 : vector<256x1xf32>
    %slice3A_701 = vector.extract_strided_slice %add3A {offsets = [0, 1536], sizes = [1, 2560], strides = [1, 1]} : vector<1x4096xf32> to vector<1x2560xf32>
    %min3A_702 = vector.broadcast %add3A_682 : vector<256x1xf32> to vector<256x2560xf32>
    %min3A_703 = vector.broadcast %slice3A_701 : vector<1x2560xf32> to vector<256x2560xf32>
    %min3A_704 = arith.minimumf %min3A_702, %min3A_703 : vector<256x2560xf32>
    %slice3A_705 = vector.extract_strided_slice %sub3A {offsets = [0, 1536], sizes = [1, 2560], strides = [1, 1]} : vector<1x4096xf32> to vector<1x2560xf32>
    %max3A_706 = vector.broadcast %sub3A_678 : vector<256x1xf32> to vector<256x2560xf32>
    %max3A_707 = vector.broadcast %slice3A_705 : vector<1x2560xf32> to vector<256x2560xf32>
    %max3A_708 = arith.maximumf %max3A_706, %max3A_707 : vector<256x2560xf32>
    %sub3A_709 = arith.subf %min3A_704, %max3A_708 : vector<256x2560xf32>
    %max3A_710 = arith.constant 0.000000e+00 : f32
    %max3A_711 = vector.broadcast %max3A_710 : f32 to vector<256x2560xf32>
    %max3A_712 = arith.maximumf %sub3A_709, %max3A_711 : vector<256x2560xf32>
    %slice3A_713 = vector.extract_strided_slice %add3A_25 {offsets = [0, 1536], sizes = [1, 2560], strides = [1, 1]} : vector<1x4096xf32> to vector<1x2560xf32>
    %min3A_714 = vector.broadcast %add3A_690 : vector<256x1xf32> to vector<256x2560xf32>
    %min3A_715 = vector.broadcast %slice3A_713 : vector<1x2560xf32> to vector<256x2560xf32>
    %min3A_716 = arith.minimumf %min3A_714, %min3A_715 : vector<256x2560xf32>
    %slice3A_717 = vector.extract_strided_slice %sub3A_21 {offsets = [0, 1536], sizes = [1, 2560], strides = [1, 1]} : vector<1x4096xf32> to vector<1x2560xf32>
    %max3A_718 = vector.broadcast %sub3A_686 : vector<256x1xf32> to vector<256x2560xf32>
    %max3A_719 = vector.broadcast %slice3A_717 : vector<1x2560xf32> to vector<256x2560xf32>
    %max3A_720 = arith.maximumf %max3A_718, %max3A_719 : vector<256x2560xf32>
    %sub3A_721 = arith.subf %min3A_716, %max3A_720 : vector<256x2560xf32>
    %max3A_722 = arith.constant 0.000000e+00 : f32
    %max3A_723 = vector.broadcast %max3A_722 : f32 to vector<256x2560xf32>
    %max3A_724 = arith.maximumf %sub3A_721, %max3A_723 : vector<256x2560xf32>
    %slice3A_725 = vector.extract_strided_slice %add3A_33 {offsets = [0, 1536], sizes = [1, 2560], strides = [1, 1]} : vector<1x4096xf32> to vector<1x2560xf32>
    %min3A_726 = vector.broadcast %add3A_698 : vector<256x1xf32> to vector<256x2560xf32>
    %min3A_727 = vector.broadcast %slice3A_725 : vector<1x2560xf32> to vector<256x2560xf32>
    %min3A_728 = arith.minimumf %min3A_726, %min3A_727 : vector<256x2560xf32>
    %slice3A_729 = vector.extract_strided_slice %sub3A_29 {offsets = [0, 1536], sizes = [1, 2560], strides = [1, 1]} : vector<1x4096xf32> to vector<1x2560xf32>
    %max3A_730 = vector.broadcast %sub3A_694 : vector<256x1xf32> to vector<256x2560xf32>
    %max3A_731 = vector.broadcast %slice3A_729 : vector<1x2560xf32> to vector<256x2560xf32>
    %max3A_732 = arith.maximumf %max3A_730, %max3A_731 : vector<256x2560xf32>
    %sub3A_733 = arith.subf %min3A_728, %max3A_732 : vector<256x2560xf32>
    %max3A_734 = arith.constant 0.000000e+00 : f32
    %max3A_735 = vector.broadcast %max3A_734 : f32 to vector<256x2560xf32>
    %max3A_736 = arith.maximumf %sub3A_733, %max3A_735 : vector<256x2560xf32>
    %mul3A_737 = arith.mulf %max3A_712, %max3A_724 : vector<256x2560xf32>
    %mul3A_738 = arith.mulf %mul3A_737, %max3A_736 : vector<256x2560xf32>
    %slice3A_739 = vector.extract_strided_slice %mul3A_34 {offsets = [0, 1536], sizes = [1, 2560], strides = [1, 1]} : vector<1x4096xf32> to vector<1x2560xf32>
    %add3A_740 = vector.broadcast %mul3A_700 : vector<256x1xf32> to vector<256x2560xf32>
    %add3A_741 = vector.broadcast %slice3A_739 : vector<1x2560xf32> to vector<256x2560xf32>
    %add3A_742 = arith.addf %add3A_740, %add3A_741 : vector<256x2560xf32>
    %sub3A_743 = arith.subf %add3A_742, %mul3A_738 : vector<256x2560xf32>
    %max3A_744 = arith.constant 9.99999997E-7 : f32
    %max3A_745 = vector.broadcast %max3A_744 : f32 to vector<256x2560xf32>
    %max3A_746 = arith.maximumf %sub3A_743, %max3A_745 : vector<256x2560xf32>
    %div3A_747 = arith.divf %mul3A_738, %max3A_746 : vector<256x2560xf32>
    %gt3A_748 = arith.constant 1.000000e-01 : f32
    %gt3A_749 = vector.broadcast %gt3A_748 : f32 to vector<256x2560xf32>
    %gt3A_750 = arith.cmpf ogt, %div3A_747, %gt3A_749 : vector<256x2560xf32>
    %jit3A_751 = arith.constant 1.000000e+00 : f32
    %jit3A_752 = arith.constant 0.000000e+00 : f32
    %broadcast_in_dim3A_753 = vector.broadcast %jit3A_751 : f32 to vector<256x2560xf32>
    %broadcast_in_dim3A_754 = vector.broadcast %jit3A_752 : f32 to vector<256x2560xf32>
    %select_n3A_755 = arith.select %gt3A_750, %broadcast_in_dim3A_753, %broadcast_in_dim3A_754 : vector<256x2560xi1>, vector<256x2560xf32>
    %slice3A_756 = vector.extract_strided_slice %select_n3A_755 {offsets = [0, 0], sizes = [256, 256], strides = [1, 1]} : vector<256x2560xf32> to vector<256x256xf32>
    %mul3A_757 = arith.mulf %slice3A_756, %select_n3A_46 : vector<256x256xf32>
    %slice3A_758 = vector.extract_strided_slice %select_n3A_665 {offsets = [0, 0], sizes = [1, 256], strides = [1, 1]} : vector<1x2560xf32> to vector<1x256xf32>
    %while3A_759 = arith.constant false
    %while3A_760:2 = scf.while (%while3A_1781 = %slice3A_758, %while3A_1782 = %while3A_759) : (vector<1x256xf32>, i1) -> (vector<1x256xf32>, i1) {
      %not3A = arith.constant true
      %not3A_1783 = arith.xori %while3A_1782, %not3A : i1
      scf.condition(%not3A_1783) %while3A_1781, %while3A_1782 : vector<1x256xf32>, i1
    } do {
    ^bb0(%while3A_1781: vector<1x256xf32>, %while3A_1782: i1):
      %dot_general3A_1783 = arith.constant dense<0.000000e+00> : vector<1x256xf32>
      %dot_general3A_1784 = tpu.matmul %while3A_1781, %mul3A_757, %dot_general3A_1783 {dimension_numbers = #tpu.dot_dimension_numbers<[1], [0], [0], [1], [0, 0, 1, 1], [], []>, transpose_lhs_hint = false} : vector<1x256xf32>, vector<256x256xf32>, vector<1x256xf32> -> vector<1x256xf32>
      %gt3A_1785 = arith.constant 0.000000e+00 : f32
      %gt3A_1786 = vector.broadcast %gt3A_1785 : f32 to vector<1x256xf32>
      %gt3A_1787 = arith.cmpf ogt, %dot_general3A_1784, %gt3A_1786 : vector<1x256xf32>
      %jit3A_1788 = arith.constant 0.000000e+00 : f32
      %broadcast_in_dim3A_1789 = vector.broadcast %jit3A_1788 : f32 to vector<1x256xf32>
      %select_n3A_1790 = arith.select %gt3A_1787, %broadcast_in_dim3A_1789, %slice3A_758 : vector<1x256xi1>, vector<1x256xf32>
      %eq3A_1791 = arith.cmpf oeq, %select_n3A_1790, %while3A_1781 : vector<1x256xf32>
      %reduce_and3A = arith.constant 1.000000e+00 : f32
      %reduce_and3A_1792 = arith.constant 0.000000e+00 : f32
      %reduce_and3A_1793 = vector.broadcast %reduce_and3A : f32 to vector<1x256xf32>
      %reduce_and3A_1794 = vector.broadcast %reduce_and3A_1792 : f32 to vector<1x256xf32>
      %reduce_and3A_1795 = arith.select %eq3A_1791, %reduce_and3A_1793, %reduce_and3A_1794 : vector<1x256xi1>, vector<1x256xf32>
      %reduce_and3A_1796 = vector.shape_cast %reduce_and3A_1795 : vector<1x256xf32> to vector<1x1x256xf32>
      %reduce_and3A_1797 = arith.constant dense<0x7F800000> : vector<1xf32>
      %reduce_and3A_1798 = vector.multi_reduction <minimumf>, %reduce_and3A_1796, %reduce_and3A_1797 [1, 2] : vector<1x1x256xf32> to vector<1xf32>
      %reduce_and3A_1799 = vector.shape_cast %reduce_and3A_1798 : vector<1xf32> to vector<1x1x1xf32>
      %reduce_and3A_1800 = vector.extract %reduce_and3A_1799[0, 0, 0] : f32 from vector<1x1x1xf32>
      %reduce_and3A_1801 = arith.constant 0.000000e+00 : f32
      %reduce_and3A_1802 = arith.cmpf ogt, %reduce_and3A_1800, %reduce_and3A_1801 : f32
      scf.yield %select_n3A_1790, %reduce_and3A_1802 : vector<1x256xf32>, i1
    }
    %slice3A_761 = vector.extract_strided_slice %select_n3A_755 {offsets = [0, 256], sizes = [256, 2304], strides = [1, 1]} : vector<256x2560xf32> to vector<256x2304xf32>
    %dot_general3A_762 = arith.constant dense<0.000000e+00> : vector<1x2304xf32>
    %dot_general3A_763 = tpu.matmul %while3A_760#0, %slice3A_761, %dot_general3A_762 {dimension_numbers = #tpu.dot_dimension_numbers<[1], [0], [0], [1], [0, 0, 1, 1], [], []>, transpose_lhs_hint = false} : vector<1x256xf32>, vector<256x2304xf32>, vector<1x2304xf32> -> vector<1x2304xf32>
    %gt3A_764 = arith.constant 0.000000e+00 : f32
    %gt3A_765 = vector.broadcast %gt3A_764 : f32 to vector<1x2304xf32>
    %gt3A_766 = arith.cmpf ogt, %dot_general3A_763, %gt3A_765 : vector<1x2304xf32>
    %slice3A_767 = vector.extract_strided_slice %select_n3A_665 {offsets = [0, 256], sizes = [1, 2304], strides = [1, 1]} : vector<1x2560xf32> to vector<1x2304xf32>
    %jit3A_768 = arith.constant 0.000000e+00 : f32
    %broadcast_in_dim3A_769 = vector.broadcast %jit3A_768 : f32 to vector<1x2304xf32>
    %select_n3A_770 = arith.select %gt3A_766, %broadcast_in_dim3A_769, %slice3A_767 : vector<1x2304xi1>, vector<1x2304xf32>
    %get3A_771 = arith.constant 1792 : index
    %get3A_772 = arith.constant 0 : index
    %get3A_773 = vector.load %arg0[%get3A_771, %get3A_772] : memref<4096x16xf32, #tpu.memory_space<vmem>>, vector<256x16xf32>
    %slice3A_774 = vector.extract_strided_slice %get3A_773 {offsets = [0, 0], sizes = [256, 1], strides = [1, 1]} : vector<256x16xf32> to vector<256x1xf32>
    %slice3A_775 = vector.extract_strided_slice %get3A_773 {offsets = [0, 1], sizes = [256, 1], strides = [1, 1]} : vector<256x16xf32> to vector<256x1xf32>
    %slice3A_776 = vector.extract_strided_slice %get3A_773 {offsets = [0, 2], sizes = [256, 1], strides = [1, 1]} : vector<256x16xf32> to vector<256x1xf32>
    %slice3A_777 = vector.extract_strided_slice %get3A_773 {offsets = [0, 3], sizes = [256, 1], strides = [1, 1]} : vector<256x16xf32> to vector<256x1xf32>
    %slice3A_778 = vector.extract_strided_slice %get3A_773 {offsets = [0, 4], sizes = [256, 1], strides = [1, 1]} : vector<256x16xf32> to vector<256x1xf32>
    %slice3A_779 = vector.extract_strided_slice %get3A_773 {offsets = [0, 5], sizes = [256, 1], strides = [1, 1]} : vector<256x16xf32> to vector<256x1xf32>
    %div3A_780 = arith.constant 2.000000e+00 : f32
    %div3A_781 = vector.broadcast %div3A_780 : f32 to vector<256x1xf32>
    %div3A_782 = arith.divf %slice3A_777, %div3A_781 : vector<256x1xf32>
    %sub3A_783 = arith.subf %slice3A_774, %div3A_782 : vector<256x1xf32>
    %div3A_784 = arith.constant 2.000000e+00 : f32
    %div3A_785 = vector.broadcast %div3A_784 : f32 to vector<256x1xf32>
    %div3A_786 = arith.divf %slice3A_777, %div3A_785 : vector<256x1xf32>
    %add3A_787 = arith.addf %slice3A_774, %div3A_786 : vector<256x1xf32>
    %div3A_788 = arith.constant 2.000000e+00 : f32
    %div3A_789 = vector.broadcast %div3A_788 : f32 to vector<256x1xf32>
    %div3A_790 = arith.divf %slice3A_778, %div3A_789 : vector<256x1xf32>
    %sub3A_791 = arith.subf %slice3A_775, %div3A_790 : vector<256x1xf32>
    %div3A_792 = arith.constant 2.000000e+00 : f32
    %div3A_793 = vector.broadcast %div3A_792 : f32 to vector<256x1xf32>
    %div3A_794 = arith.divf %slice3A_778, %div3A_793 : vector<256x1xf32>
    %add3A_795 = arith.addf %slice3A_775, %div3A_794 : vector<256x1xf32>
    %div3A_796 = arith.constant 2.000000e+00 : f32
    %div3A_797 = vector.broadcast %div3A_796 : f32 to vector<256x1xf32>
    %div3A_798 = arith.divf %slice3A_779, %div3A_797 : vector<256x1xf32>
    %sub3A_799 = arith.subf %slice3A_776, %div3A_798 : vector<256x1xf32>
    %div3A_800 = arith.constant 2.000000e+00 : f32
    %div3A_801 = vector.broadcast %div3A_800 : f32 to vector<256x1xf32>
    %div3A_802 = arith.divf %slice3A_779, %div3A_801 : vector<256x1xf32>
    %add3A_803 = arith.addf %slice3A_776, %div3A_802 : vector<256x1xf32>
    %mul3A_804 = arith.mulf %slice3A_777, %slice3A_778 : vector<256x1xf32>
    %mul3A_805 = arith.mulf %mul3A_804, %slice3A_779 : vector<256x1xf32>
    %slice3A_806 = vector.extract_strided_slice %add3A {offsets = [0, 1792], sizes = [1, 2304], strides = [1, 1]} : vector<1x4096xf32> to vector<1x2304xf32>
    %min3A_807 = vector.broadcast %add3A_787 : vector<256x1xf32> to vector<256x2304xf32>
    %min3A_808 = vector.broadcast %slice3A_806 : vector<1x2304xf32> to vector<256x2304xf32>
    %min3A_809 = arith.minimumf %min3A_807, %min3A_808 : vector<256x2304xf32>
    %slice3A_810 = vector.extract_strided_slice %sub3A {offsets = [0, 1792], sizes = [1, 2304], strides = [1, 1]} : vector<1x4096xf32> to vector<1x2304xf32>
    %max3A_811 = vector.broadcast %sub3A_783 : vector<256x1xf32> to vector<256x2304xf32>
    %max3A_812 = vector.broadcast %slice3A_810 : vector<1x2304xf32> to vector<256x2304xf32>
    %max3A_813 = arith.maximumf %max3A_811, %max3A_812 : vector<256x2304xf32>
    %sub3A_814 = arith.subf %min3A_809, %max3A_813 : vector<256x2304xf32>
    %max3A_815 = arith.constant 0.000000e+00 : f32
    %max3A_816 = vector.broadcast %max3A_815 : f32 to vector<256x2304xf32>
    %max3A_817 = arith.maximumf %sub3A_814, %max3A_816 : vector<256x2304xf32>
    %slice3A_818 = vector.extract_strided_slice %add3A_25 {offsets = [0, 1792], sizes = [1, 2304], strides = [1, 1]} : vector<1x4096xf32> to vector<1x2304xf32>
    %min3A_819 = vector.broadcast %add3A_795 : vector<256x1xf32> to vector<256x2304xf32>
    %min3A_820 = vector.broadcast %slice3A_818 : vector<1x2304xf32> to vector<256x2304xf32>
    %min3A_821 = arith.minimumf %min3A_819, %min3A_820 : vector<256x2304xf32>
    %slice3A_822 = vector.extract_strided_slice %sub3A_21 {offsets = [0, 1792], sizes = [1, 2304], strides = [1, 1]} : vector<1x4096xf32> to vector<1x2304xf32>
    %max3A_823 = vector.broadcast %sub3A_791 : vector<256x1xf32> to vector<256x2304xf32>
    %max3A_824 = vector.broadcast %slice3A_822 : vector<1x2304xf32> to vector<256x2304xf32>
    %max3A_825 = arith.maximumf %max3A_823, %max3A_824 : vector<256x2304xf32>
    %sub3A_826 = arith.subf %min3A_821, %max3A_825 : vector<256x2304xf32>
    %max3A_827 = arith.constant 0.000000e+00 : f32
    %max3A_828 = vector.broadcast %max3A_827 : f32 to vector<256x2304xf32>
    %max3A_829 = arith.maximumf %sub3A_826, %max3A_828 : vector<256x2304xf32>
    %slice3A_830 = vector.extract_strided_slice %add3A_33 {offsets = [0, 1792], sizes = [1, 2304], strides = [1, 1]} : vector<1x4096xf32> to vector<1x2304xf32>
    %min3A_831 = vector.broadcast %add3A_803 : vector<256x1xf32> to vector<256x2304xf32>
    %min3A_832 = vector.broadcast %slice3A_830 : vector<1x2304xf32> to vector<256x2304xf32>
    %min3A_833 = arith.minimumf %min3A_831, %min3A_832 : vector<256x2304xf32>
    %slice3A_834 = vector.extract_strided_slice %sub3A_29 {offsets = [0, 1792], sizes = [1, 2304], strides = [1, 1]} : vector<1x4096xf32> to vector<1x2304xf32>
    %max3A_835 = vector.broadcast %sub3A_799 : vector<256x1xf32> to vector<256x2304xf32>
    %max3A_836 = vector.broadcast %slice3A_834 : vector<1x2304xf32> to vector<256x2304xf32>
    %max3A_837 = arith.maximumf %max3A_835, %max3A_836 : vector<256x2304xf32>
    %sub3A_838 = arith.subf %min3A_833, %max3A_837 : vector<256x2304xf32>
    %max3A_839 = arith.constant 0.000000e+00 : f32
    %max3A_840 = vector.broadcast %max3A_839 : f32 to vector<256x2304xf32>
    %max3A_841 = arith.maximumf %sub3A_838, %max3A_840 : vector<256x2304xf32>
    %mul3A_842 = arith.mulf %max3A_817, %max3A_829 : vector<256x2304xf32>
    %mul3A_843 = arith.mulf %mul3A_842, %max3A_841 : vector<256x2304xf32>
    %slice3A_844 = vector.extract_strided_slice %mul3A_34 {offsets = [0, 1792], sizes = [1, 2304], strides = [1, 1]} : vector<1x4096xf32> to vector<1x2304xf32>
    %add3A_845 = vector.broadcast %mul3A_805 : vector<256x1xf32> to vector<256x2304xf32>
    %add3A_846 = vector.broadcast %slice3A_844 : vector<1x2304xf32> to vector<256x2304xf32>
    %add3A_847 = arith.addf %add3A_845, %add3A_846 : vector<256x2304xf32>
    %sub3A_848 = arith.subf %add3A_847, %mul3A_843 : vector<256x2304xf32>
    %max3A_849 = arith.constant 9.99999997E-7 : f32
    %max3A_850 = vector.broadcast %max3A_849 : f32 to vector<256x2304xf32>
    %max3A_851 = arith.maximumf %sub3A_848, %max3A_850 : vector<256x2304xf32>
    %div3A_852 = arith.divf %mul3A_843, %max3A_851 : vector<256x2304xf32>
    %gt3A_853 = arith.constant 1.000000e-01 : f32
    %gt3A_854 = vector.broadcast %gt3A_853 : f32 to vector<256x2304xf32>
    %gt3A_855 = arith.cmpf ogt, %div3A_852, %gt3A_854 : vector<256x2304xf32>
    %jit3A_856 = arith.constant 1.000000e+00 : f32
    %jit3A_857 = arith.constant 0.000000e+00 : f32
    %broadcast_in_dim3A_858 = vector.broadcast %jit3A_856 : f32 to vector<256x2304xf32>
    %broadcast_in_dim3A_859 = vector.broadcast %jit3A_857 : f32 to vector<256x2304xf32>
    %select_n3A_860 = arith.select %gt3A_855, %broadcast_in_dim3A_858, %broadcast_in_dim3A_859 : vector<256x2304xi1>, vector<256x2304xf32>
    %slice3A_861 = vector.extract_strided_slice %select_n3A_860 {offsets = [0, 0], sizes = [256, 256], strides = [1, 1]} : vector<256x2304xf32> to vector<256x256xf32>
    %mul3A_862 = arith.mulf %slice3A_861, %select_n3A_46 : vector<256x256xf32>
    %slice3A_863 = vector.extract_strided_slice %select_n3A_770 {offsets = [0, 0], sizes = [1, 256], strides = [1, 1]} : vector<1x2304xf32> to vector<1x256xf32>
    %while3A_864 = arith.constant false
    %while3A_865:2 = scf.while (%while3A_1781 = %slice3A_863, %while3A_1782 = %while3A_864) : (vector<1x256xf32>, i1) -> (vector<1x256xf32>, i1) {
      %not3A = arith.constant true
      %not3A_1783 = arith.xori %while3A_1782, %not3A : i1
      scf.condition(%not3A_1783) %while3A_1781, %while3A_1782 : vector<1x256xf32>, i1
    } do {
    ^bb0(%while3A_1781: vector<1x256xf32>, %while3A_1782: i1):
      %dot_general3A_1783 = arith.constant dense<0.000000e+00> : vector<1x256xf32>
      %dot_general3A_1784 = tpu.matmul %while3A_1781, %mul3A_862, %dot_general3A_1783 {dimension_numbers = #tpu.dot_dimension_numbers<[1], [0], [0], [1], [0, 0, 1, 1], [], []>, transpose_lhs_hint = false} : vector<1x256xf32>, vector<256x256xf32>, vector<1x256xf32> -> vector<1x256xf32>
      %gt3A_1785 = arith.constant 0.000000e+00 : f32
      %gt3A_1786 = vector.broadcast %gt3A_1785 : f32 to vector<1x256xf32>
      %gt3A_1787 = arith.cmpf ogt, %dot_general3A_1784, %gt3A_1786 : vector<1x256xf32>
      %jit3A_1788 = arith.constant 0.000000e+00 : f32
      %broadcast_in_dim3A_1789 = vector.broadcast %jit3A_1788 : f32 to vector<1x256xf32>
      %select_n3A_1790 = arith.select %gt3A_1787, %broadcast_in_dim3A_1789, %slice3A_863 : vector<1x256xi1>, vector<1x256xf32>
      %eq3A_1791 = arith.cmpf oeq, %select_n3A_1790, %while3A_1781 : vector<1x256xf32>
      %reduce_and3A = arith.constant 1.000000e+00 : f32
      %reduce_and3A_1792 = arith.constant 0.000000e+00 : f32
      %reduce_and3A_1793 = vector.broadcast %reduce_and3A : f32 to vector<1x256xf32>
      %reduce_and3A_1794 = vector.broadcast %reduce_and3A_1792 : f32 to vector<1x256xf32>
      %reduce_and3A_1795 = arith.select %eq3A_1791, %reduce_and3A_1793, %reduce_and3A_1794 : vector<1x256xi1>, vector<1x256xf32>
      %reduce_and3A_1796 = vector.shape_cast %reduce_and3A_1795 : vector<1x256xf32> to vector<1x1x256xf32>
      %reduce_and3A_1797 = arith.constant dense<0x7F800000> : vector<1xf32>
      %reduce_and3A_1798 = vector.multi_reduction <minimumf>, %reduce_and3A_1796, %reduce_and3A_1797 [1, 2] : vector<1x1x256xf32> to vector<1xf32>
      %reduce_and3A_1799 = vector.shape_cast %reduce_and3A_1798 : vector<1xf32> to vector<1x1x1xf32>
      %reduce_and3A_1800 = vector.extract %reduce_and3A_1799[0, 0, 0] : f32 from vector<1x1x1xf32>
      %reduce_and3A_1801 = arith.constant 0.000000e+00 : f32
      %reduce_and3A_1802 = arith.cmpf ogt, %reduce_and3A_1800, %reduce_and3A_1801 : f32
      scf.yield %select_n3A_1790, %reduce_and3A_1802 : vector<1x256xf32>, i1
    }
    %slice3A_866 = vector.extract_strided_slice %select_n3A_860 {offsets = [0, 256], sizes = [256, 2048], strides = [1, 1]} : vector<256x2304xf32> to vector<256x2048xf32>
    %dot_general3A_867 = arith.constant dense<0.000000e+00> : vector<1x2048xf32>
    %dot_general3A_868 = tpu.matmul %while3A_865#0, %slice3A_866, %dot_general3A_867 {dimension_numbers = #tpu.dot_dimension_numbers<[1], [0], [0], [1], [0, 0, 1, 1], [], []>, transpose_lhs_hint = false} : vector<1x256xf32>, vector<256x2048xf32>, vector<1x2048xf32> -> vector<1x2048xf32>
    %gt3A_869 = arith.constant 0.000000e+00 : f32
    %gt3A_870 = vector.broadcast %gt3A_869 : f32 to vector<1x2048xf32>
    %gt3A_871 = arith.cmpf ogt, %dot_general3A_868, %gt3A_870 : vector<1x2048xf32>
    %slice3A_872 = vector.extract_strided_slice %select_n3A_770 {offsets = [0, 256], sizes = [1, 2048], strides = [1, 1]} : vector<1x2304xf32> to vector<1x2048xf32>
    %jit3A_873 = arith.constant 0.000000e+00 : f32
    %broadcast_in_dim3A_874 = vector.broadcast %jit3A_873 : f32 to vector<1x2048xf32>
    %select_n3A_875 = arith.select %gt3A_871, %broadcast_in_dim3A_874, %slice3A_872 : vector<1x2048xi1>, vector<1x2048xf32>
    %get3A_876 = arith.constant 2048 : index
    %get3A_877 = arith.constant 0 : index
    %get3A_878 = vector.load %arg0[%get3A_876, %get3A_877] : memref<4096x16xf32, #tpu.memory_space<vmem>>, vector<256x16xf32>
    %slice3A_879 = vector.extract_strided_slice %get3A_878 {offsets = [0, 0], sizes = [256, 1], strides = [1, 1]} : vector<256x16xf32> to vector<256x1xf32>
    %slice3A_880 = vector.extract_strided_slice %get3A_878 {offsets = [0, 1], sizes = [256, 1], strides = [1, 1]} : vector<256x16xf32> to vector<256x1xf32>
    %slice3A_881 = vector.extract_strided_slice %get3A_878 {offsets = [0, 2], sizes = [256, 1], strides = [1, 1]} : vector<256x16xf32> to vector<256x1xf32>
    %slice3A_882 = vector.extract_strided_slice %get3A_878 {offsets = [0, 3], sizes = [256, 1], strides = [1, 1]} : vector<256x16xf32> to vector<256x1xf32>
    %slice3A_883 = vector.extract_strided_slice %get3A_878 {offsets = [0, 4], sizes = [256, 1], strides = [1, 1]} : vector<256x16xf32> to vector<256x1xf32>
    %slice3A_884 = vector.extract_strided_slice %get3A_878 {offsets = [0, 5], sizes = [256, 1], strides = [1, 1]} : vector<256x16xf32> to vector<256x1xf32>
    %div3A_885 = arith.constant 2.000000e+00 : f32
    %div3A_886 = vector.broadcast %div3A_885 : f32 to vector<256x1xf32>
    %div3A_887 = arith.divf %slice3A_882, %div3A_886 : vector<256x1xf32>
    %sub3A_888 = arith.subf %slice3A_879, %div3A_887 : vector<256x1xf32>
    %div3A_889 = arith.constant 2.000000e+00 : f32
    %div3A_890 = vector.broadcast %div3A_889 : f32 to vector<256x1xf32>
    %div3A_891 = arith.divf %slice3A_882, %div3A_890 : vector<256x1xf32>
    %add3A_892 = arith.addf %slice3A_879, %div3A_891 : vector<256x1xf32>
    %div3A_893 = arith.constant 2.000000e+00 : f32
    %div3A_894 = vector.broadcast %div3A_893 : f32 to vector<256x1xf32>
    %div3A_895 = arith.divf %slice3A_883, %div3A_894 : vector<256x1xf32>
    %sub3A_896 = arith.subf %slice3A_880, %div3A_895 : vector<256x1xf32>
    %div3A_897 = arith.constant 2.000000e+00 : f32
    %div3A_898 = vector.broadcast %div3A_897 : f32 to vector<256x1xf32>
    %div3A_899 = arith.divf %slice3A_883, %div3A_898 : vector<256x1xf32>
    %add3A_900 = arith.addf %slice3A_880, %div3A_899 : vector<256x1xf32>
    %div3A_901 = arith.constant 2.000000e+00 : f32
    %div3A_902 = vector.broadcast %div3A_901 : f32 to vector<256x1xf32>
    %div3A_903 = arith.divf %slice3A_884, %div3A_902 : vector<256x1xf32>
    %sub3A_904 = arith.subf %slice3A_881, %div3A_903 : vector<256x1xf32>
    %div3A_905 = arith.constant 2.000000e+00 : f32
    %div3A_906 = vector.broadcast %div3A_905 : f32 to vector<256x1xf32>
    %div3A_907 = arith.divf %slice3A_884, %div3A_906 : vector<256x1xf32>
    %add3A_908 = arith.addf %slice3A_881, %div3A_907 : vector<256x1xf32>
    %mul3A_909 = arith.mulf %slice3A_882, %slice3A_883 : vector<256x1xf32>
    %mul3A_910 = arith.mulf %mul3A_909, %slice3A_884 : vector<256x1xf32>
    %slice3A_911 = vector.extract_strided_slice %add3A {offsets = [0, 2048], sizes = [1, 2048], strides = [1, 1]} : vector<1x4096xf32> to vector<1x2048xf32>
    %min3A_912 = vector.broadcast %add3A_892 : vector<256x1xf32> to vector<256x2048xf32>
    %min3A_913 = vector.broadcast %slice3A_911 : vector<1x2048xf32> to vector<256x2048xf32>
    %min3A_914 = arith.minimumf %min3A_912, %min3A_913 : vector<256x2048xf32>
    %slice3A_915 = vector.extract_strided_slice %sub3A {offsets = [0, 2048], sizes = [1, 2048], strides = [1, 1]} : vector<1x4096xf32> to vector<1x2048xf32>
    %max3A_916 = vector.broadcast %sub3A_888 : vector<256x1xf32> to vector<256x2048xf32>
    %max3A_917 = vector.broadcast %slice3A_915 : vector<1x2048xf32> to vector<256x2048xf32>
    %max3A_918 = arith.maximumf %max3A_916, %max3A_917 : vector<256x2048xf32>
    %sub3A_919 = arith.subf %min3A_914, %max3A_918 : vector<256x2048xf32>
    %max3A_920 = arith.constant 0.000000e+00 : f32
    %max3A_921 = vector.broadcast %max3A_920 : f32 to vector<256x2048xf32>
    %max3A_922 = arith.maximumf %sub3A_919, %max3A_921 : vector<256x2048xf32>
    %slice3A_923 = vector.extract_strided_slice %add3A_25 {offsets = [0, 2048], sizes = [1, 2048], strides = [1, 1]} : vector<1x4096xf32> to vector<1x2048xf32>
    %min3A_924 = vector.broadcast %add3A_900 : vector<256x1xf32> to vector<256x2048xf32>
    %min3A_925 = vector.broadcast %slice3A_923 : vector<1x2048xf32> to vector<256x2048xf32>
    %min3A_926 = arith.minimumf %min3A_924, %min3A_925 : vector<256x2048xf32>
    %slice3A_927 = vector.extract_strided_slice %sub3A_21 {offsets = [0, 2048], sizes = [1, 2048], strides = [1, 1]} : vector<1x4096xf32> to vector<1x2048xf32>
    %max3A_928 = vector.broadcast %sub3A_896 : vector<256x1xf32> to vector<256x2048xf32>
    %max3A_929 = vector.broadcast %slice3A_927 : vector<1x2048xf32> to vector<256x2048xf32>
    %max3A_930 = arith.maximumf %max3A_928, %max3A_929 : vector<256x2048xf32>
    %sub3A_931 = arith.subf %min3A_926, %max3A_930 : vector<256x2048xf32>
    %max3A_932 = arith.constant 0.000000e+00 : f32
    %max3A_933 = vector.broadcast %max3A_932 : f32 to vector<256x2048xf32>
    %max3A_934 = arith.maximumf %sub3A_931, %max3A_933 : vector<256x2048xf32>
    %slice3A_935 = vector.extract_strided_slice %add3A_33 {offsets = [0, 2048], sizes = [1, 2048], strides = [1, 1]} : vector<1x4096xf32> to vector<1x2048xf32>
    %min3A_936 = vector.broadcast %add3A_908 : vector<256x1xf32> to vector<256x2048xf32>
    %min3A_937 = vector.broadcast %slice3A_935 : vector<1x2048xf32> to vector<256x2048xf32>
    %min3A_938 = arith.minimumf %min3A_936, %min3A_937 : vector<256x2048xf32>
    %slice3A_939 = vector.extract_strided_slice %sub3A_29 {offsets = [0, 2048], sizes = [1, 2048], strides = [1, 1]} : vector<1x4096xf32> to vector<1x2048xf32>
    %max3A_940 = vector.broadcast %sub3A_904 : vector<256x1xf32> to vector<256x2048xf32>
    %max3A_941 = vector.broadcast %slice3A_939 : vector<1x2048xf32> to vector<256x2048xf32>
    %max3A_942 = arith.maximumf %max3A_940, %max3A_941 : vector<256x2048xf32>
    %sub3A_943 = arith.subf %min3A_938, %max3A_942 : vector<256x2048xf32>
    %max3A_944 = arith.constant 0.000000e+00 : f32
    %max3A_945 = vector.broadcast %max3A_944 : f32 to vector<256x2048xf32>
    %max3A_946 = arith.maximumf %sub3A_943, %max3A_945 : vector<256x2048xf32>
    %mul3A_947 = arith.mulf %max3A_922, %max3A_934 : vector<256x2048xf32>
    %mul3A_948 = arith.mulf %mul3A_947, %max3A_946 : vector<256x2048xf32>
    %slice3A_949 = vector.extract_strided_slice %mul3A_34 {offsets = [0, 2048], sizes = [1, 2048], strides = [1, 1]} : vector<1x4096xf32> to vector<1x2048xf32>
    %add3A_950 = vector.broadcast %mul3A_910 : vector<256x1xf32> to vector<256x2048xf32>
    %add3A_951 = vector.broadcast %slice3A_949 : vector<1x2048xf32> to vector<256x2048xf32>
    %add3A_952 = arith.addf %add3A_950, %add3A_951 : vector<256x2048xf32>
    %sub3A_953 = arith.subf %add3A_952, %mul3A_948 : vector<256x2048xf32>
    %max3A_954 = arith.constant 9.99999997E-7 : f32
    %max3A_955 = vector.broadcast %max3A_954 : f32 to vector<256x2048xf32>
    %max3A_956 = arith.maximumf %sub3A_953, %max3A_955 : vector<256x2048xf32>
    %div3A_957 = arith.divf %mul3A_948, %max3A_956 : vector<256x2048xf32>
    %gt3A_958 = arith.constant 1.000000e-01 : f32
    %gt3A_959 = vector.broadcast %gt3A_958 : f32 to vector<256x2048xf32>
    %gt3A_960 = arith.cmpf ogt, %div3A_957, %gt3A_959 : vector<256x2048xf32>
    %jit3A_961 = arith.constant 1.000000e+00 : f32
    %jit3A_962 = arith.constant 0.000000e+00 : f32
    %broadcast_in_dim3A_963 = vector.broadcast %jit3A_961 : f32 to vector<256x2048xf32>
    %broadcast_in_dim3A_964 = vector.broadcast %jit3A_962 : f32 to vector<256x2048xf32>
    %select_n3A_965 = arith.select %gt3A_960, %broadcast_in_dim3A_963, %broadcast_in_dim3A_964 : vector<256x2048xi1>, vector<256x2048xf32>
    %slice3A_966 = vector.extract_strided_slice %select_n3A_965 {offsets = [0, 0], sizes = [256, 256], strides = [1, 1]} : vector<256x2048xf32> to vector<256x256xf32>
    %mul3A_967 = arith.mulf %slice3A_966, %select_n3A_46 : vector<256x256xf32>
    %slice3A_968 = vector.extract_strided_slice %select_n3A_875 {offsets = [0, 0], sizes = [1, 256], strides = [1, 1]} : vector<1x2048xf32> to vector<1x256xf32>
    %while3A_969 = arith.constant false
    %while3A_970:2 = scf.while (%while3A_1781 = %slice3A_968, %while3A_1782 = %while3A_969) : (vector<1x256xf32>, i1) -> (vector<1x256xf32>, i1) {
      %not3A = arith.constant true
      %not3A_1783 = arith.xori %while3A_1782, %not3A : i1
      scf.condition(%not3A_1783) %while3A_1781, %while3A_1782 : vector<1x256xf32>, i1
    } do {
    ^bb0(%while3A_1781: vector<1x256xf32>, %while3A_1782: i1):
      %dot_general3A_1783 = arith.constant dense<0.000000e+00> : vector<1x256xf32>
      %dot_general3A_1784 = tpu.matmul %while3A_1781, %mul3A_967, %dot_general3A_1783 {dimension_numbers = #tpu.dot_dimension_numbers<[1], [0], [0], [1], [0, 0, 1, 1], [], []>, transpose_lhs_hint = false} : vector<1x256xf32>, vector<256x256xf32>, vector<1x256xf32> -> vector<1x256xf32>
      %gt3A_1785 = arith.constant 0.000000e+00 : f32
      %gt3A_1786 = vector.broadcast %gt3A_1785 : f32 to vector<1x256xf32>
      %gt3A_1787 = arith.cmpf ogt, %dot_general3A_1784, %gt3A_1786 : vector<1x256xf32>
      %jit3A_1788 = arith.constant 0.000000e+00 : f32
      %broadcast_in_dim3A_1789 = vector.broadcast %jit3A_1788 : f32 to vector<1x256xf32>
      %select_n3A_1790 = arith.select %gt3A_1787, %broadcast_in_dim3A_1789, %slice3A_968 : vector<1x256xi1>, vector<1x256xf32>
      %eq3A_1791 = arith.cmpf oeq, %select_n3A_1790, %while3A_1781 : vector<1x256xf32>
      %reduce_and3A = arith.constant 1.000000e+00 : f32
      %reduce_and3A_1792 = arith.constant 0.000000e+00 : f32
      %reduce_and3A_1793 = vector.broadcast %reduce_and3A : f32 to vector<1x256xf32>
      %reduce_and3A_1794 = vector.broadcast %reduce_and3A_1792 : f32 to vector<1x256xf32>
      %reduce_and3A_1795 = arith.select %eq3A_1791, %reduce_and3A_1793, %reduce_and3A_1794 : vector<1x256xi1>, vector<1x256xf32>
      %reduce_and3A_1796 = vector.shape_cast %reduce_and3A_1795 : vector<1x256xf32> to vector<1x1x256xf32>
      %reduce_and3A_1797 = arith.constant dense<0x7F800000> : vector<1xf32>
      %reduce_and3A_1798 = vector.multi_reduction <minimumf>, %reduce_and3A_1796, %reduce_and3A_1797 [1, 2] : vector<1x1x256xf32> to vector<1xf32>
      %reduce_and3A_1799 = vector.shape_cast %reduce_and3A_1798 : vector<1xf32> to vector<1x1x1xf32>
      %reduce_and3A_1800 = vector.extract %reduce_and3A_1799[0, 0, 0] : f32 from vector<1x1x1xf32>
      %reduce_and3A_1801 = arith.constant 0.000000e+00 : f32
      %reduce_and3A_1802 = arith.cmpf ogt, %reduce_and3A_1800, %reduce_and3A_1801 : f32
      scf.yield %select_n3A_1790, %reduce_and3A_1802 : vector<1x256xf32>, i1
    }
    %slice3A_971 = vector.extract_strided_slice %select_n3A_965 {offsets = [0, 256], sizes = [256, 1792], strides = [1, 1]} : vector<256x2048xf32> to vector<256x1792xf32>
    %dot_general3A_972 = arith.constant dense<0.000000e+00> : vector<1x1792xf32>
    %dot_general3A_973 = tpu.matmul %while3A_970#0, %slice3A_971, %dot_general3A_972 {dimension_numbers = #tpu.dot_dimension_numbers<[1], [0], [0], [1], [0, 0, 1, 1], [], []>, transpose_lhs_hint = false} : vector<1x256xf32>, vector<256x1792xf32>, vector<1x1792xf32> -> vector<1x1792xf32>
    %gt3A_974 = arith.constant 0.000000e+00 : f32
    %gt3A_975 = vector.broadcast %gt3A_974 : f32 to vector<1x1792xf32>
    %gt3A_976 = arith.cmpf ogt, %dot_general3A_973, %gt3A_975 : vector<1x1792xf32>
    %slice3A_977 = vector.extract_strided_slice %select_n3A_875 {offsets = [0, 256], sizes = [1, 1792], strides = [1, 1]} : vector<1x2048xf32> to vector<1x1792xf32>
    %jit3A_978 = arith.constant 0.000000e+00 : f32
    %broadcast_in_dim3A_979 = vector.broadcast %jit3A_978 : f32 to vector<1x1792xf32>
    %select_n3A_980 = arith.select %gt3A_976, %broadcast_in_dim3A_979, %slice3A_977 : vector<1x1792xi1>, vector<1x1792xf32>
    %get3A_981 = arith.constant 2304 : index
    %get3A_982 = arith.constant 0 : index
    %get3A_983 = vector.load %arg0[%get3A_981, %get3A_982] : memref<4096x16xf32, #tpu.memory_space<vmem>>, vector<256x16xf32>
    %slice3A_984 = vector.extract_strided_slice %get3A_983 {offsets = [0, 0], sizes = [256, 1], strides = [1, 1]} : vector<256x16xf32> to vector<256x1xf32>
    %slice3A_985 = vector.extract_strided_slice %get3A_983 {offsets = [0, 1], sizes = [256, 1], strides = [1, 1]} : vector<256x16xf32> to vector<256x1xf32>
    %slice3A_986 = vector.extract_strided_slice %get3A_983 {offsets = [0, 2], sizes = [256, 1], strides = [1, 1]} : vector<256x16xf32> to vector<256x1xf32>
    %slice3A_987 = vector.extract_strided_slice %get3A_983 {offsets = [0, 3], sizes = [256, 1], strides = [1, 1]} : vector<256x16xf32> to vector<256x1xf32>
    %slice3A_988 = vector.extract_strided_slice %get3A_983 {offsets = [0, 4], sizes = [256, 1], strides = [1, 1]} : vector<256x16xf32> to vector<256x1xf32>
    %slice3A_989 = vector.extract_strided_slice %get3A_983 {offsets = [0, 5], sizes = [256, 1], strides = [1, 1]} : vector<256x16xf32> to vector<256x1xf32>
    %div3A_990 = arith.constant 2.000000e+00 : f32
    %div3A_991 = vector.broadcast %div3A_990 : f32 to vector<256x1xf32>
    %div3A_992 = arith.divf %slice3A_987, %div3A_991 : vector<256x1xf32>
    %sub3A_993 = arith.subf %slice3A_984, %div3A_992 : vector<256x1xf32>
    %div3A_994 = arith.constant 2.000000e+00 : f32
    %div3A_995 = vector.broadcast %div3A_994 : f32 to vector<256x1xf32>
    %div3A_996 = arith.divf %slice3A_987, %div3A_995 : vector<256x1xf32>
    %add3A_997 = arith.addf %slice3A_984, %div3A_996 : vector<256x1xf32>
    %div3A_998 = arith.constant 2.000000e+00 : f32
    %div3A_999 = vector.broadcast %div3A_998 : f32 to vector<256x1xf32>
    %div3A_1000 = arith.divf %slice3A_988, %div3A_999 : vector<256x1xf32>
    %sub3A_1001 = arith.subf %slice3A_985, %div3A_1000 : vector<256x1xf32>
    %div3A_1002 = arith.constant 2.000000e+00 : f32
    %div3A_1003 = vector.broadcast %div3A_1002 : f32 to vector<256x1xf32>
    %div3A_1004 = arith.divf %slice3A_988, %div3A_1003 : vector<256x1xf32>
    %add3A_1005 = arith.addf %slice3A_985, %div3A_1004 : vector<256x1xf32>
    %div3A_1006 = arith.constant 2.000000e+00 : f32
    %div3A_1007 = vector.broadcast %div3A_1006 : f32 to vector<256x1xf32>
    %div3A_1008 = arith.divf %slice3A_989, %div3A_1007 : vector<256x1xf32>
    %sub3A_1009 = arith.subf %slice3A_986, %div3A_1008 : vector<256x1xf32>
    %div3A_1010 = arith.constant 2.000000e+00 : f32
    %div3A_1011 = vector.broadcast %div3A_1010 : f32 to vector<256x1xf32>
    %div3A_1012 = arith.divf %slice3A_989, %div3A_1011 : vector<256x1xf32>
    %add3A_1013 = arith.addf %slice3A_986, %div3A_1012 : vector<256x1xf32>
    %mul3A_1014 = arith.mulf %slice3A_987, %slice3A_988 : vector<256x1xf32>
    %mul3A_1015 = arith.mulf %mul3A_1014, %slice3A_989 : vector<256x1xf32>
    %slice3A_1016 = vector.extract_strided_slice %add3A {offsets = [0, 2304], sizes = [1, 1792], strides = [1, 1]} : vector<1x4096xf32> to vector<1x1792xf32>
    %min3A_1017 = vector.broadcast %add3A_997 : vector<256x1xf32> to vector<256x1792xf32>
    %min3A_1018 = vector.broadcast %slice3A_1016 : vector<1x1792xf32> to vector<256x1792xf32>
    %min3A_1019 = arith.minimumf %min3A_1017, %min3A_1018 : vector<256x1792xf32>
    %slice3A_1020 = vector.extract_strided_slice %sub3A {offsets = [0, 2304], sizes = [1, 1792], strides = [1, 1]} : vector<1x4096xf32> to vector<1x1792xf32>
    %max3A_1021 = vector.broadcast %sub3A_993 : vector<256x1xf32> to vector<256x1792xf32>
    %max3A_1022 = vector.broadcast %slice3A_1020 : vector<1x1792xf32> to vector<256x1792xf32>
    %max3A_1023 = arith.maximumf %max3A_1021, %max3A_1022 : vector<256x1792xf32>
    %sub3A_1024 = arith.subf %min3A_1019, %max3A_1023 : vector<256x1792xf32>
    %max3A_1025 = arith.constant 0.000000e+00 : f32
    %max3A_1026 = vector.broadcast %max3A_1025 : f32 to vector<256x1792xf32>
    %max3A_1027 = arith.maximumf %sub3A_1024, %max3A_1026 : vector<256x1792xf32>
    %slice3A_1028 = vector.extract_strided_slice %add3A_25 {offsets = [0, 2304], sizes = [1, 1792], strides = [1, 1]} : vector<1x4096xf32> to vector<1x1792xf32>
    %min3A_1029 = vector.broadcast %add3A_1005 : vector<256x1xf32> to vector<256x1792xf32>
    %min3A_1030 = vector.broadcast %slice3A_1028 : vector<1x1792xf32> to vector<256x1792xf32>
    %min3A_1031 = arith.minimumf %min3A_1029, %min3A_1030 : vector<256x1792xf32>
    %slice3A_1032 = vector.extract_strided_slice %sub3A_21 {offsets = [0, 2304], sizes = [1, 1792], strides = [1, 1]} : vector<1x4096xf32> to vector<1x1792xf32>
    %max3A_1033 = vector.broadcast %sub3A_1001 : vector<256x1xf32> to vector<256x1792xf32>
    %max3A_1034 = vector.broadcast %slice3A_1032 : vector<1x1792xf32> to vector<256x1792xf32>
    %max3A_1035 = arith.maximumf %max3A_1033, %max3A_1034 : vector<256x1792xf32>
    %sub3A_1036 = arith.subf %min3A_1031, %max3A_1035 : vector<256x1792xf32>
    %max3A_1037 = arith.constant 0.000000e+00 : f32
    %max3A_1038 = vector.broadcast %max3A_1037 : f32 to vector<256x1792xf32>
    %max3A_1039 = arith.maximumf %sub3A_1036, %max3A_1038 : vector<256x1792xf32>
    %slice3A_1040 = vector.extract_strided_slice %add3A_33 {offsets = [0, 2304], sizes = [1, 1792], strides = [1, 1]} : vector<1x4096xf32> to vector<1x1792xf32>
    %min3A_1041 = vector.broadcast %add3A_1013 : vector<256x1xf32> to vector<256x1792xf32>
    %min3A_1042 = vector.broadcast %slice3A_1040 : vector<1x1792xf32> to vector<256x1792xf32>
    %min3A_1043 = arith.minimumf %min3A_1041, %min3A_1042 : vector<256x1792xf32>
    %slice3A_1044 = vector.extract_strided_slice %sub3A_29 {offsets = [0, 2304], sizes = [1, 1792], strides = [1, 1]} : vector<1x4096xf32> to vector<1x1792xf32>
    %max3A_1045 = vector.broadcast %sub3A_1009 : vector<256x1xf32> to vector<256x1792xf32>
    %max3A_1046 = vector.broadcast %slice3A_1044 : vector<1x1792xf32> to vector<256x1792xf32>
    %max3A_1047 = arith.maximumf %max3A_1045, %max3A_1046 : vector<256x1792xf32>
    %sub3A_1048 = arith.subf %min3A_1043, %max3A_1047 : vector<256x1792xf32>
    %max3A_1049 = arith.constant 0.000000e+00 : f32
    %max3A_1050 = vector.broadcast %max3A_1049 : f32 to vector<256x1792xf32>
    %max3A_1051 = arith.maximumf %sub3A_1048, %max3A_1050 : vector<256x1792xf32>
    %mul3A_1052 = arith.mulf %max3A_1027, %max3A_1039 : vector<256x1792xf32>
    %mul3A_1053 = arith.mulf %mul3A_1052, %max3A_1051 : vector<256x1792xf32>
    %slice3A_1054 = vector.extract_strided_slice %mul3A_34 {offsets = [0, 2304], sizes = [1, 1792], strides = [1, 1]} : vector<1x4096xf32> to vector<1x1792xf32>
    %add3A_1055 = vector.broadcast %mul3A_1015 : vector<256x1xf32> to vector<256x1792xf32>
    %add3A_1056 = vector.broadcast %slice3A_1054 : vector<1x1792xf32> to vector<256x1792xf32>
    %add3A_1057 = arith.addf %add3A_1055, %add3A_1056 : vector<256x1792xf32>
    %sub3A_1058 = arith.subf %add3A_1057, %mul3A_1053 : vector<256x1792xf32>
    %max3A_1059 = arith.constant 9.99999997E-7 : f32
    %max3A_1060 = vector.broadcast %max3A_1059 : f32 to vector<256x1792xf32>
    %max3A_1061 = arith.maximumf %sub3A_1058, %max3A_1060 : vector<256x1792xf32>
    %div3A_1062 = arith.divf %mul3A_1053, %max3A_1061 : vector<256x1792xf32>
    %gt3A_1063 = arith.constant 1.000000e-01 : f32
    %gt3A_1064 = vector.broadcast %gt3A_1063 : f32 to vector<256x1792xf32>
    %gt3A_1065 = arith.cmpf ogt, %div3A_1062, %gt3A_1064 : vector<256x1792xf32>
    %jit3A_1066 = arith.constant 1.000000e+00 : f32
    %jit3A_1067 = arith.constant 0.000000e+00 : f32
    %broadcast_in_dim3A_1068 = vector.broadcast %jit3A_1066 : f32 to vector<256x1792xf32>
    %broadcast_in_dim3A_1069 = vector.broadcast %jit3A_1067 : f32 to vector<256x1792xf32>
    %select_n3A_1070 = arith.select %gt3A_1065, %broadcast_in_dim3A_1068, %broadcast_in_dim3A_1069 : vector<256x1792xi1>, vector<256x1792xf32>
    %slice3A_1071 = vector.extract_strided_slice %select_n3A_1070 {offsets = [0, 0], sizes = [256, 256], strides = [1, 1]} : vector<256x1792xf32> to vector<256x256xf32>
    %mul3A_1072 = arith.mulf %slice3A_1071, %select_n3A_46 : vector<256x256xf32>
    %slice3A_1073 = vector.extract_strided_slice %select_n3A_980 {offsets = [0, 0], sizes = [1, 256], strides = [1, 1]} : vector<1x1792xf32> to vector<1x256xf32>
    %while3A_1074 = arith.constant false
    %while3A_1075:2 = scf.while (%while3A_1781 = %slice3A_1073, %while3A_1782 = %while3A_1074) : (vector<1x256xf32>, i1) -> (vector<1x256xf32>, i1) {
      %not3A = arith.constant true
      %not3A_1783 = arith.xori %while3A_1782, %not3A : i1
      scf.condition(%not3A_1783) %while3A_1781, %while3A_1782 : vector<1x256xf32>, i1
    } do {
    ^bb0(%while3A_1781: vector<1x256xf32>, %while3A_1782: i1):
      %dot_general3A_1783 = arith.constant dense<0.000000e+00> : vector<1x256xf32>
      %dot_general3A_1784 = tpu.matmul %while3A_1781, %mul3A_1072, %dot_general3A_1783 {dimension_numbers = #tpu.dot_dimension_numbers<[1], [0], [0], [1], [0, 0, 1, 1], [], []>, transpose_lhs_hint = false} : vector<1x256xf32>, vector<256x256xf32>, vector<1x256xf32> -> vector<1x256xf32>
      %gt3A_1785 = arith.constant 0.000000e+00 : f32
      %gt3A_1786 = vector.broadcast %gt3A_1785 : f32 to vector<1x256xf32>
      %gt3A_1787 = arith.cmpf ogt, %dot_general3A_1784, %gt3A_1786 : vector<1x256xf32>
      %jit3A_1788 = arith.constant 0.000000e+00 : f32
      %broadcast_in_dim3A_1789 = vector.broadcast %jit3A_1788 : f32 to vector<1x256xf32>
      %select_n3A_1790 = arith.select %gt3A_1787, %broadcast_in_dim3A_1789, %slice3A_1073 : vector<1x256xi1>, vector<1x256xf32>
      %eq3A_1791 = arith.cmpf oeq, %select_n3A_1790, %while3A_1781 : vector<1x256xf32>
      %reduce_and3A = arith.constant 1.000000e+00 : f32
      %reduce_and3A_1792 = arith.constant 0.000000e+00 : f32
      %reduce_and3A_1793 = vector.broadcast %reduce_and3A : f32 to vector<1x256xf32>
      %reduce_and3A_1794 = vector.broadcast %reduce_and3A_1792 : f32 to vector<1x256xf32>
      %reduce_and3A_1795 = arith.select %eq3A_1791, %reduce_and3A_1793, %reduce_and3A_1794 : vector<1x256xi1>, vector<1x256xf32>
      %reduce_and3A_1796 = vector.shape_cast %reduce_and3A_1795 : vector<1x256xf32> to vector<1x1x256xf32>
      %reduce_and3A_1797 = arith.constant dense<0x7F800000> : vector<1xf32>
      %reduce_and3A_1798 = vector.multi_reduction <minimumf>, %reduce_and3A_1796, %reduce_and3A_1797 [1, 2] : vector<1x1x256xf32> to vector<1xf32>
      %reduce_and3A_1799 = vector.shape_cast %reduce_and3A_1798 : vector<1xf32> to vector<1x1x1xf32>
      %reduce_and3A_1800 = vector.extract %reduce_and3A_1799[0, 0, 0] : f32 from vector<1x1x1xf32>
      %reduce_and3A_1801 = arith.constant 0.000000e+00 : f32
      %reduce_and3A_1802 = arith.cmpf ogt, %reduce_and3A_1800, %reduce_and3A_1801 : f32
      scf.yield %select_n3A_1790, %reduce_and3A_1802 : vector<1x256xf32>, i1
    }
    %slice3A_1076 = vector.extract_strided_slice %select_n3A_1070 {offsets = [0, 256], sizes = [256, 1536], strides = [1, 1]} : vector<256x1792xf32> to vector<256x1536xf32>
    %dot_general3A_1077 = arith.constant dense<0.000000e+00> : vector<1x1536xf32>
    %dot_general3A_1078 = tpu.matmul %while3A_1075#0, %slice3A_1076, %dot_general3A_1077 {dimension_numbers = #tpu.dot_dimension_numbers<[1], [0], [0], [1], [0, 0, 1, 1], [], []>, transpose_lhs_hint = false} : vector<1x256xf32>, vector<256x1536xf32>, vector<1x1536xf32> -> vector<1x1536xf32>
    %gt3A_1079 = arith.constant 0.000000e+00 : f32
    %gt3A_1080 = vector.broadcast %gt3A_1079 : f32 to vector<1x1536xf32>
    %gt3A_1081 = arith.cmpf ogt, %dot_general3A_1078, %gt3A_1080 : vector<1x1536xf32>
    %slice3A_1082 = vector.extract_strided_slice %select_n3A_980 {offsets = [0, 256], sizes = [1, 1536], strides = [1, 1]} : vector<1x1792xf32> to vector<1x1536xf32>
    %jit3A_1083 = arith.constant 0.000000e+00 : f32
    %broadcast_in_dim3A_1084 = vector.broadcast %jit3A_1083 : f32 to vector<1x1536xf32>
    %select_n3A_1085 = arith.select %gt3A_1081, %broadcast_in_dim3A_1084, %slice3A_1082 : vector<1x1536xi1>, vector<1x1536xf32>
    %get3A_1086 = arith.constant 2560 : index
    %get3A_1087 = arith.constant 0 : index
    %get3A_1088 = vector.load %arg0[%get3A_1086, %get3A_1087] : memref<4096x16xf32, #tpu.memory_space<vmem>>, vector<256x16xf32>
    %slice3A_1089 = vector.extract_strided_slice %get3A_1088 {offsets = [0, 0], sizes = [256, 1], strides = [1, 1]} : vector<256x16xf32> to vector<256x1xf32>
    %slice3A_1090 = vector.extract_strided_slice %get3A_1088 {offsets = [0, 1], sizes = [256, 1], strides = [1, 1]} : vector<256x16xf32> to vector<256x1xf32>
    %slice3A_1091 = vector.extract_strided_slice %get3A_1088 {offsets = [0, 2], sizes = [256, 1], strides = [1, 1]} : vector<256x16xf32> to vector<256x1xf32>
    %slice3A_1092 = vector.extract_strided_slice %get3A_1088 {offsets = [0, 3], sizes = [256, 1], strides = [1, 1]} : vector<256x16xf32> to vector<256x1xf32>
    %slice3A_1093 = vector.extract_strided_slice %get3A_1088 {offsets = [0, 4], sizes = [256, 1], strides = [1, 1]} : vector<256x16xf32> to vector<256x1xf32>
    %slice3A_1094 = vector.extract_strided_slice %get3A_1088 {offsets = [0, 5], sizes = [256, 1], strides = [1, 1]} : vector<256x16xf32> to vector<256x1xf32>
    %div3A_1095 = arith.constant 2.000000e+00 : f32
    %div3A_1096 = vector.broadcast %div3A_1095 : f32 to vector<256x1xf32>
    %div3A_1097 = arith.divf %slice3A_1092, %div3A_1096 : vector<256x1xf32>
    %sub3A_1098 = arith.subf %slice3A_1089, %div3A_1097 : vector<256x1xf32>
    %div3A_1099 = arith.constant 2.000000e+00 : f32
    %div3A_1100 = vector.broadcast %div3A_1099 : f32 to vector<256x1xf32>
    %div3A_1101 = arith.divf %slice3A_1092, %div3A_1100 : vector<256x1xf32>
    %add3A_1102 = arith.addf %slice3A_1089, %div3A_1101 : vector<256x1xf32>
    %div3A_1103 = arith.constant 2.000000e+00 : f32
    %div3A_1104 = vector.broadcast %div3A_1103 : f32 to vector<256x1xf32>
    %div3A_1105 = arith.divf %slice3A_1093, %div3A_1104 : vector<256x1xf32>
    %sub3A_1106 = arith.subf %slice3A_1090, %div3A_1105 : vector<256x1xf32>
    %div3A_1107 = arith.constant 2.000000e+00 : f32
    %div3A_1108 = vector.broadcast %div3A_1107 : f32 to vector<256x1xf32>
    %div3A_1109 = arith.divf %slice3A_1093, %div3A_1108 : vector<256x1xf32>
    %add3A_1110 = arith.addf %slice3A_1090, %div3A_1109 : vector<256x1xf32>
    %div3A_1111 = arith.constant 2.000000e+00 : f32
    %div3A_1112 = vector.broadcast %div3A_1111 : f32 to vector<256x1xf32>
    %div3A_1113 = arith.divf %slice3A_1094, %div3A_1112 : vector<256x1xf32>
    %sub3A_1114 = arith.subf %slice3A_1091, %div3A_1113 : vector<256x1xf32>
    %div3A_1115 = arith.constant 2.000000e+00 : f32
    %div3A_1116 = vector.broadcast %div3A_1115 : f32 to vector<256x1xf32>
    %div3A_1117 = arith.divf %slice3A_1094, %div3A_1116 : vector<256x1xf32>
    %add3A_1118 = arith.addf %slice3A_1091, %div3A_1117 : vector<256x1xf32>
    %mul3A_1119 = arith.mulf %slice3A_1092, %slice3A_1093 : vector<256x1xf32>
    %mul3A_1120 = arith.mulf %mul3A_1119, %slice3A_1094 : vector<256x1xf32>
    %slice3A_1121 = vector.extract_strided_slice %add3A {offsets = [0, 2560], sizes = [1, 1536], strides = [1, 1]} : vector<1x4096xf32> to vector<1x1536xf32>
    %min3A_1122 = vector.broadcast %add3A_1102 : vector<256x1xf32> to vector<256x1536xf32>
    %min3A_1123 = vector.broadcast %slice3A_1121 : vector<1x1536xf32> to vector<256x1536xf32>
    %min3A_1124 = arith.minimumf %min3A_1122, %min3A_1123 : vector<256x1536xf32>
    %slice3A_1125 = vector.extract_strided_slice %sub3A {offsets = [0, 2560], sizes = [1, 1536], strides = [1, 1]} : vector<1x4096xf32> to vector<1x1536xf32>
    %max3A_1126 = vector.broadcast %sub3A_1098 : vector<256x1xf32> to vector<256x1536xf32>
    %max3A_1127 = vector.broadcast %slice3A_1125 : vector<1x1536xf32> to vector<256x1536xf32>
    %max3A_1128 = arith.maximumf %max3A_1126, %max3A_1127 : vector<256x1536xf32>
    %sub3A_1129 = arith.subf %min3A_1124, %max3A_1128 : vector<256x1536xf32>
    %max3A_1130 = arith.constant 0.000000e+00 : f32
    %max3A_1131 = vector.broadcast %max3A_1130 : f32 to vector<256x1536xf32>
    %max3A_1132 = arith.maximumf %sub3A_1129, %max3A_1131 : vector<256x1536xf32>
    %slice3A_1133 = vector.extract_strided_slice %add3A_25 {offsets = [0, 2560], sizes = [1, 1536], strides = [1, 1]} : vector<1x4096xf32> to vector<1x1536xf32>
    %min3A_1134 = vector.broadcast %add3A_1110 : vector<256x1xf32> to vector<256x1536xf32>
    %min3A_1135 = vector.broadcast %slice3A_1133 : vector<1x1536xf32> to vector<256x1536xf32>
    %min3A_1136 = arith.minimumf %min3A_1134, %min3A_1135 : vector<256x1536xf32>
    %slice3A_1137 = vector.extract_strided_slice %sub3A_21 {offsets = [0, 2560], sizes = [1, 1536], strides = [1, 1]} : vector<1x4096xf32> to vector<1x1536xf32>
    %max3A_1138 = vector.broadcast %sub3A_1106 : vector<256x1xf32> to vector<256x1536xf32>
    %max3A_1139 = vector.broadcast %slice3A_1137 : vector<1x1536xf32> to vector<256x1536xf32>
    %max3A_1140 = arith.maximumf %max3A_1138, %max3A_1139 : vector<256x1536xf32>
    %sub3A_1141 = arith.subf %min3A_1136, %max3A_1140 : vector<256x1536xf32>
    %max3A_1142 = arith.constant 0.000000e+00 : f32
    %max3A_1143 = vector.broadcast %max3A_1142 : f32 to vector<256x1536xf32>
    %max3A_1144 = arith.maximumf %sub3A_1141, %max3A_1143 : vector<256x1536xf32>
    %slice3A_1145 = vector.extract_strided_slice %add3A_33 {offsets = [0, 2560], sizes = [1, 1536], strides = [1, 1]} : vector<1x4096xf32> to vector<1x1536xf32>
    %min3A_1146 = vector.broadcast %add3A_1118 : vector<256x1xf32> to vector<256x1536xf32>
    %min3A_1147 = vector.broadcast %slice3A_1145 : vector<1x1536xf32> to vector<256x1536xf32>
    %min3A_1148 = arith.minimumf %min3A_1146, %min3A_1147 : vector<256x1536xf32>
    %slice3A_1149 = vector.extract_strided_slice %sub3A_29 {offsets = [0, 2560], sizes = [1, 1536], strides = [1, 1]} : vector<1x4096xf32> to vector<1x1536xf32>
    %max3A_1150 = vector.broadcast %sub3A_1114 : vector<256x1xf32> to vector<256x1536xf32>
    %max3A_1151 = vector.broadcast %slice3A_1149 : vector<1x1536xf32> to vector<256x1536xf32>
    %max3A_1152 = arith.maximumf %max3A_1150, %max3A_1151 : vector<256x1536xf32>
    %sub3A_1153 = arith.subf %min3A_1148, %max3A_1152 : vector<256x1536xf32>
    %max3A_1154 = arith.constant 0.000000e+00 : f32
    %max3A_1155 = vector.broadcast %max3A_1154 : f32 to vector<256x1536xf32>
    %max3A_1156 = arith.maximumf %sub3A_1153, %max3A_1155 : vector<256x1536xf32>
    %mul3A_1157 = arith.mulf %max3A_1132, %max3A_1144 : vector<256x1536xf32>
    %mul3A_1158 = arith.mulf %mul3A_1157, %max3A_1156 : vector<256x1536xf32>
    %slice3A_1159 = vector.extract_strided_slice %mul3A_34 {offsets = [0, 2560], sizes = [1, 1536], strides = [1, 1]} : vector<1x4096xf32> to vector<1x1536xf32>
    %add3A_1160 = vector.broadcast %mul3A_1120 : vector<256x1xf32> to vector<256x1536xf32>
    %add3A_1161 = vector.broadcast %slice3A_1159 : vector<1x1536xf32> to vector<256x1536xf32>
    %add3A_1162 = arith.addf %add3A_1160, %add3A_1161 : vector<256x1536xf32>
    %sub3A_1163 = arith.subf %add3A_1162, %mul3A_1158 : vector<256x1536xf32>
    %max3A_1164 = arith.constant 9.99999997E-7 : f32
    %max3A_1165 = vector.broadcast %max3A_1164 : f32 to vector<256x1536xf32>
    %max3A_1166 = arith.maximumf %sub3A_1163, %max3A_1165 : vector<256x1536xf32>
    %div3A_1167 = arith.divf %mul3A_1158, %max3A_1166 : vector<256x1536xf32>
    %gt3A_1168 = arith.constant 1.000000e-01 : f32
    %gt3A_1169 = vector.broadcast %gt3A_1168 : f32 to vector<256x1536xf32>
    %gt3A_1170 = arith.cmpf ogt, %div3A_1167, %gt3A_1169 : vector<256x1536xf32>
    %jit3A_1171 = arith.constant 1.000000e+00 : f32
    %jit3A_1172 = arith.constant 0.000000e+00 : f32
    %broadcast_in_dim3A_1173 = vector.broadcast %jit3A_1171 : f32 to vector<256x1536xf32>
    %broadcast_in_dim3A_1174 = vector.broadcast %jit3A_1172 : f32 to vector<256x1536xf32>
    %select_n3A_1175 = arith.select %gt3A_1170, %broadcast_in_dim3A_1173, %broadcast_in_dim3A_1174 : vector<256x1536xi1>, vector<256x1536xf32>
    %slice3A_1176 = vector.extract_strided_slice %select_n3A_1175 {offsets = [0, 0], sizes = [256, 256], strides = [1, 1]} : vector<256x1536xf32> to vector<256x256xf32>
    %mul3A_1177 = arith.mulf %slice3A_1176, %select_n3A_46 : vector<256x256xf32>
    %slice3A_1178 = vector.extract_strided_slice %select_n3A_1085 {offsets = [0, 0], sizes = [1, 256], strides = [1, 1]} : vector<1x1536xf32> to vector<1x256xf32>
    %while3A_1179 = arith.constant false
    %while3A_1180:2 = scf.while (%while3A_1781 = %slice3A_1178, %while3A_1782 = %while3A_1179) : (vector<1x256xf32>, i1) -> (vector<1x256xf32>, i1) {
      %not3A = arith.constant true
      %not3A_1783 = arith.xori %while3A_1782, %not3A : i1
      scf.condition(%not3A_1783) %while3A_1781, %while3A_1782 : vector<1x256xf32>, i1
    } do {
    ^bb0(%while3A_1781: vector<1x256xf32>, %while3A_1782: i1):
      %dot_general3A_1783 = arith.constant dense<0.000000e+00> : vector<1x256xf32>
      %dot_general3A_1784 = tpu.matmul %while3A_1781, %mul3A_1177, %dot_general3A_1783 {dimension_numbers = #tpu.dot_dimension_numbers<[1], [0], [0], [1], [0, 0, 1, 1], [], []>, transpose_lhs_hint = false} : vector<1x256xf32>, vector<256x256xf32>, vector<1x256xf32> -> vector<1x256xf32>
      %gt3A_1785 = arith.constant 0.000000e+00 : f32
      %gt3A_1786 = vector.broadcast %gt3A_1785 : f32 to vector<1x256xf32>
      %gt3A_1787 = arith.cmpf ogt, %dot_general3A_1784, %gt3A_1786 : vector<1x256xf32>
      %jit3A_1788 = arith.constant 0.000000e+00 : f32
      %broadcast_in_dim3A_1789 = vector.broadcast %jit3A_1788 : f32 to vector<1x256xf32>
      %select_n3A_1790 = arith.select %gt3A_1787, %broadcast_in_dim3A_1789, %slice3A_1178 : vector<1x256xi1>, vector<1x256xf32>
      %eq3A_1791 = arith.cmpf oeq, %select_n3A_1790, %while3A_1781 : vector<1x256xf32>
      %reduce_and3A = arith.constant 1.000000e+00 : f32
      %reduce_and3A_1792 = arith.constant 0.000000e+00 : f32
      %reduce_and3A_1793 = vector.broadcast %reduce_and3A : f32 to vector<1x256xf32>
      %reduce_and3A_1794 = vector.broadcast %reduce_and3A_1792 : f32 to vector<1x256xf32>
      %reduce_and3A_1795 = arith.select %eq3A_1791, %reduce_and3A_1793, %reduce_and3A_1794 : vector<1x256xi1>, vector<1x256xf32>
      %reduce_and3A_1796 = vector.shape_cast %reduce_and3A_1795 : vector<1x256xf32> to vector<1x1x256xf32>
      %reduce_and3A_1797 = arith.constant dense<0x7F800000> : vector<1xf32>
      %reduce_and3A_1798 = vector.multi_reduction <minimumf>, %reduce_and3A_1796, %reduce_and3A_1797 [1, 2] : vector<1x1x256xf32> to vector<1xf32>
      %reduce_and3A_1799 = vector.shape_cast %reduce_and3A_1798 : vector<1xf32> to vector<1x1x1xf32>
      %reduce_and3A_1800 = vector.extract %reduce_and3A_1799[0, 0, 0] : f32 from vector<1x1x1xf32>
      %reduce_and3A_1801 = arith.constant 0.000000e+00 : f32
      %reduce_and3A_1802 = arith.cmpf ogt, %reduce_and3A_1800, %reduce_and3A_1801 : f32
      scf.yield %select_n3A_1790, %reduce_and3A_1802 : vector<1x256xf32>, i1
    }
    %slice3A_1181 = vector.extract_strided_slice %select_n3A_1175 {offsets = [0, 256], sizes = [256, 1280], strides = [1, 1]} : vector<256x1536xf32> to vector<256x1280xf32>
    %dot_general3A_1182 = arith.constant dense<0.000000e+00> : vector<1x1280xf32>
    %dot_general3A_1183 = tpu.matmul %while3A_1180#0, %slice3A_1181, %dot_general3A_1182 {dimension_numbers = #tpu.dot_dimension_numbers<[1], [0], [0], [1], [0, 0, 1, 1], [], []>, transpose_lhs_hint = false} : vector<1x256xf32>, vector<256x1280xf32>, vector<1x1280xf32> -> vector<1x1280xf32>
    %gt3A_1184 = arith.constant 0.000000e+00 : f32
    %gt3A_1185 = vector.broadcast %gt3A_1184 : f32 to vector<1x1280xf32>
    %gt3A_1186 = arith.cmpf ogt, %dot_general3A_1183, %gt3A_1185 : vector<1x1280xf32>
    %slice3A_1187 = vector.extract_strided_slice %select_n3A_1085 {offsets = [0, 256], sizes = [1, 1280], strides = [1, 1]} : vector<1x1536xf32> to vector<1x1280xf32>
    %jit3A_1188 = arith.constant 0.000000e+00 : f32
    %broadcast_in_dim3A_1189 = vector.broadcast %jit3A_1188 : f32 to vector<1x1280xf32>
    %select_n3A_1190 = arith.select %gt3A_1186, %broadcast_in_dim3A_1189, %slice3A_1187 : vector<1x1280xi1>, vector<1x1280xf32>
    %get3A_1191 = arith.constant 2816 : index
    %get3A_1192 = arith.constant 0 : index
    %get3A_1193 = vector.load %arg0[%get3A_1191, %get3A_1192] : memref<4096x16xf32, #tpu.memory_space<vmem>>, vector<256x16xf32>
    %slice3A_1194 = vector.extract_strided_slice %get3A_1193 {offsets = [0, 0], sizes = [256, 1], strides = [1, 1]} : vector<256x16xf32> to vector<256x1xf32>
    %slice3A_1195 = vector.extract_strided_slice %get3A_1193 {offsets = [0, 1], sizes = [256, 1], strides = [1, 1]} : vector<256x16xf32> to vector<256x1xf32>
    %slice3A_1196 = vector.extract_strided_slice %get3A_1193 {offsets = [0, 2], sizes = [256, 1], strides = [1, 1]} : vector<256x16xf32> to vector<256x1xf32>
    %slice3A_1197 = vector.extract_strided_slice %get3A_1193 {offsets = [0, 3], sizes = [256, 1], strides = [1, 1]} : vector<256x16xf32> to vector<256x1xf32>
    %slice3A_1198 = vector.extract_strided_slice %get3A_1193 {offsets = [0, 4], sizes = [256, 1], strides = [1, 1]} : vector<256x16xf32> to vector<256x1xf32>
    %slice3A_1199 = vector.extract_strided_slice %get3A_1193 {offsets = [0, 5], sizes = [256, 1], strides = [1, 1]} : vector<256x16xf32> to vector<256x1xf32>
    %div3A_1200 = arith.constant 2.000000e+00 : f32
    %div3A_1201 = vector.broadcast %div3A_1200 : f32 to vector<256x1xf32>
    %div3A_1202 = arith.divf %slice3A_1197, %div3A_1201 : vector<256x1xf32>
    %sub3A_1203 = arith.subf %slice3A_1194, %div3A_1202 : vector<256x1xf32>
    %div3A_1204 = arith.constant 2.000000e+00 : f32
    %div3A_1205 = vector.broadcast %div3A_1204 : f32 to vector<256x1xf32>
    %div3A_1206 = arith.divf %slice3A_1197, %div3A_1205 : vector<256x1xf32>
    %add3A_1207 = arith.addf %slice3A_1194, %div3A_1206 : vector<256x1xf32>
    %div3A_1208 = arith.constant 2.000000e+00 : f32
    %div3A_1209 = vector.broadcast %div3A_1208 : f32 to vector<256x1xf32>
    %div3A_1210 = arith.divf %slice3A_1198, %div3A_1209 : vector<256x1xf32>
    %sub3A_1211 = arith.subf %slice3A_1195, %div3A_1210 : vector<256x1xf32>
    %div3A_1212 = arith.constant 2.000000e+00 : f32
    %div3A_1213 = vector.broadcast %div3A_1212 : f32 to vector<256x1xf32>
    %div3A_1214 = arith.divf %slice3A_1198, %div3A_1213 : vector<256x1xf32>
    %add3A_1215 = arith.addf %slice3A_1195, %div3A_1214 : vector<256x1xf32>
    %div3A_1216 = arith.constant 2.000000e+00 : f32
    %div3A_1217 = vector.broadcast %div3A_1216 : f32 to vector<256x1xf32>
    %div3A_1218 = arith.divf %slice3A_1199, %div3A_1217 : vector<256x1xf32>
    %sub3A_1219 = arith.subf %slice3A_1196, %div3A_1218 : vector<256x1xf32>
    %div3A_1220 = arith.constant 2.000000e+00 : f32
    %div3A_1221 = vector.broadcast %div3A_1220 : f32 to vector<256x1xf32>
    %div3A_1222 = arith.divf %slice3A_1199, %div3A_1221 : vector<256x1xf32>
    %add3A_1223 = arith.addf %slice3A_1196, %div3A_1222 : vector<256x1xf32>
    %mul3A_1224 = arith.mulf %slice3A_1197, %slice3A_1198 : vector<256x1xf32>
    %mul3A_1225 = arith.mulf %mul3A_1224, %slice3A_1199 : vector<256x1xf32>
    %slice3A_1226 = vector.extract_strided_slice %add3A {offsets = [0, 2816], sizes = [1, 1280], strides = [1, 1]} : vector<1x4096xf32> to vector<1x1280xf32>
    %min3A_1227 = vector.broadcast %add3A_1207 : vector<256x1xf32> to vector<256x1280xf32>
    %min3A_1228 = vector.broadcast %slice3A_1226 : vector<1x1280xf32> to vector<256x1280xf32>
    %min3A_1229 = arith.minimumf %min3A_1227, %min3A_1228 : vector<256x1280xf32>
    %slice3A_1230 = vector.extract_strided_slice %sub3A {offsets = [0, 2816], sizes = [1, 1280], strides = [1, 1]} : vector<1x4096xf32> to vector<1x1280xf32>
    %max3A_1231 = vector.broadcast %sub3A_1203 : vector<256x1xf32> to vector<256x1280xf32>
    %max3A_1232 = vector.broadcast %slice3A_1230 : vector<1x1280xf32> to vector<256x1280xf32>
    %max3A_1233 = arith.maximumf %max3A_1231, %max3A_1232 : vector<256x1280xf32>
    %sub3A_1234 = arith.subf %min3A_1229, %max3A_1233 : vector<256x1280xf32>
    %max3A_1235 = arith.constant 0.000000e+00 : f32
    %max3A_1236 = vector.broadcast %max3A_1235 : f32 to vector<256x1280xf32>
    %max3A_1237 = arith.maximumf %sub3A_1234, %max3A_1236 : vector<256x1280xf32>
    %slice3A_1238 = vector.extract_strided_slice %add3A_25 {offsets = [0, 2816], sizes = [1, 1280], strides = [1, 1]} : vector<1x4096xf32> to vector<1x1280xf32>
    %min3A_1239 = vector.broadcast %add3A_1215 : vector<256x1xf32> to vector<256x1280xf32>
    %min3A_1240 = vector.broadcast %slice3A_1238 : vector<1x1280xf32> to vector<256x1280xf32>
    %min3A_1241 = arith.minimumf %min3A_1239, %min3A_1240 : vector<256x1280xf32>
    %slice3A_1242 = vector.extract_strided_slice %sub3A_21 {offsets = [0, 2816], sizes = [1, 1280], strides = [1, 1]} : vector<1x4096xf32> to vector<1x1280xf32>
    %max3A_1243 = vector.broadcast %sub3A_1211 : vector<256x1xf32> to vector<256x1280xf32>
    %max3A_1244 = vector.broadcast %slice3A_1242 : vector<1x1280xf32> to vector<256x1280xf32>
    %max3A_1245 = arith.maximumf %max3A_1243, %max3A_1244 : vector<256x1280xf32>
    %sub3A_1246 = arith.subf %min3A_1241, %max3A_1245 : vector<256x1280xf32>
    %max3A_1247 = arith.constant 0.000000e+00 : f32
    %max3A_1248 = vector.broadcast %max3A_1247 : f32 to vector<256x1280xf32>
    %max3A_1249 = arith.maximumf %sub3A_1246, %max3A_1248 : vector<256x1280xf32>
    %slice3A_1250 = vector.extract_strided_slice %add3A_33 {offsets = [0, 2816], sizes = [1, 1280], strides = [1, 1]} : vector<1x4096xf32> to vector<1x1280xf32>
    %min3A_1251 = vector.broadcast %add3A_1223 : vector<256x1xf32> to vector<256x1280xf32>
    %min3A_1252 = vector.broadcast %slice3A_1250 : vector<1x1280xf32> to vector<256x1280xf32>
    %min3A_1253 = arith.minimumf %min3A_1251, %min3A_1252 : vector<256x1280xf32>
    %slice3A_1254 = vector.extract_strided_slice %sub3A_29 {offsets = [0, 2816], sizes = [1, 1280], strides = [1, 1]} : vector<1x4096xf32> to vector<1x1280xf32>
    %max3A_1255 = vector.broadcast %sub3A_1219 : vector<256x1xf32> to vector<256x1280xf32>
    %max3A_1256 = vector.broadcast %slice3A_1254 : vector<1x1280xf32> to vector<256x1280xf32>
    %max3A_1257 = arith.maximumf %max3A_1255, %max3A_1256 : vector<256x1280xf32>
    %sub3A_1258 = arith.subf %min3A_1253, %max3A_1257 : vector<256x1280xf32>
    %max3A_1259 = arith.constant 0.000000e+00 : f32
    %max3A_1260 = vector.broadcast %max3A_1259 : f32 to vector<256x1280xf32>
    %max3A_1261 = arith.maximumf %sub3A_1258, %max3A_1260 : vector<256x1280xf32>
    %mul3A_1262 = arith.mulf %max3A_1237, %max3A_1249 : vector<256x1280xf32>
    %mul3A_1263 = arith.mulf %mul3A_1262, %max3A_1261 : vector<256x1280xf32>
    %slice3A_1264 = vector.extract_strided_slice %mul3A_34 {offsets = [0, 2816], sizes = [1, 1280], strides = [1, 1]} : vector<1x4096xf32> to vector<1x1280xf32>
    %add3A_1265 = vector.broadcast %mul3A_1225 : vector<256x1xf32> to vector<256x1280xf32>
    %add3A_1266 = vector.broadcast %slice3A_1264 : vector<1x1280xf32> to vector<256x1280xf32>
    %add3A_1267 = arith.addf %add3A_1265, %add3A_1266 : vector<256x1280xf32>
    %sub3A_1268 = arith.subf %add3A_1267, %mul3A_1263 : vector<256x1280xf32>
    %max3A_1269 = arith.constant 9.99999997E-7 : f32
    %max3A_1270 = vector.broadcast %max3A_1269 : f32 to vector<256x1280xf32>
    %max3A_1271 = arith.maximumf %sub3A_1268, %max3A_1270 : vector<256x1280xf32>
    %div3A_1272 = arith.divf %mul3A_1263, %max3A_1271 : vector<256x1280xf32>
    %gt3A_1273 = arith.constant 1.000000e-01 : f32
    %gt3A_1274 = vector.broadcast %gt3A_1273 : f32 to vector<256x1280xf32>
    %gt3A_1275 = arith.cmpf ogt, %div3A_1272, %gt3A_1274 : vector<256x1280xf32>
    %jit3A_1276 = arith.constant 1.000000e+00 : f32
    %jit3A_1277 = arith.constant 0.000000e+00 : f32
    %broadcast_in_dim3A_1278 = vector.broadcast %jit3A_1276 : f32 to vector<256x1280xf32>
    %broadcast_in_dim3A_1279 = vector.broadcast %jit3A_1277 : f32 to vector<256x1280xf32>
    %select_n3A_1280 = arith.select %gt3A_1275, %broadcast_in_dim3A_1278, %broadcast_in_dim3A_1279 : vector<256x1280xi1>, vector<256x1280xf32>
    %slice3A_1281 = vector.extract_strided_slice %select_n3A_1280 {offsets = [0, 0], sizes = [256, 256], strides = [1, 1]} : vector<256x1280xf32> to vector<256x256xf32>
    %mul3A_1282 = arith.mulf %slice3A_1281, %select_n3A_46 : vector<256x256xf32>
    %slice3A_1283 = vector.extract_strided_slice %select_n3A_1190 {offsets = [0, 0], sizes = [1, 256], strides = [1, 1]} : vector<1x1280xf32> to vector<1x256xf32>
    %while3A_1284 = arith.constant false
    %while3A_1285:2 = scf.while (%while3A_1781 = %slice3A_1283, %while3A_1782 = %while3A_1284) : (vector<1x256xf32>, i1) -> (vector<1x256xf32>, i1) {
      %not3A = arith.constant true
      %not3A_1783 = arith.xori %while3A_1782, %not3A : i1
      scf.condition(%not3A_1783) %while3A_1781, %while3A_1782 : vector<1x256xf32>, i1
    } do {
    ^bb0(%while3A_1781: vector<1x256xf32>, %while3A_1782: i1):
      %dot_general3A_1783 = arith.constant dense<0.000000e+00> : vector<1x256xf32>
      %dot_general3A_1784 = tpu.matmul %while3A_1781, %mul3A_1282, %dot_general3A_1783 {dimension_numbers = #tpu.dot_dimension_numbers<[1], [0], [0], [1], [0, 0, 1, 1], [], []>, transpose_lhs_hint = false} : vector<1x256xf32>, vector<256x256xf32>, vector<1x256xf32> -> vector<1x256xf32>
      %gt3A_1785 = arith.constant 0.000000e+00 : f32
      %gt3A_1786 = vector.broadcast %gt3A_1785 : f32 to vector<1x256xf32>
      %gt3A_1787 = arith.cmpf ogt, %dot_general3A_1784, %gt3A_1786 : vector<1x256xf32>
      %jit3A_1788 = arith.constant 0.000000e+00 : f32
      %broadcast_in_dim3A_1789 = vector.broadcast %jit3A_1788 : f32 to vector<1x256xf32>
      %select_n3A_1790 = arith.select %gt3A_1787, %broadcast_in_dim3A_1789, %slice3A_1283 : vector<1x256xi1>, vector<1x256xf32>
      %eq3A_1791 = arith.cmpf oeq, %select_n3A_1790, %while3A_1781 : vector<1x256xf32>
      %reduce_and3A = arith.constant 1.000000e+00 : f32
      %reduce_and3A_1792 = arith.constant 0.000000e+00 : f32
      %reduce_and3A_1793 = vector.broadcast %reduce_and3A : f32 to vector<1x256xf32>
      %reduce_and3A_1794 = vector.broadcast %reduce_and3A_1792 : f32 to vector<1x256xf32>
      %reduce_and3A_1795 = arith.select %eq3A_1791, %reduce_and3A_1793, %reduce_and3A_1794 : vector<1x256xi1>, vector<1x256xf32>
      %reduce_and3A_1796 = vector.shape_cast %reduce_and3A_1795 : vector<1x256xf32> to vector<1x1x256xf32>
      %reduce_and3A_1797 = arith.constant dense<0x7F800000> : vector<1xf32>
      %reduce_and3A_1798 = vector.multi_reduction <minimumf>, %reduce_and3A_1796, %reduce_and3A_1797 [1, 2] : vector<1x1x256xf32> to vector<1xf32>
      %reduce_and3A_1799 = vector.shape_cast %reduce_and3A_1798 : vector<1xf32> to vector<1x1x1xf32>
      %reduce_and3A_1800 = vector.extract %reduce_and3A_1799[0, 0, 0] : f32 from vector<1x1x1xf32>
      %reduce_and3A_1801 = arith.constant 0.000000e+00 : f32
      %reduce_and3A_1802 = arith.cmpf ogt, %reduce_and3A_1800, %reduce_and3A_1801 : f32
      scf.yield %select_n3A_1790, %reduce_and3A_1802 : vector<1x256xf32>, i1
    }
    %slice3A_1286 = vector.extract_strided_slice %select_n3A_1280 {offsets = [0, 256], sizes = [256, 1024], strides = [1, 1]} : vector<256x1280xf32> to vector<256x1024xf32>
    %dot_general3A_1287 = arith.constant dense<0.000000e+00> : vector<1x1024xf32>
    %dot_general3A_1288 = tpu.matmul %while3A_1285#0, %slice3A_1286, %dot_general3A_1287 {dimension_numbers = #tpu.dot_dimension_numbers<[1], [0], [0], [1], [0, 0, 1, 1], [], []>, transpose_lhs_hint = false} : vector<1x256xf32>, vector<256x1024xf32>, vector<1x1024xf32> -> vector<1x1024xf32>
    %gt3A_1289 = arith.constant 0.000000e+00 : f32
    %gt3A_1290 = vector.broadcast %gt3A_1289 : f32 to vector<1x1024xf32>
    %gt3A_1291 = arith.cmpf ogt, %dot_general3A_1288, %gt3A_1290 : vector<1x1024xf32>
    %slice3A_1292 = vector.extract_strided_slice %select_n3A_1190 {offsets = [0, 256], sizes = [1, 1024], strides = [1, 1]} : vector<1x1280xf32> to vector<1x1024xf32>
    %jit3A_1293 = arith.constant 0.000000e+00 : f32
    %broadcast_in_dim3A_1294 = vector.broadcast %jit3A_1293 : f32 to vector<1x1024xf32>
    %select_n3A_1295 = arith.select %gt3A_1291, %broadcast_in_dim3A_1294, %slice3A_1292 : vector<1x1024xi1>, vector<1x1024xf32>
    %get3A_1296 = arith.constant 3072 : index
    %get3A_1297 = arith.constant 0 : index
    %get3A_1298 = vector.load %arg0[%get3A_1296, %get3A_1297] : memref<4096x16xf32, #tpu.memory_space<vmem>>, vector<256x16xf32>
    %slice3A_1299 = vector.extract_strided_slice %get3A_1298 {offsets = [0, 0], sizes = [256, 1], strides = [1, 1]} : vector<256x16xf32> to vector<256x1xf32>
    %slice3A_1300 = vector.extract_strided_slice %get3A_1298 {offsets = [0, 1], sizes = [256, 1], strides = [1, 1]} : vector<256x16xf32> to vector<256x1xf32>
    %slice3A_1301 = vector.extract_strided_slice %get3A_1298 {offsets = [0, 2], sizes = [256, 1], strides = [1, 1]} : vector<256x16xf32> to vector<256x1xf32>
    %slice3A_1302 = vector.extract_strided_slice %get3A_1298 {offsets = [0, 3], sizes = [256, 1], strides = [1, 1]} : vector<256x16xf32> to vector<256x1xf32>
    %slice3A_1303 = vector.extract_strided_slice %get3A_1298 {offsets = [0, 4], sizes = [256, 1], strides = [1, 1]} : vector<256x16xf32> to vector<256x1xf32>
    %slice3A_1304 = vector.extract_strided_slice %get3A_1298 {offsets = [0, 5], sizes = [256, 1], strides = [1, 1]} : vector<256x16xf32> to vector<256x1xf32>
    %div3A_1305 = arith.constant 2.000000e+00 : f32
    %div3A_1306 = vector.broadcast %div3A_1305 : f32 to vector<256x1xf32>
    %div3A_1307 = arith.divf %slice3A_1302, %div3A_1306 : vector<256x1xf32>
    %sub3A_1308 = arith.subf %slice3A_1299, %div3A_1307 : vector<256x1xf32>
    %div3A_1309 = arith.constant 2.000000e+00 : f32
    %div3A_1310 = vector.broadcast %div3A_1309 : f32 to vector<256x1xf32>
    %div3A_1311 = arith.divf %slice3A_1302, %div3A_1310 : vector<256x1xf32>
    %add3A_1312 = arith.addf %slice3A_1299, %div3A_1311 : vector<256x1xf32>
    %div3A_1313 = arith.constant 2.000000e+00 : f32
    %div3A_1314 = vector.broadcast %div3A_1313 : f32 to vector<256x1xf32>
    %div3A_1315 = arith.divf %slice3A_1303, %div3A_1314 : vector<256x1xf32>
    %sub3A_1316 = arith.subf %slice3A_1300, %div3A_1315 : vector<256x1xf32>
    %div3A_1317 = arith.constant 2.000000e+00 : f32
    %div3A_1318 = vector.broadcast %div3A_1317 : f32 to vector<256x1xf32>
    %div3A_1319 = arith.divf %slice3A_1303, %div3A_1318 : vector<256x1xf32>
    %add3A_1320 = arith.addf %slice3A_1300, %div3A_1319 : vector<256x1xf32>
    %div3A_1321 = arith.constant 2.000000e+00 : f32
    %div3A_1322 = vector.broadcast %div3A_1321 : f32 to vector<256x1xf32>
    %div3A_1323 = arith.divf %slice3A_1304, %div3A_1322 : vector<256x1xf32>
    %sub3A_1324 = arith.subf %slice3A_1301, %div3A_1323 : vector<256x1xf32>
    %div3A_1325 = arith.constant 2.000000e+00 : f32
    %div3A_1326 = vector.broadcast %div3A_1325 : f32 to vector<256x1xf32>
    %div3A_1327 = arith.divf %slice3A_1304, %div3A_1326 : vector<256x1xf32>
    %add3A_1328 = arith.addf %slice3A_1301, %div3A_1327 : vector<256x1xf32>
    %mul3A_1329 = arith.mulf %slice3A_1302, %slice3A_1303 : vector<256x1xf32>
    %mul3A_1330 = arith.mulf %mul3A_1329, %slice3A_1304 : vector<256x1xf32>
    %slice3A_1331 = vector.extract_strided_slice %add3A {offsets = [0, 3072], sizes = [1, 1024], strides = [1, 1]} : vector<1x4096xf32> to vector<1x1024xf32>
    %min3A_1332 = vector.broadcast %add3A_1312 : vector<256x1xf32> to vector<256x1024xf32>
    %min3A_1333 = vector.broadcast %slice3A_1331 : vector<1x1024xf32> to vector<256x1024xf32>
    %min3A_1334 = arith.minimumf %min3A_1332, %min3A_1333 : vector<256x1024xf32>
    %slice3A_1335 = vector.extract_strided_slice %sub3A {offsets = [0, 3072], sizes = [1, 1024], strides = [1, 1]} : vector<1x4096xf32> to vector<1x1024xf32>
    %max3A_1336 = vector.broadcast %sub3A_1308 : vector<256x1xf32> to vector<256x1024xf32>
    %max3A_1337 = vector.broadcast %slice3A_1335 : vector<1x1024xf32> to vector<256x1024xf32>
    %max3A_1338 = arith.maximumf %max3A_1336, %max3A_1337 : vector<256x1024xf32>
    %sub3A_1339 = arith.subf %min3A_1334, %max3A_1338 : vector<256x1024xf32>
    %max3A_1340 = arith.constant 0.000000e+00 : f32
    %max3A_1341 = vector.broadcast %max3A_1340 : f32 to vector<256x1024xf32>
    %max3A_1342 = arith.maximumf %sub3A_1339, %max3A_1341 : vector<256x1024xf32>
    %slice3A_1343 = vector.extract_strided_slice %add3A_25 {offsets = [0, 3072], sizes = [1, 1024], strides = [1, 1]} : vector<1x4096xf32> to vector<1x1024xf32>
    %min3A_1344 = vector.broadcast %add3A_1320 : vector<256x1xf32> to vector<256x1024xf32>
    %min3A_1345 = vector.broadcast %slice3A_1343 : vector<1x1024xf32> to vector<256x1024xf32>
    %min3A_1346 = arith.minimumf %min3A_1344, %min3A_1345 : vector<256x1024xf32>
    %slice3A_1347 = vector.extract_strided_slice %sub3A_21 {offsets = [0, 3072], sizes = [1, 1024], strides = [1, 1]} : vector<1x4096xf32> to vector<1x1024xf32>
    %max3A_1348 = vector.broadcast %sub3A_1316 : vector<256x1xf32> to vector<256x1024xf32>
    %max3A_1349 = vector.broadcast %slice3A_1347 : vector<1x1024xf32> to vector<256x1024xf32>
    %max3A_1350 = arith.maximumf %max3A_1348, %max3A_1349 : vector<256x1024xf32>
    %sub3A_1351 = arith.subf %min3A_1346, %max3A_1350 : vector<256x1024xf32>
    %max3A_1352 = arith.constant 0.000000e+00 : f32
    %max3A_1353 = vector.broadcast %max3A_1352 : f32 to vector<256x1024xf32>
    %max3A_1354 = arith.maximumf %sub3A_1351, %max3A_1353 : vector<256x1024xf32>
    %slice3A_1355 = vector.extract_strided_slice %add3A_33 {offsets = [0, 3072], sizes = [1, 1024], strides = [1, 1]} : vector<1x4096xf32> to vector<1x1024xf32>
    %min3A_1356 = vector.broadcast %add3A_1328 : vector<256x1xf32> to vector<256x1024xf32>
    %min3A_1357 = vector.broadcast %slice3A_1355 : vector<1x1024xf32> to vector<256x1024xf32>
    %min3A_1358 = arith.minimumf %min3A_1356, %min3A_1357 : vector<256x1024xf32>
    %slice3A_1359 = vector.extract_strided_slice %sub3A_29 {offsets = [0, 3072], sizes = [1, 1024], strides = [1, 1]} : vector<1x4096xf32> to vector<1x1024xf32>
    %max3A_1360 = vector.broadcast %sub3A_1324 : vector<256x1xf32> to vector<256x1024xf32>
    %max3A_1361 = vector.broadcast %slice3A_1359 : vector<1x1024xf32> to vector<256x1024xf32>
    %max3A_1362 = arith.maximumf %max3A_1360, %max3A_1361 : vector<256x1024xf32>
    %sub3A_1363 = arith.subf %min3A_1358, %max3A_1362 : vector<256x1024xf32>
    %max3A_1364 = arith.constant 0.000000e+00 : f32
    %max3A_1365 = vector.broadcast %max3A_1364 : f32 to vector<256x1024xf32>
    %max3A_1366 = arith.maximumf %sub3A_1363, %max3A_1365 : vector<256x1024xf32>
    %mul3A_1367 = arith.mulf %max3A_1342, %max3A_1354 : vector<256x1024xf32>
    %mul3A_1368 = arith.mulf %mul3A_1367, %max3A_1366 : vector<256x1024xf32>
    %slice3A_1369 = vector.extract_strided_slice %mul3A_34 {offsets = [0, 3072], sizes = [1, 1024], strides = [1, 1]} : vector<1x4096xf32> to vector<1x1024xf32>
    %add3A_1370 = vector.broadcast %mul3A_1330 : vector<256x1xf32> to vector<256x1024xf32>
    %add3A_1371 = vector.broadcast %slice3A_1369 : vector<1x1024xf32> to vector<256x1024xf32>
    %add3A_1372 = arith.addf %add3A_1370, %add3A_1371 : vector<256x1024xf32>
    %sub3A_1373 = arith.subf %add3A_1372, %mul3A_1368 : vector<256x1024xf32>
    %max3A_1374 = arith.constant 9.99999997E-7 : f32
    %max3A_1375 = vector.broadcast %max3A_1374 : f32 to vector<256x1024xf32>
    %max3A_1376 = arith.maximumf %sub3A_1373, %max3A_1375 : vector<256x1024xf32>
    %div3A_1377 = arith.divf %mul3A_1368, %max3A_1376 : vector<256x1024xf32>
    %gt3A_1378 = arith.constant 1.000000e-01 : f32
    %gt3A_1379 = vector.broadcast %gt3A_1378 : f32 to vector<256x1024xf32>
    %gt3A_1380 = arith.cmpf ogt, %div3A_1377, %gt3A_1379 : vector<256x1024xf32>
    %jit3A_1381 = arith.constant 1.000000e+00 : f32
    %jit3A_1382 = arith.constant 0.000000e+00 : f32
    %broadcast_in_dim3A_1383 = vector.broadcast %jit3A_1381 : f32 to vector<256x1024xf32>
    %broadcast_in_dim3A_1384 = vector.broadcast %jit3A_1382 : f32 to vector<256x1024xf32>
    %select_n3A_1385 = arith.select %gt3A_1380, %broadcast_in_dim3A_1383, %broadcast_in_dim3A_1384 : vector<256x1024xi1>, vector<256x1024xf32>
    %slice3A_1386 = vector.extract_strided_slice %select_n3A_1385 {offsets = [0, 0], sizes = [256, 256], strides = [1, 1]} : vector<256x1024xf32> to vector<256x256xf32>
    %mul3A_1387 = arith.mulf %slice3A_1386, %select_n3A_46 : vector<256x256xf32>
    %slice3A_1388 = vector.extract_strided_slice %select_n3A_1295 {offsets = [0, 0], sizes = [1, 256], strides = [1, 1]} : vector<1x1024xf32> to vector<1x256xf32>
    %while3A_1389 = arith.constant false
    %while3A_1390:2 = scf.while (%while3A_1781 = %slice3A_1388, %while3A_1782 = %while3A_1389) : (vector<1x256xf32>, i1) -> (vector<1x256xf32>, i1) {
      %not3A = arith.constant true
      %not3A_1783 = arith.xori %while3A_1782, %not3A : i1
      scf.condition(%not3A_1783) %while3A_1781, %while3A_1782 : vector<1x256xf32>, i1
    } do {
    ^bb0(%while3A_1781: vector<1x256xf32>, %while3A_1782: i1):
      %dot_general3A_1783 = arith.constant dense<0.000000e+00> : vector<1x256xf32>
      %dot_general3A_1784 = tpu.matmul %while3A_1781, %mul3A_1387, %dot_general3A_1783 {dimension_numbers = #tpu.dot_dimension_numbers<[1], [0], [0], [1], [0, 0, 1, 1], [], []>, transpose_lhs_hint = false} : vector<1x256xf32>, vector<256x256xf32>, vector<1x256xf32> -> vector<1x256xf32>
      %gt3A_1785 = arith.constant 0.000000e+00 : f32
      %gt3A_1786 = vector.broadcast %gt3A_1785 : f32 to vector<1x256xf32>
      %gt3A_1787 = arith.cmpf ogt, %dot_general3A_1784, %gt3A_1786 : vector<1x256xf32>
      %jit3A_1788 = arith.constant 0.000000e+00 : f32
      %broadcast_in_dim3A_1789 = vector.broadcast %jit3A_1788 : f32 to vector<1x256xf32>
      %select_n3A_1790 = arith.select %gt3A_1787, %broadcast_in_dim3A_1789, %slice3A_1388 : vector<1x256xi1>, vector<1x256xf32>
      %eq3A_1791 = arith.cmpf oeq, %select_n3A_1790, %while3A_1781 : vector<1x256xf32>
      %reduce_and3A = arith.constant 1.000000e+00 : f32
      %reduce_and3A_1792 = arith.constant 0.000000e+00 : f32
      %reduce_and3A_1793 = vector.broadcast %reduce_and3A : f32 to vector<1x256xf32>
      %reduce_and3A_1794 = vector.broadcast %reduce_and3A_1792 : f32 to vector<1x256xf32>
      %reduce_and3A_1795 = arith.select %eq3A_1791, %reduce_and3A_1793, %reduce_and3A_1794 : vector<1x256xi1>, vector<1x256xf32>
      %reduce_and3A_1796 = vector.shape_cast %reduce_and3A_1795 : vector<1x256xf32> to vector<1x1x256xf32>
      %reduce_and3A_1797 = arith.constant dense<0x7F800000> : vector<1xf32>
      %reduce_and3A_1798 = vector.multi_reduction <minimumf>, %reduce_and3A_1796, %reduce_and3A_1797 [1, 2] : vector<1x1x256xf32> to vector<1xf32>
      %reduce_and3A_1799 = vector.shape_cast %reduce_and3A_1798 : vector<1xf32> to vector<1x1x1xf32>
      %reduce_and3A_1800 = vector.extract %reduce_and3A_1799[0, 0, 0] : f32 from vector<1x1x1xf32>
      %reduce_and3A_1801 = arith.constant 0.000000e+00 : f32
      %reduce_and3A_1802 = arith.cmpf ogt, %reduce_and3A_1800, %reduce_and3A_1801 : f32
      scf.yield %select_n3A_1790, %reduce_and3A_1802 : vector<1x256xf32>, i1
    }
    %slice3A_1391 = vector.extract_strided_slice %select_n3A_1385 {offsets = [0, 256], sizes = [256, 768], strides = [1, 1]} : vector<256x1024xf32> to vector<256x768xf32>
    %dot_general3A_1392 = arith.constant dense<0.000000e+00> : vector<1x768xf32>
    %dot_general3A_1393 = tpu.matmul %while3A_1390#0, %slice3A_1391, %dot_general3A_1392 {dimension_numbers = #tpu.dot_dimension_numbers<[1], [0], [0], [1], [0, 0, 1, 1], [], []>, transpose_lhs_hint = false} : vector<1x256xf32>, vector<256x768xf32>, vector<1x768xf32> -> vector<1x768xf32>
    %gt3A_1394 = arith.constant 0.000000e+00 : f32
    %gt3A_1395 = vector.broadcast %gt3A_1394 : f32 to vector<1x768xf32>
    %gt3A_1396 = arith.cmpf ogt, %dot_general3A_1393, %gt3A_1395 : vector<1x768xf32>
    %slice3A_1397 = vector.extract_strided_slice %select_n3A_1295 {offsets = [0, 256], sizes = [1, 768], strides = [1, 1]} : vector<1x1024xf32> to vector<1x768xf32>
    %jit3A_1398 = arith.constant 0.000000e+00 : f32
    %broadcast_in_dim3A_1399 = vector.broadcast %jit3A_1398 : f32 to vector<1x768xf32>
    %select_n3A_1400 = arith.select %gt3A_1396, %broadcast_in_dim3A_1399, %slice3A_1397 : vector<1x768xi1>, vector<1x768xf32>
    %get3A_1401 = arith.constant 3328 : index
    %get3A_1402 = arith.constant 0 : index
    %get3A_1403 = vector.load %arg0[%get3A_1401, %get3A_1402] : memref<4096x16xf32, #tpu.memory_space<vmem>>, vector<256x16xf32>
    %slice3A_1404 = vector.extract_strided_slice %get3A_1403 {offsets = [0, 0], sizes = [256, 1], strides = [1, 1]} : vector<256x16xf32> to vector<256x1xf32>
    %slice3A_1405 = vector.extract_strided_slice %get3A_1403 {offsets = [0, 1], sizes = [256, 1], strides = [1, 1]} : vector<256x16xf32> to vector<256x1xf32>
    %slice3A_1406 = vector.extract_strided_slice %get3A_1403 {offsets = [0, 2], sizes = [256, 1], strides = [1, 1]} : vector<256x16xf32> to vector<256x1xf32>
    %slice3A_1407 = vector.extract_strided_slice %get3A_1403 {offsets = [0, 3], sizes = [256, 1], strides = [1, 1]} : vector<256x16xf32> to vector<256x1xf32>
    %slice3A_1408 = vector.extract_strided_slice %get3A_1403 {offsets = [0, 4], sizes = [256, 1], strides = [1, 1]} : vector<256x16xf32> to vector<256x1xf32>
    %slice3A_1409 = vector.extract_strided_slice %get3A_1403 {offsets = [0, 5], sizes = [256, 1], strides = [1, 1]} : vector<256x16xf32> to vector<256x1xf32>
    %div3A_1410 = arith.constant 2.000000e+00 : f32
    %div3A_1411 = vector.broadcast %div3A_1410 : f32 to vector<256x1xf32>
    %div3A_1412 = arith.divf %slice3A_1407, %div3A_1411 : vector<256x1xf32>
    %sub3A_1413 = arith.subf %slice3A_1404, %div3A_1412 : vector<256x1xf32>
    %div3A_1414 = arith.constant 2.000000e+00 : f32
    %div3A_1415 = vector.broadcast %div3A_1414 : f32 to vector<256x1xf32>
    %div3A_1416 = arith.divf %slice3A_1407, %div3A_1415 : vector<256x1xf32>
    %add3A_1417 = arith.addf %slice3A_1404, %div3A_1416 : vector<256x1xf32>
    %div3A_1418 = arith.constant 2.000000e+00 : f32
    %div3A_1419 = vector.broadcast %div3A_1418 : f32 to vector<256x1xf32>
    %div3A_1420 = arith.divf %slice3A_1408, %div3A_1419 : vector<256x1xf32>
    %sub3A_1421 = arith.subf %slice3A_1405, %div3A_1420 : vector<256x1xf32>
    %div3A_1422 = arith.constant 2.000000e+00 : f32
    %div3A_1423 = vector.broadcast %div3A_1422 : f32 to vector<256x1xf32>
    %div3A_1424 = arith.divf %slice3A_1408, %div3A_1423 : vector<256x1xf32>
    %add3A_1425 = arith.addf %slice3A_1405, %div3A_1424 : vector<256x1xf32>
    %div3A_1426 = arith.constant 2.000000e+00 : f32
    %div3A_1427 = vector.broadcast %div3A_1426 : f32 to vector<256x1xf32>
    %div3A_1428 = arith.divf %slice3A_1409, %div3A_1427 : vector<256x1xf32>
    %sub3A_1429 = arith.subf %slice3A_1406, %div3A_1428 : vector<256x1xf32>
    %div3A_1430 = arith.constant 2.000000e+00 : f32
    %div3A_1431 = vector.broadcast %div3A_1430 : f32 to vector<256x1xf32>
    %div3A_1432 = arith.divf %slice3A_1409, %div3A_1431 : vector<256x1xf32>
    %add3A_1433 = arith.addf %slice3A_1406, %div3A_1432 : vector<256x1xf32>
    %mul3A_1434 = arith.mulf %slice3A_1407, %slice3A_1408 : vector<256x1xf32>
    %mul3A_1435 = arith.mulf %mul3A_1434, %slice3A_1409 : vector<256x1xf32>
    %slice3A_1436 = vector.extract_strided_slice %add3A {offsets = [0, 3328], sizes = [1, 768], strides = [1, 1]} : vector<1x4096xf32> to vector<1x768xf32>
    %min3A_1437 = vector.broadcast %add3A_1417 : vector<256x1xf32> to vector<256x768xf32>
    %min3A_1438 = vector.broadcast %slice3A_1436 : vector<1x768xf32> to vector<256x768xf32>
    %min3A_1439 = arith.minimumf %min3A_1437, %min3A_1438 : vector<256x768xf32>
    %slice3A_1440 = vector.extract_strided_slice %sub3A {offsets = [0, 3328], sizes = [1, 768], strides = [1, 1]} : vector<1x4096xf32> to vector<1x768xf32>
    %max3A_1441 = vector.broadcast %sub3A_1413 : vector<256x1xf32> to vector<256x768xf32>
    %max3A_1442 = vector.broadcast %slice3A_1440 : vector<1x768xf32> to vector<256x768xf32>
    %max3A_1443 = arith.maximumf %max3A_1441, %max3A_1442 : vector<256x768xf32>
    %sub3A_1444 = arith.subf %min3A_1439, %max3A_1443 : vector<256x768xf32>
    %max3A_1445 = arith.constant 0.000000e+00 : f32
    %max3A_1446 = vector.broadcast %max3A_1445 : f32 to vector<256x768xf32>
    %max3A_1447 = arith.maximumf %sub3A_1444, %max3A_1446 : vector<256x768xf32>
    %slice3A_1448 = vector.extract_strided_slice %add3A_25 {offsets = [0, 3328], sizes = [1, 768], strides = [1, 1]} : vector<1x4096xf32> to vector<1x768xf32>
    %min3A_1449 = vector.broadcast %add3A_1425 : vector<256x1xf32> to vector<256x768xf32>
    %min3A_1450 = vector.broadcast %slice3A_1448 : vector<1x768xf32> to vector<256x768xf32>
    %min3A_1451 = arith.minimumf %min3A_1449, %min3A_1450 : vector<256x768xf32>
    %slice3A_1452 = vector.extract_strided_slice %sub3A_21 {offsets = [0, 3328], sizes = [1, 768], strides = [1, 1]} : vector<1x4096xf32> to vector<1x768xf32>
    %max3A_1453 = vector.broadcast %sub3A_1421 : vector<256x1xf32> to vector<256x768xf32>
    %max3A_1454 = vector.broadcast %slice3A_1452 : vector<1x768xf32> to vector<256x768xf32>
    %max3A_1455 = arith.maximumf %max3A_1453, %max3A_1454 : vector<256x768xf32>
    %sub3A_1456 = arith.subf %min3A_1451, %max3A_1455 : vector<256x768xf32>
    %max3A_1457 = arith.constant 0.000000e+00 : f32
    %max3A_1458 = vector.broadcast %max3A_1457 : f32 to vector<256x768xf32>
    %max3A_1459 = arith.maximumf %sub3A_1456, %max3A_1458 : vector<256x768xf32>
    %slice3A_1460 = vector.extract_strided_slice %add3A_33 {offsets = [0, 3328], sizes = [1, 768], strides = [1, 1]} : vector<1x4096xf32> to vector<1x768xf32>
    %min3A_1461 = vector.broadcast %add3A_1433 : vector<256x1xf32> to vector<256x768xf32>
    %min3A_1462 = vector.broadcast %slice3A_1460 : vector<1x768xf32> to vector<256x768xf32>
    %min3A_1463 = arith.minimumf %min3A_1461, %min3A_1462 : vector<256x768xf32>
    %slice3A_1464 = vector.extract_strided_slice %sub3A_29 {offsets = [0, 3328], sizes = [1, 768], strides = [1, 1]} : vector<1x4096xf32> to vector<1x768xf32>
    %max3A_1465 = vector.broadcast %sub3A_1429 : vector<256x1xf32> to vector<256x768xf32>
    %max3A_1466 = vector.broadcast %slice3A_1464 : vector<1x768xf32> to vector<256x768xf32>
    %max3A_1467 = arith.maximumf %max3A_1465, %max3A_1466 : vector<256x768xf32>
    %sub3A_1468 = arith.subf %min3A_1463, %max3A_1467 : vector<256x768xf32>
    %max3A_1469 = arith.constant 0.000000e+00 : f32
    %max3A_1470 = vector.broadcast %max3A_1469 : f32 to vector<256x768xf32>
    %max3A_1471 = arith.maximumf %sub3A_1468, %max3A_1470 : vector<256x768xf32>
    %mul3A_1472 = arith.mulf %max3A_1447, %max3A_1459 : vector<256x768xf32>
    %mul3A_1473 = arith.mulf %mul3A_1472, %max3A_1471 : vector<256x768xf32>
    %slice3A_1474 = vector.extract_strided_slice %mul3A_34 {offsets = [0, 3328], sizes = [1, 768], strides = [1, 1]} : vector<1x4096xf32> to vector<1x768xf32>
    %add3A_1475 = vector.broadcast %mul3A_1435 : vector<256x1xf32> to vector<256x768xf32>
    %add3A_1476 = vector.broadcast %slice3A_1474 : vector<1x768xf32> to vector<256x768xf32>
    %add3A_1477 = arith.addf %add3A_1475, %add3A_1476 : vector<256x768xf32>
    %sub3A_1478 = arith.subf %add3A_1477, %mul3A_1473 : vector<256x768xf32>
    %max3A_1479 = arith.constant 9.99999997E-7 : f32
    %max3A_1480 = vector.broadcast %max3A_1479 : f32 to vector<256x768xf32>
    %max3A_1481 = arith.maximumf %sub3A_1478, %max3A_1480 : vector<256x768xf32>
    %div3A_1482 = arith.divf %mul3A_1473, %max3A_1481 : vector<256x768xf32>
    %gt3A_1483 = arith.constant 1.000000e-01 : f32
    %gt3A_1484 = vector.broadcast %gt3A_1483 : f32 to vector<256x768xf32>
    %gt3A_1485 = arith.cmpf ogt, %div3A_1482, %gt3A_1484 : vector<256x768xf32>
    %jit3A_1486 = arith.constant 1.000000e+00 : f32
    %jit3A_1487 = arith.constant 0.000000e+00 : f32
    %broadcast_in_dim3A_1488 = vector.broadcast %jit3A_1486 : f32 to vector<256x768xf32>
    %broadcast_in_dim3A_1489 = vector.broadcast %jit3A_1487 : f32 to vector<256x768xf32>
    %select_n3A_1490 = arith.select %gt3A_1485, %broadcast_in_dim3A_1488, %broadcast_in_dim3A_1489 : vector<256x768xi1>, vector<256x768xf32>
    %slice3A_1491 = vector.extract_strided_slice %select_n3A_1490 {offsets = [0, 0], sizes = [256, 256], strides = [1, 1]} : vector<256x768xf32> to vector<256x256xf32>
    %mul3A_1492 = arith.mulf %slice3A_1491, %select_n3A_46 : vector<256x256xf32>
    %slice3A_1493 = vector.extract_strided_slice %select_n3A_1400 {offsets = [0, 0], sizes = [1, 256], strides = [1, 1]} : vector<1x768xf32> to vector<1x256xf32>
    %while3A_1494 = arith.constant false
    %while3A_1495:2 = scf.while (%while3A_1781 = %slice3A_1493, %while3A_1782 = %while3A_1494) : (vector<1x256xf32>, i1) -> (vector<1x256xf32>, i1) {
      %not3A = arith.constant true
      %not3A_1783 = arith.xori %while3A_1782, %not3A : i1
      scf.condition(%not3A_1783) %while3A_1781, %while3A_1782 : vector<1x256xf32>, i1
    } do {
    ^bb0(%while3A_1781: vector<1x256xf32>, %while3A_1782: i1):
      %dot_general3A_1783 = arith.constant dense<0.000000e+00> : vector<1x256xf32>
      %dot_general3A_1784 = tpu.matmul %while3A_1781, %mul3A_1492, %dot_general3A_1783 {dimension_numbers = #tpu.dot_dimension_numbers<[1], [0], [0], [1], [0, 0, 1, 1], [], []>, transpose_lhs_hint = false} : vector<1x256xf32>, vector<256x256xf32>, vector<1x256xf32> -> vector<1x256xf32>
      %gt3A_1785 = arith.constant 0.000000e+00 : f32
      %gt3A_1786 = vector.broadcast %gt3A_1785 : f32 to vector<1x256xf32>
      %gt3A_1787 = arith.cmpf ogt, %dot_general3A_1784, %gt3A_1786 : vector<1x256xf32>
      %jit3A_1788 = arith.constant 0.000000e+00 : f32
      %broadcast_in_dim3A_1789 = vector.broadcast %jit3A_1788 : f32 to vector<1x256xf32>
      %select_n3A_1790 = arith.select %gt3A_1787, %broadcast_in_dim3A_1789, %slice3A_1493 : vector<1x256xi1>, vector<1x256xf32>
      %eq3A_1791 = arith.cmpf oeq, %select_n3A_1790, %while3A_1781 : vector<1x256xf32>
      %reduce_and3A = arith.constant 1.000000e+00 : f32
      %reduce_and3A_1792 = arith.constant 0.000000e+00 : f32
      %reduce_and3A_1793 = vector.broadcast %reduce_and3A : f32 to vector<1x256xf32>
      %reduce_and3A_1794 = vector.broadcast %reduce_and3A_1792 : f32 to vector<1x256xf32>
      %reduce_and3A_1795 = arith.select %eq3A_1791, %reduce_and3A_1793, %reduce_and3A_1794 : vector<1x256xi1>, vector<1x256xf32>
      %reduce_and3A_1796 = vector.shape_cast %reduce_and3A_1795 : vector<1x256xf32> to vector<1x1x256xf32>
      %reduce_and3A_1797 = arith.constant dense<0x7F800000> : vector<1xf32>
      %reduce_and3A_1798 = vector.multi_reduction <minimumf>, %reduce_and3A_1796, %reduce_and3A_1797 [1, 2] : vector<1x1x256xf32> to vector<1xf32>
      %reduce_and3A_1799 = vector.shape_cast %reduce_and3A_1798 : vector<1xf32> to vector<1x1x1xf32>
      %reduce_and3A_1800 = vector.extract %reduce_and3A_1799[0, 0, 0] : f32 from vector<1x1x1xf32>
      %reduce_and3A_1801 = arith.constant 0.000000e+00 : f32
      %reduce_and3A_1802 = arith.cmpf ogt, %reduce_and3A_1800, %reduce_and3A_1801 : f32
      scf.yield %select_n3A_1790, %reduce_and3A_1802 : vector<1x256xf32>, i1
    }
    %slice3A_1496 = vector.extract_strided_slice %select_n3A_1490 {offsets = [0, 256], sizes = [256, 512], strides = [1, 1]} : vector<256x768xf32> to vector<256x512xf32>
    %dot_general3A_1497 = arith.constant dense<0.000000e+00> : vector<1x512xf32>
    %dot_general3A_1498 = tpu.matmul %while3A_1495#0, %slice3A_1496, %dot_general3A_1497 {dimension_numbers = #tpu.dot_dimension_numbers<[1], [0], [0], [1], [0, 0, 1, 1], [], []>, transpose_lhs_hint = false} : vector<1x256xf32>, vector<256x512xf32>, vector<1x512xf32> -> vector<1x512xf32>
    %gt3A_1499 = arith.constant 0.000000e+00 : f32
    %gt3A_1500 = vector.broadcast %gt3A_1499 : f32 to vector<1x512xf32>
    %gt3A_1501 = arith.cmpf ogt, %dot_general3A_1498, %gt3A_1500 : vector<1x512xf32>
    %slice3A_1502 = vector.extract_strided_slice %select_n3A_1400 {offsets = [0, 256], sizes = [1, 512], strides = [1, 1]} : vector<1x768xf32> to vector<1x512xf32>
    %jit3A_1503 = arith.constant 0.000000e+00 : f32
    %broadcast_in_dim3A_1504 = vector.broadcast %jit3A_1503 : f32 to vector<1x512xf32>
    %select_n3A_1505 = arith.select %gt3A_1501, %broadcast_in_dim3A_1504, %slice3A_1502 : vector<1x512xi1>, vector<1x512xf32>
    %get3A_1506 = arith.constant 3584 : index
    %get3A_1507 = arith.constant 0 : index
    %get3A_1508 = vector.load %arg0[%get3A_1506, %get3A_1507] : memref<4096x16xf32, #tpu.memory_space<vmem>>, vector<256x16xf32>
    %slice3A_1509 = vector.extract_strided_slice %get3A_1508 {offsets = [0, 0], sizes = [256, 1], strides = [1, 1]} : vector<256x16xf32> to vector<256x1xf32>
    %slice3A_1510 = vector.extract_strided_slice %get3A_1508 {offsets = [0, 1], sizes = [256, 1], strides = [1, 1]} : vector<256x16xf32> to vector<256x1xf32>
    %slice3A_1511 = vector.extract_strided_slice %get3A_1508 {offsets = [0, 2], sizes = [256, 1], strides = [1, 1]} : vector<256x16xf32> to vector<256x1xf32>
    %slice3A_1512 = vector.extract_strided_slice %get3A_1508 {offsets = [0, 3], sizes = [256, 1], strides = [1, 1]} : vector<256x16xf32> to vector<256x1xf32>
    %slice3A_1513 = vector.extract_strided_slice %get3A_1508 {offsets = [0, 4], sizes = [256, 1], strides = [1, 1]} : vector<256x16xf32> to vector<256x1xf32>
    %slice3A_1514 = vector.extract_strided_slice %get3A_1508 {offsets = [0, 5], sizes = [256, 1], strides = [1, 1]} : vector<256x16xf32> to vector<256x1xf32>
    %div3A_1515 = arith.constant 2.000000e+00 : f32
    %div3A_1516 = vector.broadcast %div3A_1515 : f32 to vector<256x1xf32>
    %div3A_1517 = arith.divf %slice3A_1512, %div3A_1516 : vector<256x1xf32>
    %sub3A_1518 = arith.subf %slice3A_1509, %div3A_1517 : vector<256x1xf32>
    %div3A_1519 = arith.constant 2.000000e+00 : f32
    %div3A_1520 = vector.broadcast %div3A_1519 : f32 to vector<256x1xf32>
    %div3A_1521 = arith.divf %slice3A_1512, %div3A_1520 : vector<256x1xf32>
    %add3A_1522 = arith.addf %slice3A_1509, %div3A_1521 : vector<256x1xf32>
    %div3A_1523 = arith.constant 2.000000e+00 : f32
    %div3A_1524 = vector.broadcast %div3A_1523 : f32 to vector<256x1xf32>
    %div3A_1525 = arith.divf %slice3A_1513, %div3A_1524 : vector<256x1xf32>
    %sub3A_1526 = arith.subf %slice3A_1510, %div3A_1525 : vector<256x1xf32>
    %div3A_1527 = arith.constant 2.000000e+00 : f32
    %div3A_1528 = vector.broadcast %div3A_1527 : f32 to vector<256x1xf32>
    %div3A_1529 = arith.divf %slice3A_1513, %div3A_1528 : vector<256x1xf32>
    %add3A_1530 = arith.addf %slice3A_1510, %div3A_1529 : vector<256x1xf32>
    %div3A_1531 = arith.constant 2.000000e+00 : f32
    %div3A_1532 = vector.broadcast %div3A_1531 : f32 to vector<256x1xf32>
    %div3A_1533 = arith.divf %slice3A_1514, %div3A_1532 : vector<256x1xf32>
    %sub3A_1534 = arith.subf %slice3A_1511, %div3A_1533 : vector<256x1xf32>
    %div3A_1535 = arith.constant 2.000000e+00 : f32
    %div3A_1536 = vector.broadcast %div3A_1535 : f32 to vector<256x1xf32>
    %div3A_1537 = arith.divf %slice3A_1514, %div3A_1536 : vector<256x1xf32>
    %add3A_1538 = arith.addf %slice3A_1511, %div3A_1537 : vector<256x1xf32>
    %mul3A_1539 = arith.mulf %slice3A_1512, %slice3A_1513 : vector<256x1xf32>
    %mul3A_1540 = arith.mulf %mul3A_1539, %slice3A_1514 : vector<256x1xf32>
    %slice3A_1541 = vector.extract_strided_slice %add3A {offsets = [0, 3584], sizes = [1, 512], strides = [1, 1]} : vector<1x4096xf32> to vector<1x512xf32>
    %min3A_1542 = vector.broadcast %add3A_1522 : vector<256x1xf32> to vector<256x512xf32>
    %min3A_1543 = vector.broadcast %slice3A_1541 : vector<1x512xf32> to vector<256x512xf32>
    %min3A_1544 = arith.minimumf %min3A_1542, %min3A_1543 : vector<256x512xf32>
    %slice3A_1545 = vector.extract_strided_slice %sub3A {offsets = [0, 3584], sizes = [1, 512], strides = [1, 1]} : vector<1x4096xf32> to vector<1x512xf32>
    %max3A_1546 = vector.broadcast %sub3A_1518 : vector<256x1xf32> to vector<256x512xf32>
    %max3A_1547 = vector.broadcast %slice3A_1545 : vector<1x512xf32> to vector<256x512xf32>
    %max3A_1548 = arith.maximumf %max3A_1546, %max3A_1547 : vector<256x512xf32>
    %sub3A_1549 = arith.subf %min3A_1544, %max3A_1548 : vector<256x512xf32>
    %max3A_1550 = arith.constant 0.000000e+00 : f32
    %max3A_1551 = vector.broadcast %max3A_1550 : f32 to vector<256x512xf32>
    %max3A_1552 = arith.maximumf %sub3A_1549, %max3A_1551 : vector<256x512xf32>
    %slice3A_1553 = vector.extract_strided_slice %add3A_25 {offsets = [0, 3584], sizes = [1, 512], strides = [1, 1]} : vector<1x4096xf32> to vector<1x512xf32>
    %min3A_1554 = vector.broadcast %add3A_1530 : vector<256x1xf32> to vector<256x512xf32>
    %min3A_1555 = vector.broadcast %slice3A_1553 : vector<1x512xf32> to vector<256x512xf32>
    %min3A_1556 = arith.minimumf %min3A_1554, %min3A_1555 : vector<256x512xf32>
    %slice3A_1557 = vector.extract_strided_slice %sub3A_21 {offsets = [0, 3584], sizes = [1, 512], strides = [1, 1]} : vector<1x4096xf32> to vector<1x512xf32>
    %max3A_1558 = vector.broadcast %sub3A_1526 : vector<256x1xf32> to vector<256x512xf32>
    %max3A_1559 = vector.broadcast %slice3A_1557 : vector<1x512xf32> to vector<256x512xf32>
    %max3A_1560 = arith.maximumf %max3A_1558, %max3A_1559 : vector<256x512xf32>
    %sub3A_1561 = arith.subf %min3A_1556, %max3A_1560 : vector<256x512xf32>
    %max3A_1562 = arith.constant 0.000000e+00 : f32
    %max3A_1563 = vector.broadcast %max3A_1562 : f32 to vector<256x512xf32>
    %max3A_1564 = arith.maximumf %sub3A_1561, %max3A_1563 : vector<256x512xf32>
    %slice3A_1565 = vector.extract_strided_slice %add3A_33 {offsets = [0, 3584], sizes = [1, 512], strides = [1, 1]} : vector<1x4096xf32> to vector<1x512xf32>
    %min3A_1566 = vector.broadcast %add3A_1538 : vector<256x1xf32> to vector<256x512xf32>
    %min3A_1567 = vector.broadcast %slice3A_1565 : vector<1x512xf32> to vector<256x512xf32>
    %min3A_1568 = arith.minimumf %min3A_1566, %min3A_1567 : vector<256x512xf32>
    %slice3A_1569 = vector.extract_strided_slice %sub3A_29 {offsets = [0, 3584], sizes = [1, 512], strides = [1, 1]} : vector<1x4096xf32> to vector<1x512xf32>
    %max3A_1570 = vector.broadcast %sub3A_1534 : vector<256x1xf32> to vector<256x512xf32>
    %max3A_1571 = vector.broadcast %slice3A_1569 : vector<1x512xf32> to vector<256x512xf32>
    %max3A_1572 = arith.maximumf %max3A_1570, %max3A_1571 : vector<256x512xf32>
    %sub3A_1573 = arith.subf %min3A_1568, %max3A_1572 : vector<256x512xf32>
    %max3A_1574 = arith.constant 0.000000e+00 : f32
    %max3A_1575 = vector.broadcast %max3A_1574 : f32 to vector<256x512xf32>
    %max3A_1576 = arith.maximumf %sub3A_1573, %max3A_1575 : vector<256x512xf32>
    %mul3A_1577 = arith.mulf %max3A_1552, %max3A_1564 : vector<256x512xf32>
    %mul3A_1578 = arith.mulf %mul3A_1577, %max3A_1576 : vector<256x512xf32>
    %slice3A_1579 = vector.extract_strided_slice %mul3A_34 {offsets = [0, 3584], sizes = [1, 512], strides = [1, 1]} : vector<1x4096xf32> to vector<1x512xf32>
    %add3A_1580 = vector.broadcast %mul3A_1540 : vector<256x1xf32> to vector<256x512xf32>
    %add3A_1581 = vector.broadcast %slice3A_1579 : vector<1x512xf32> to vector<256x512xf32>
    %add3A_1582 = arith.addf %add3A_1580, %add3A_1581 : vector<256x512xf32>
    %sub3A_1583 = arith.subf %add3A_1582, %mul3A_1578 : vector<256x512xf32>
    %max3A_1584 = arith.constant 9.99999997E-7 : f32
    %max3A_1585 = vector.broadcast %max3A_1584 : f32 to vector<256x512xf32>
    %max3A_1586 = arith.maximumf %sub3A_1583, %max3A_1585 : vector<256x512xf32>
    %div3A_1587 = arith.divf %mul3A_1578, %max3A_1586 : vector<256x512xf32>
    %gt3A_1588 = arith.constant 1.000000e-01 : f32
    %gt3A_1589 = vector.broadcast %gt3A_1588 : f32 to vector<256x512xf32>
    %gt3A_1590 = arith.cmpf ogt, %div3A_1587, %gt3A_1589 : vector<256x512xf32>
    %jit3A_1591 = arith.constant 1.000000e+00 : f32
    %jit3A_1592 = arith.constant 0.000000e+00 : f32
    %broadcast_in_dim3A_1593 = vector.broadcast %jit3A_1591 : f32 to vector<256x512xf32>
    %broadcast_in_dim3A_1594 = vector.broadcast %jit3A_1592 : f32 to vector<256x512xf32>
    %select_n3A_1595 = arith.select %gt3A_1590, %broadcast_in_dim3A_1593, %broadcast_in_dim3A_1594 : vector<256x512xi1>, vector<256x512xf32>
    %slice3A_1596 = vector.extract_strided_slice %select_n3A_1595 {offsets = [0, 0], sizes = [256, 256], strides = [1, 1]} : vector<256x512xf32> to vector<256x256xf32>
    %mul3A_1597 = arith.mulf %slice3A_1596, %select_n3A_46 : vector<256x256xf32>
    %slice3A_1598 = vector.extract_strided_slice %select_n3A_1505 {offsets = [0, 0], sizes = [1, 256], strides = [1, 1]} : vector<1x512xf32> to vector<1x256xf32>
    %while3A_1599 = arith.constant false
    %while3A_1600:2 = scf.while (%while3A_1781 = %slice3A_1598, %while3A_1782 = %while3A_1599) : (vector<1x256xf32>, i1) -> (vector<1x256xf32>, i1) {
      %not3A = arith.constant true
      %not3A_1783 = arith.xori %while3A_1782, %not3A : i1
      scf.condition(%not3A_1783) %while3A_1781, %while3A_1782 : vector<1x256xf32>, i1
    } do {
    ^bb0(%while3A_1781: vector<1x256xf32>, %while3A_1782: i1):
      %dot_general3A_1783 = arith.constant dense<0.000000e+00> : vector<1x256xf32>
      %dot_general3A_1784 = tpu.matmul %while3A_1781, %mul3A_1597, %dot_general3A_1783 {dimension_numbers = #tpu.dot_dimension_numbers<[1], [0], [0], [1], [0, 0, 1, 1], [], []>, transpose_lhs_hint = false} : vector<1x256xf32>, vector<256x256xf32>, vector<1x256xf32> -> vector<1x256xf32>
      %gt3A_1785 = arith.constant 0.000000e+00 : f32
      %gt3A_1786 = vector.broadcast %gt3A_1785 : f32 to vector<1x256xf32>
      %gt3A_1787 = arith.cmpf ogt, %dot_general3A_1784, %gt3A_1786 : vector<1x256xf32>
      %jit3A_1788 = arith.constant 0.000000e+00 : f32
      %broadcast_in_dim3A_1789 = vector.broadcast %jit3A_1788 : f32 to vector<1x256xf32>
      %select_n3A_1790 = arith.select %gt3A_1787, %broadcast_in_dim3A_1789, %slice3A_1598 : vector<1x256xi1>, vector<1x256xf32>
      %eq3A_1791 = arith.cmpf oeq, %select_n3A_1790, %while3A_1781 : vector<1x256xf32>
      %reduce_and3A = arith.constant 1.000000e+00 : f32
      %reduce_and3A_1792 = arith.constant 0.000000e+00 : f32
      %reduce_and3A_1793 = vector.broadcast %reduce_and3A : f32 to vector<1x256xf32>
      %reduce_and3A_1794 = vector.broadcast %reduce_and3A_1792 : f32 to vector<1x256xf32>
      %reduce_and3A_1795 = arith.select %eq3A_1791, %reduce_and3A_1793, %reduce_and3A_1794 : vector<1x256xi1>, vector<1x256xf32>
      %reduce_and3A_1796 = vector.shape_cast %reduce_and3A_1795 : vector<1x256xf32> to vector<1x1x256xf32>
      %reduce_and3A_1797 = arith.constant dense<0x7F800000> : vector<1xf32>
      %reduce_and3A_1798 = vector.multi_reduction <minimumf>, %reduce_and3A_1796, %reduce_and3A_1797 [1, 2] : vector<1x1x256xf32> to vector<1xf32>
      %reduce_and3A_1799 = vector.shape_cast %reduce_and3A_1798 : vector<1xf32> to vector<1x1x1xf32>
      %reduce_and3A_1800 = vector.extract %reduce_and3A_1799[0, 0, 0] : f32 from vector<1x1x1xf32>
      %reduce_and3A_1801 = arith.constant 0.000000e+00 : f32
      %reduce_and3A_1802 = arith.cmpf ogt, %reduce_and3A_1800, %reduce_and3A_1801 : f32
      scf.yield %select_n3A_1790, %reduce_and3A_1802 : vector<1x256xf32>, i1
    }
    %slice3A_1601 = vector.extract_strided_slice %select_n3A_1595 {offsets = [0, 256], sizes = [256, 256], strides = [1, 1]} : vector<256x512xf32> to vector<256x256xf32>
    %dot_general3A_1602 = arith.constant dense<0.000000e+00> : vector<1x256xf32>
    %dot_general3A_1603 = tpu.matmul %while3A_1600#0, %slice3A_1601, %dot_general3A_1602 {dimension_numbers = #tpu.dot_dimension_numbers<[1], [0], [0], [1], [0, 0, 1, 1], [], []>, transpose_lhs_hint = false} : vector<1x256xf32>, vector<256x256xf32>, vector<1x256xf32> -> vector<1x256xf32>
    %gt3A_1604 = arith.constant 0.000000e+00 : f32
    %gt3A_1605 = vector.broadcast %gt3A_1604 : f32 to vector<1x256xf32>
    %gt3A_1606 = arith.cmpf ogt, %dot_general3A_1603, %gt3A_1605 : vector<1x256xf32>
    %slice3A_1607 = vector.extract_strided_slice %select_n3A_1505 {offsets = [0, 256], sizes = [1, 256], strides = [1, 1]} : vector<1x512xf32> to vector<1x256xf32>
    %jit3A_1608 = arith.constant 0.000000e+00 : f32
    %broadcast_in_dim3A_1609 = vector.broadcast %jit3A_1608 : f32 to vector<1x256xf32>
    %select_n3A_1610 = arith.select %gt3A_1606, %broadcast_in_dim3A_1609, %slice3A_1607 : vector<1x256xi1>, vector<1x256xf32>
    %get3A_1611 = arith.constant 3840 : index
    %get3A_1612 = arith.constant 0 : index
    %get3A_1613 = vector.load %arg0[%get3A_1611, %get3A_1612] : memref<4096x16xf32, #tpu.memory_space<vmem>>, vector<256x16xf32>
    %slice3A_1614 = vector.extract_strided_slice %get3A_1613 {offsets = [0, 0], sizes = [256, 1], strides = [1, 1]} : vector<256x16xf32> to vector<256x1xf32>
    %slice3A_1615 = vector.extract_strided_slice %get3A_1613 {offsets = [0, 1], sizes = [256, 1], strides = [1, 1]} : vector<256x16xf32> to vector<256x1xf32>
    %slice3A_1616 = vector.extract_strided_slice %get3A_1613 {offsets = [0, 2], sizes = [256, 1], strides = [1, 1]} : vector<256x16xf32> to vector<256x1xf32>
    %slice3A_1617 = vector.extract_strided_slice %get3A_1613 {offsets = [0, 3], sizes = [256, 1], strides = [1, 1]} : vector<256x16xf32> to vector<256x1xf32>
    %slice3A_1618 = vector.extract_strided_slice %get3A_1613 {offsets = [0, 4], sizes = [256, 1], strides = [1, 1]} : vector<256x16xf32> to vector<256x1xf32>
    %slice3A_1619 = vector.extract_strided_slice %get3A_1613 {offsets = [0, 5], sizes = [256, 1], strides = [1, 1]} : vector<256x16xf32> to vector<256x1xf32>
    %div3A_1620 = arith.constant 2.000000e+00 : f32
    %div3A_1621 = vector.broadcast %div3A_1620 : f32 to vector<256x1xf32>
    %div3A_1622 = arith.divf %slice3A_1617, %div3A_1621 : vector<256x1xf32>
    %sub3A_1623 = arith.subf %slice3A_1614, %div3A_1622 : vector<256x1xf32>
    %div3A_1624 = arith.constant 2.000000e+00 : f32
    %div3A_1625 = vector.broadcast %div3A_1624 : f32 to vector<256x1xf32>
    %div3A_1626 = arith.divf %slice3A_1617, %div3A_1625 : vector<256x1xf32>
    %add3A_1627 = arith.addf %slice3A_1614, %div3A_1626 : vector<256x1xf32>
    %div3A_1628 = arith.constant 2.000000e+00 : f32
    %div3A_1629 = vector.broadcast %div3A_1628 : f32 to vector<256x1xf32>
    %div3A_1630 = arith.divf %slice3A_1618, %div3A_1629 : vector<256x1xf32>
    %sub3A_1631 = arith.subf %slice3A_1615, %div3A_1630 : vector<256x1xf32>
    %div3A_1632 = arith.constant 2.000000e+00 : f32
    %div3A_1633 = vector.broadcast %div3A_1632 : f32 to vector<256x1xf32>
    %div3A_1634 = arith.divf %slice3A_1618, %div3A_1633 : vector<256x1xf32>
    %add3A_1635 = arith.addf %slice3A_1615, %div3A_1634 : vector<256x1xf32>
    %div3A_1636 = arith.constant 2.000000e+00 : f32
    %div3A_1637 = vector.broadcast %div3A_1636 : f32 to vector<256x1xf32>
    %div3A_1638 = arith.divf %slice3A_1619, %div3A_1637 : vector<256x1xf32>
    %sub3A_1639 = arith.subf %slice3A_1616, %div3A_1638 : vector<256x1xf32>
    %div3A_1640 = arith.constant 2.000000e+00 : f32
    %div3A_1641 = vector.broadcast %div3A_1640 : f32 to vector<256x1xf32>
    %div3A_1642 = arith.divf %slice3A_1619, %div3A_1641 : vector<256x1xf32>
    %add3A_1643 = arith.addf %slice3A_1616, %div3A_1642 : vector<256x1xf32>
    %mul3A_1644 = arith.mulf %slice3A_1617, %slice3A_1618 : vector<256x1xf32>
    %mul3A_1645 = arith.mulf %mul3A_1644, %slice3A_1619 : vector<256x1xf32>
    %slice3A_1646 = vector.extract_strided_slice %add3A {offsets = [0, 3840], sizes = [1, 256], strides = [1, 1]} : vector<1x4096xf32> to vector<1x256xf32>
    %min3A_1647 = vector.broadcast %add3A_1627 : vector<256x1xf32> to vector<256x256xf32>
    %min3A_1648 = vector.broadcast %slice3A_1646 : vector<1x256xf32> to vector<256x256xf32>
    %min3A_1649 = arith.minimumf %min3A_1647, %min3A_1648 : vector<256x256xf32>
    %slice3A_1650 = vector.extract_strided_slice %sub3A {offsets = [0, 3840], sizes = [1, 256], strides = [1, 1]} : vector<1x4096xf32> to vector<1x256xf32>
    %max3A_1651 = vector.broadcast %sub3A_1623 : vector<256x1xf32> to vector<256x256xf32>
    %max3A_1652 = vector.broadcast %slice3A_1650 : vector<1x256xf32> to vector<256x256xf32>
    %max3A_1653 = arith.maximumf %max3A_1651, %max3A_1652 : vector<256x256xf32>
    %sub3A_1654 = arith.subf %min3A_1649, %max3A_1653 : vector<256x256xf32>
    %max3A_1655 = arith.constant 0.000000e+00 : f32
    %max3A_1656 = vector.broadcast %max3A_1655 : f32 to vector<256x256xf32>
    %max3A_1657 = arith.maximumf %sub3A_1654, %max3A_1656 : vector<256x256xf32>
    %slice3A_1658 = vector.extract_strided_slice %add3A_25 {offsets = [0, 3840], sizes = [1, 256], strides = [1, 1]} : vector<1x4096xf32> to vector<1x256xf32>
    %min3A_1659 = vector.broadcast %add3A_1635 : vector<256x1xf32> to vector<256x256xf32>
    %min3A_1660 = vector.broadcast %slice3A_1658 : vector<1x256xf32> to vector<256x256xf32>
    %min3A_1661 = arith.minimumf %min3A_1659, %min3A_1660 : vector<256x256xf32>
    %slice3A_1662 = vector.extract_strided_slice %sub3A_21 {offsets = [0, 3840], sizes = [1, 256], strides = [1, 1]} : vector<1x4096xf32> to vector<1x256xf32>
    %max3A_1663 = vector.broadcast %sub3A_1631 : vector<256x1xf32> to vector<256x256xf32>
    %max3A_1664 = vector.broadcast %slice3A_1662 : vector<1x256xf32> to vector<256x256xf32>
    %max3A_1665 = arith.maximumf %max3A_1663, %max3A_1664 : vector<256x256xf32>
    %sub3A_1666 = arith.subf %min3A_1661, %max3A_1665 : vector<256x256xf32>
    %max3A_1667 = arith.constant 0.000000e+00 : f32
    %max3A_1668 = vector.broadcast %max3A_1667 : f32 to vector<256x256xf32>
    %max3A_1669 = arith.maximumf %sub3A_1666, %max3A_1668 : vector<256x256xf32>
    %slice3A_1670 = vector.extract_strided_slice %add3A_33 {offsets = [0, 3840], sizes = [1, 256], strides = [1, 1]} : vector<1x4096xf32> to vector<1x256xf32>
    %min3A_1671 = vector.broadcast %add3A_1643 : vector<256x1xf32> to vector<256x256xf32>
    %min3A_1672 = vector.broadcast %slice3A_1670 : vector<1x256xf32> to vector<256x256xf32>
    %min3A_1673 = arith.minimumf %min3A_1671, %min3A_1672 : vector<256x256xf32>
    %slice3A_1674 = vector.extract_strided_slice %sub3A_29 {offsets = [0, 3840], sizes = [1, 256], strides = [1, 1]} : vector<1x4096xf32> to vector<1x256xf32>
    %max3A_1675 = vector.broadcast %sub3A_1639 : vector<256x1xf32> to vector<256x256xf32>
    %max3A_1676 = vector.broadcast %slice3A_1674 : vector<1x256xf32> to vector<256x256xf32>
    %max3A_1677 = arith.maximumf %max3A_1675, %max3A_1676 : vector<256x256xf32>
    %sub3A_1678 = arith.subf %min3A_1673, %max3A_1677 : vector<256x256xf32>
    %max3A_1679 = arith.constant 0.000000e+00 : f32
    %max3A_1680 = vector.broadcast %max3A_1679 : f32 to vector<256x256xf32>
    %max3A_1681 = arith.maximumf %sub3A_1678, %max3A_1680 : vector<256x256xf32>
    %mul3A_1682 = arith.mulf %max3A_1657, %max3A_1669 : vector<256x256xf32>
    %mul3A_1683 = arith.mulf %mul3A_1682, %max3A_1681 : vector<256x256xf32>
    %slice3A_1684 = vector.extract_strided_slice %mul3A_34 {offsets = [0, 3840], sizes = [1, 256], strides = [1, 1]} : vector<1x4096xf32> to vector<1x256xf32>
    %add3A_1685 = vector.broadcast %mul3A_1645 : vector<256x1xf32> to vector<256x256xf32>
    %add3A_1686 = vector.broadcast %slice3A_1684 : vector<1x256xf32> to vector<256x256xf32>
    %add3A_1687 = arith.addf %add3A_1685, %add3A_1686 : vector<256x256xf32>
    %sub3A_1688 = arith.subf %add3A_1687, %mul3A_1683 : vector<256x256xf32>
    %max3A_1689 = arith.constant 9.99999997E-7 : f32
    %max3A_1690 = vector.broadcast %max3A_1689 : f32 to vector<256x256xf32>
    %max3A_1691 = arith.maximumf %sub3A_1688, %max3A_1690 : vector<256x256xf32>
    %div3A_1692 = arith.divf %mul3A_1683, %max3A_1691 : vector<256x256xf32>
    %gt3A_1693 = arith.constant 1.000000e-01 : f32
    %gt3A_1694 = vector.broadcast %gt3A_1693 : f32 to vector<256x256xf32>
    %gt3A_1695 = arith.cmpf ogt, %div3A_1692, %gt3A_1694 : vector<256x256xf32>
    %jit3A_1696 = arith.constant 1.000000e+00 : f32
    %jit3A_1697 = arith.constant 0.000000e+00 : f32
    %broadcast_in_dim3A_1698 = vector.broadcast %jit3A_1696 : f32 to vector<256x256xf32>
    %broadcast_in_dim3A_1699 = vector.broadcast %jit3A_1697 : f32 to vector<256x256xf32>
    %select_n3A_1700 = arith.select %gt3A_1695, %broadcast_in_dim3A_1698, %broadcast_in_dim3A_1699 : vector<256x256xi1>, vector<256x256xf32>
    %mul3A_1701 = arith.mulf %select_n3A_1700, %select_n3A_46 : vector<256x256xf32>
    %while3A_1702 = arith.constant false
    %while3A_1703:2 = scf.while (%while3A_1781 = %select_n3A_1610, %while3A_1782 = %while3A_1702) : (vector<1x256xf32>, i1) -> (vector<1x256xf32>, i1) {
      %not3A = arith.constant true
      %not3A_1783 = arith.xori %while3A_1782, %not3A : i1
      scf.condition(%not3A_1783) %while3A_1781, %while3A_1782 : vector<1x256xf32>, i1
    } do {
    ^bb0(%while3A_1781: vector<1x256xf32>, %while3A_1782: i1):
      %dot_general3A_1783 = arith.constant dense<0.000000e+00> : vector<1x256xf32>
      %dot_general3A_1784 = tpu.matmul %while3A_1781, %mul3A_1701, %dot_general3A_1783 {dimension_numbers = #tpu.dot_dimension_numbers<[1], [0], [0], [1], [0, 0, 1, 1], [], []>, transpose_lhs_hint = false} : vector<1x256xf32>, vector<256x256xf32>, vector<1x256xf32> -> vector<1x256xf32>
      %gt3A_1785 = arith.constant 0.000000e+00 : f32
      %gt3A_1786 = vector.broadcast %gt3A_1785 : f32 to vector<1x256xf32>
      %gt3A_1787 = arith.cmpf ogt, %dot_general3A_1784, %gt3A_1786 : vector<1x256xf32>
      %jit3A_1788 = arith.constant 0.000000e+00 : f32
      %broadcast_in_dim3A_1789 = vector.broadcast %jit3A_1788 : f32 to vector<1x256xf32>
      %select_n3A_1790 = arith.select %gt3A_1787, %broadcast_in_dim3A_1789, %select_n3A_1610 : vector<1x256xi1>, vector<1x256xf32>
      %eq3A_1791 = arith.cmpf oeq, %select_n3A_1790, %while3A_1781 : vector<1x256xf32>
      %reduce_and3A = arith.constant 1.000000e+00 : f32
      %reduce_and3A_1792 = arith.constant 0.000000e+00 : f32
      %reduce_and3A_1793 = vector.broadcast %reduce_and3A : f32 to vector<1x256xf32>
      %reduce_and3A_1794 = vector.broadcast %reduce_and3A_1792 : f32 to vector<1x256xf32>
      %reduce_and3A_1795 = arith.select %eq3A_1791, %reduce_and3A_1793, %reduce_and3A_1794 : vector<1x256xi1>, vector<1x256xf32>
      %reduce_and3A_1796 = vector.shape_cast %reduce_and3A_1795 : vector<1x256xf32> to vector<1x1x256xf32>
      %reduce_and3A_1797 = arith.constant dense<0x7F800000> : vector<1xf32>
      %reduce_and3A_1798 = vector.multi_reduction <minimumf>, %reduce_and3A_1796, %reduce_and3A_1797 [1, 2] : vector<1x1x256xf32> to vector<1xf32>
      %reduce_and3A_1799 = vector.shape_cast %reduce_and3A_1798 : vector<1xf32> to vector<1x1x1xf32>
      %reduce_and3A_1800 = vector.extract %reduce_and3A_1799[0, 0, 0] : f32 from vector<1x1x1xf32>
      %reduce_and3A_1801 = arith.constant 0.000000e+00 : f32
      %reduce_and3A_1802 = arith.cmpf ogt, %reduce_and3A_1800, %reduce_and3A_1801 : f32
      scf.yield %select_n3A_1790, %reduce_and3A_1802 : vector<1x256xf32>, i1
    }
    %concatenate3A = tpu.concatenate %while3A_131#0, %while3A_235#0, %while3A_340#0, %while3A_445#0, %while3A_550#0, %while3A_655#0, %while3A_760#0, %while3A_865#0, %while3A_970#0, %while3A_1075#0, %while3A_1180#0, %while3A_1285#0, %while3A_1390#0, %while3A_1495#0, %while3A_1600#0, %while3A_1703#0 in 1 : vector<1x256xf32>, vector<1x256xf32>, vector<1x256xf32>, vector<1x256xf32>, vector<1x256xf32>, vector<1x256xf32>, vector<1x256xf32>, vector<1x256xf32>, vector<1x256xf32>, vector<1x256xf32>, vector<1x256xf32>, vector<1x256xf32>, vector<1x256xf32>, vector<1x256xf32>, vector<1x256xf32>, vector<1x256xf32> -> vector<1x4096xf32>
    %reshape3A = vector.shape_cast %concatenate3A : vector<1x4096xf32> to vector<32x128xf32>
    %iota3A_1704 = tpu.iota {dimensions = array<i32: 0>} : vector<128x128xi32>
    %iota3A_1705 = tpu.iota {dimensions = array<i32: 1>} : vector<128x128xi32>
    %le3A = arith.cmpi sle, %iota3A_1704, %iota3A_1705 : vector<128x128xi32>
    %jit3A_1706 = arith.constant 1.000000e+00 : f32
    %jit3A_1707 = arith.constant 0.000000e+00 : f32
    %broadcast_in_dim3A_1708 = vector.broadcast %jit3A_1706 : f32 to vector<128x128xf32>
    %broadcast_in_dim3A_1709 = vector.broadcast %jit3A_1707 : f32 to vector<128x128xf32>
    %select_n3A_1710 = arith.select %le3A, %broadcast_in_dim3A_1708, %broadcast_in_dim3A_1709 : vector<128x128xi1>, vector<128x128xf32>
    %dot_general3A_1711 = arith.constant dense<0.000000e+00> : vector<32x128xf32>
    %dot_general3A_1712 = tpu.matmul %reshape3A, %select_n3A_1710, %dot_general3A_1711 {dimension_numbers = #tpu.dot_dimension_numbers<[1], [0], [0], [1], [0, 0, 1, 1], [], []>, transpose_lhs_hint = false} : vector<32x128xf32>, vector<128x128xf32>, vector<32x128xf32> -> vector<32x128xf32>
    %slice3A_1713 = vector.extract_strided_slice %dot_general3A_1712 {offsets = [0, 127], sizes = [32, 1], strides = [1, 1]} : vector<32x128xf32> to vector<32x1xf32>
    %iota3A_1714 = tpu.iota {dimensions = array<i32: 0>} : vector<32x32xi32>
    %iota3A_1715 = tpu.iota {dimensions = array<i32: 1>} : vector<32x32xi32>
    %lt3A_1716 = arith.cmpi slt, %iota3A_1715, %iota3A_1714 : vector<32x32xi32>
    %jit3A_1717 = arith.constant 1.000000e+00 : f32
    %jit3A_1718 = arith.constant 0.000000e+00 : f32
    %broadcast_in_dim3A_1719 = vector.broadcast %jit3A_1717 : f32 to vector<32x32xf32>
    %broadcast_in_dim3A_1720 = vector.broadcast %jit3A_1718 : f32 to vector<32x32xf32>
    %select_n3A_1721 = arith.select %lt3A_1716, %broadcast_in_dim3A_1719, %broadcast_in_dim3A_1720 : vector<32x32xi1>, vector<32x32xf32>
    %dot_general3A_1722 = arith.constant dense<0.000000e+00> : vector<32x1xf32>
    %dot_general3A_1723 = tpu.matmul %select_n3A_1721, %slice3A_1713, %dot_general3A_1722 {dimension_numbers = #tpu.dot_dimension_numbers<[1], [0], [0], [1], [0, 0, 1, 1], [], []>, transpose_lhs_hint = false} : vector<32x32xf32>, vector<32x1xf32>, vector<32x1xf32> -> vector<32x1xf32>
    %add3A_1724 = vector.broadcast %dot_general3A_1723 : vector<32x1xf32> to vector<32x128xf32>
    %add3A_1725 = arith.addf %dot_general3A_1712, %add3A_1724 : vector<32x128xf32>
    %sub3A_1726 = arith.constant 1.000000e+00 : f32
    %sub3A_1727 = vector.broadcast %sub3A_1726 : f32 to vector<32x128xf32>
    %sub3A_1728 = arith.subf %add3A_1725, %sub3A_1727 : vector<32x128xf32>
    %reshape3A_1729 = vector.shape_cast %sub3A_1728 : vector<32x128xf32> to vector<1x4096xf32>
    %reduce_sum3A = vector.shape_cast %concatenate3A : vector<1x4096xf32> to vector<1x1x4096xf32>
    %reduce_sum3A_1730 = arith.constant dense<0.000000e+00> : vector<1xf32>
    %reduce_sum3A_1731 = vector.multi_reduction <add>, %reduce_sum3A, %reduce_sum3A_1730 [1, 2] : vector<1x1x4096xf32> to vector<1xf32>
    %reduce_sum3A_1732 = vector.shape_cast %reduce_sum3A_1731 : vector<1xf32> to vector<1x1x1xf32>
    %reduce_sum3A_1733 = vector.extract %reduce_sum3A_1732[0, 0, 0] : f32 from vector<1x1x1xf32>
    %iota3A_1734 = tpu.iota {dimensions = array<i32: 0>} : vector<512x1xi32>
    %convert_element_type3A = arith.sitofp %iota3A_1734 : vector<512x1xi32> to vector<512x1xf32>
    %eq3A = vector.broadcast %reshape3A_1729 : vector<1x4096xf32> to vector<512x4096xf32>
    %eq3A_1735 = vector.broadcast %convert_element_type3A : vector<512x1xf32> to vector<512x4096xf32>
    %eq3A_1736 = arith.cmpf oeq, %eq3A, %eq3A_1735 : vector<512x4096xf32>
    %gt3A_1737 = arith.constant 0.000000e+00 : f32
    %gt3A_1738 = vector.broadcast %gt3A_1737 : f32 to vector<1x4096xf32>
    %gt3A_1739 = arith.cmpf ogt, %concatenate3A, %gt3A_1738 : vector<1x4096xf32>
    %and3A = vector.broadcast %gt3A_1739 : vector<1x4096xi1> to vector<512x4096xi1>
    %and3A_1740 = arith.andi %eq3A_1736, %and3A : vector<512x4096xi1>
    %jit3A_1741 = arith.constant 1.000000e+00 : f32
    %jit3A_1742 = arith.constant 0.000000e+00 : f32
    %broadcast_in_dim3A_1743 = vector.broadcast %jit3A_1741 : f32 to vector<512x4096xf32>
    %broadcast_in_dim3A_1744 = vector.broadcast %jit3A_1742 : f32 to vector<512x4096xf32>
    %select_n3A_1745 = arith.select %and3A_1740, %broadcast_in_dim3A_1743, %broadcast_in_dim3A_1744 : vector<512x4096xi1>, vector<512x4096xf32>
    %get3A_1746 = arith.constant 0 : index
    %get3A_1747 = arith.constant 0 : index
    %get3A_1748 = vector.load %arg0[%get3A_1746, %get3A_1747] : memref<4096x16xf32, #tpu.memory_space<vmem>>, vector<4096x16xf32>
    %convert_element_type3A_1749 = arith.truncf %get3A_1748 : vector<4096x16xf32> to vector<4096x16xbf16>
    %convert_element_type3A_1750 = arith.extf %convert_element_type3A_1749 : vector<4096x16xbf16> to vector<4096x16xf32>
    %sub3A_1751 = arith.subf %get3A_1748, %convert_element_type3A_1750 : vector<4096x16xf32>
    %convert_element_type3A_1752 = arith.truncf %sub3A_1751 : vector<4096x16xf32> to vector<4096x16xbf16>
    %convert_element_type3A_1753 = arith.extf %convert_element_type3A_1752 : vector<4096x16xbf16> to vector<4096x16xf32>
    %sub3A_1754 = arith.subf %sub3A_1751, %convert_element_type3A_1753 : vector<4096x16xf32>
    %dot_general3A_1755 = arith.constant dense<0.000000e+00> : vector<512x16xf32>
    %dot_general3A_1756 = tpu.matmul %select_n3A_1745, %convert_element_type3A_1750, %dot_general3A_1755 {dimension_numbers = #tpu.dot_dimension_numbers<[1], [0], [0], [1], [0, 0, 1, 1], [], []>, transpose_lhs_hint = false} : vector<512x4096xf32>, vector<4096x16xf32>, vector<512x16xf32> -> vector<512x16xf32>
    %dot_general3A_1757 = arith.constant dense<0.000000e+00> : vector<512x16xf32>
    %dot_general3A_1758 = tpu.matmul %select_n3A_1745, %convert_element_type3A_1753, %dot_general3A_1757 {dimension_numbers = #tpu.dot_dimension_numbers<[1], [0], [0], [1], [0, 0, 1, 1], [], []>, transpose_lhs_hint = false} : vector<512x4096xf32>, vector<4096x16xf32>, vector<512x16xf32> -> vector<512x16xf32>
    %add3A_1759 = arith.addf %dot_general3A_1756, %dot_general3A_1758 : vector<512x16xf32>
    %dot_general3A_1760 = arith.constant dense<0.000000e+00> : vector<512x16xf32>
    %dot_general3A_1761 = tpu.matmul %select_n3A_1745, %sub3A_1754, %dot_general3A_1760 {dimension_numbers = #tpu.dot_dimension_numbers<[1], [0], [0], [1], [0, 0, 1, 1], [], []>, transpose_lhs_hint = false} : vector<512x4096xf32>, vector<4096x16xf32>, vector<512x16xf32> -> vector<512x16xf32>
    %add3A_1762 = arith.addf %add3A_1759, %dot_general3A_1761 : vector<512x16xf32>
    %lt3A_1763 = vector.broadcast %reduce_sum3A_1733 : f32 to vector<512x1xf32>
    %lt3A_1764 = arith.cmpf olt, %convert_element_type3A, %lt3A_1763 : vector<512x1xf32>
    %convert_element_type3A_1765 = arith.sitofp %get3A_7 : i32 to f32
    %lt3A_1766 = vector.broadcast %convert_element_type3A_1765 : f32 to vector<512x1xf32>
    %lt3A_1767 = arith.cmpf olt, %convert_element_type3A, %lt3A_1766 : vector<512x1xf32>
    %and3A_1768 = arith.andi %lt3A_1764, %lt3A_1767 : vector<512x1xi1>
    %jit3A_1769 = arith.constant 1.000000e+00 : f32
    %jit3A_1770 = arith.constant 0.000000e+00 : f32
    %broadcast_in_dim3A_1771 = vector.broadcast %jit3A_1769 : f32 to vector<512x1xf32>
    %broadcast_in_dim3A_1772 = vector.broadcast %jit3A_1770 : f32 to vector<512x1xf32>
    %select_n3A_1773 = arith.select %and3A_1768, %broadcast_in_dim3A_1771, %broadcast_in_dim3A_1772 : vector<512x1xi1>, vector<512x1xf32>
    %mul3A_1774 = vector.broadcast %select_n3A_1773 : vector<512x1xf32> to vector<512x16xf32>
    %mul3A_1775 = arith.mulf %add3A_1762, %mul3A_1774 : vector<512x16xf32>
    %swap3A = arith.constant 0 : index
    %swap3A_1776 = arith.constant 0 : index
    %swap3A_1777 = vector.load %arg2[%swap3A, %swap3A_1776] : memref<512x16xf32, #tpu.memory_space<vmem>>, vector<512x16xf32>
    tpu.vector_store %arg2[%swap3A, %swap3A_1776], %mul3A_1775 {strides = array<i32>} : memref<512x16xf32, #tpu.memory_space<vmem>>, vector<512x16xf32>,
    %swap3A_1778 = arith.constant 0 : index
    %swap3A_1779 = arith.constant 0 : index
    %swap3A_1780 = vector.load %arg3[%swap3A_1778, %swap3A_1779] : memref<512x1xf32, #tpu.memory_space<vmem>>, vector<512x1xf32>
    tpu.vector_store %arg3[%swap3A_1778, %swap3A_1779], %select_n3A_1773 {strides = array<i32>} : memref<512x1xf32, #tpu.memory_space<vmem>>, vector<512x1xf32>,
    return
  }
}

</mosaic_0001>

<sc_bundles>
// kernel: kernel.4.cloned.1.call-start
scs
__scs_entry_jumppad:
0x0: {  	(pc) =	sbr.rel $0x88, $3  }
0x1: {  	(tag) =	ssettag $0x0;
	lr =	simm.s32 $0x1  }
0x2: {  	[smem:$0x3F9D] =	sst lr;
	_ =	strace $0xD0000000  }
0x3: {  	_ = 	snop  }
0x4: {  	_ = 	snop  }
0x5: {  	_ = 	snop  }
0x6: {  	_ = 	snop  }
0x7: {  	_ = 	snop  }
__scs_overlays_trampoline_lowered:
0x8: {  	[smem:$0x3FAC] =	sst s0  }
0x9: {  	[smem:$0x3FAD] =	sst s1  }
0xa: {  	[smem:$0x3FAE] =	sst s2  }
0xb: {  	[smem:$0x3FAF] =	sst s3  }
0xc: {  	[smem:$0x3FB0] =	sst s4  }
0xd: {  	[smem:$0x3FB1] =	sst s5  }
0xe: {  	[smem:$0x3FB2] =	sst s6  }
0xf: {  	[smem:$0x3FB3] =	sst s7  }
0x10: {  	[smem:$0x3FB4] =	sst s8  }
0x11: {  	[smem:$0x3FB5] =	sst s9;
	s0 =	simm.s32 @!p0 $0x0  }
0x12: {  	s1 =	sld [smem:$0x3F9B];
	s0 =	simm.s32 @p0 $0x1  }
0x13: {  	[smem:$0x3FB6] =	sst s0;
	s0 =	simm.s32 @!p1 $0x0  }
0x14: {  	s2 =	sld [smem:$0x3F9A];
	s0 =	simm.s32 @p1 $0x1  }
0x15: {  	[smem:$0x3FB7] =	sst s0;
	s0 =	simm.s32 @!p2 $0x0  }
0x16: {  	s3 =	sld [smem:$0x3FDB];
	s0 =	simm.s32 @p2 $0x1  }
0x17: {  	s4 =	simm.s32 $0x1BF5;
	[smem:$0x3FB9] =	sst s0  }
0x18: {  	s0 =	sld [smem:$0x3F9C];
	_ =	swait.ge [sflag:s4], $0x0  }
0x19: {  	s7 =	sld [smem:$0x3F9D]  }
0x1a: {  	s8 =	sadd.s32 $0xFFFFE003, lr  }
0x1b: {  	s9 =	sadd.s32 $0xFFFFFEF7, lr;
	s5 =	simm.s32 $0xFFFFFFFF;
	p2 =	slt.u32 s8, $0xFFFFF086  }
0x1c: {  	p1 =	slt.u32 s9, $0xF7A;
	s5 =	simm.s32 @!p2 $0x0  }
0x1d: {  	s5 =	simm.s32 @p1 $0x1;
	p0 =	seq.s32 s7, s2  }
0x1e: {  	s7 =	smul.u32 @!p0 $0xF7A, s2;
	p2 =	seq.s32 @!p0 s5, $0x0  }
0x1f: {  	s9 =	smul.u32 $0xF7A, s1;
	s8 =	simm.s32 @!p0 $0x1BF5;
	p2 =	por !p2, p0  }
0x20: {  	[sflag:s8] =	ssyncset.s32 @!p0 $0xFFFFF086;
	s6 =	sadd.s32 @!p0 s3, s7;
	s7 =	simm.s32 @!p0 $0x108  }
0x21: {  	s3 =	sadd.s32 s3, s9;
	s6 =	sadd.s32 @!p0 $0x88, s6;
	s7 =	simm.s32 @p2 $0x1082  }
0x22: {  	[simem:s7], [sflag:s8] =	dma.local @!p0 [hbm:s6], $0xF7A  }
0x23: {  	s9 =	sor.u32 $0xD0000000, s2;
	s6 =	simm.s32 $0x108;
	_ =	swait.ge @!p0 [sflag:s8], $0x0  }
0x24: {  	s3 =	sadd.s32 $0x88, s3;
	s6 =	simm.s32 @!p1 $0x1082;
	[sflag:s4] =	ssyncset.s32 $0xFFFFF086  }
0x25: {  	[simem:s6], [sflag:s4] =	dma.local [hbm:s3], $0xF7A  }
0x26: {  	[smem:$0x3F9D] =	sst s1;
	(tag) =	ssettag s2;
	_ =	strace s9  }
0x27: {  	s1 =	sld [smem:$0x3FAD]  }
0x28: {  	s2 =	sld [smem:$0x3FAE]  }
0x29: {  	s4 =	sld [smem:$0x3FB0]  }
0x2a: {  	p0 =	seq.s32 s5, $0x0;
	s5 =	sld [smem:$0x3FB1]  }
0x2b: {  	s6 =	sld [smem:$0x3FB2]  }
0x2c: {  	s7 =	sld [smem:$0x3FB3]  }
0x2d: {  	s3 =	simm.s32 $0x108;
	s8 =	sld [smem:$0x3FB4]  }
0x2e: {  	s3 =	simm.s32 @!p0 $0x1082;
	s9 =	sld [smem:$0x3FB5]  }
0x2f: {  	lr =	sadd.s32 s0, s3;
	s0 =	sld [smem:$0x3FAC]  }
0x30: {  	s3 =	sld [smem:$0x3FAF]  }
0x31: {  	[smem:$0x3FB8] =	sst s10  }
0x32: {  	s10 =	sld [smem:$0x3FB6];
	_ =	sdelay $0x3  }
0x33: {  	p0 =	seq.s32 s10, $0x1;
	s10 =	sld [smem:$0x3FB8];
	_ =	sdelay $0x3  }
0x34: {  	[smem:$0x3FB8] =	sst s10  }
0x35: {  	s10 =	sld [smem:$0x3FB7];
	_ =	sdelay $0x3  }
0x36: {  	p1 =	seq.s32 s10, $0x1;
	s10 =	sld [smem:$0x3FB8];
	_ =	sdelay $0x3  }
0x37: {  	[smem:$0x3FB8] =	sst s10  }
0x38: {  	s10 =	sld [smem:$0x3FB9]  }
0x39: {  	_ = 	snop;
	(pc) =	sbr.ind lr, $3  }
0x3a: {  	_ = 	snop  }
0x3b: {  	_ = 	snop  }
0x3c: {  	p2 =	seq.s32 s10, $0x1;
	s10 =	sld [smem:$0x3FB8]  }
0x3d: {  	_ =	shalt  }
0x3e: {  	_ =	shalt  }
0x3f: {  	_ =	shalt  }
0x40: {  	_ =	shalt  }
0x41: {  	_ =	shalt  }
0x42: {  	_ =	shalt  }
0x43: {  	_ =	shalt  }
0x44: {  	_ =	shalt  }
0x45: {  	_ =	shalt  }
0x46: {  	_ =	shalt  }
0x47: {  	_ =	shalt  }
0x48: {  	_ =	shalt  }
0x49: {  	_ =	shalt  }
0x4a: {  	_ =	shalt  }
0x4b: {  	_ =	shalt  }
0x4c: {  	_ =	shalt  }
0x4d: {  	_ =	shalt  }
0x4e: {  	_ =	shalt  }
0x4f: {  	_ =	shalt  }
0x50: {  	_ =	shalt  }
0x51: {  	_ =	shalt  }
0x52: {  	_ =	shalt  }
0x53: {  	_ =	shalt  }
0x54: {  	_ =	shalt  }
0x55: {  	_ =	shalt  }
0x56: {  	_ =	shalt  }
0x57: {  	_ =	shalt  }
0x58: {  	_ =	shalt  }
0x59: {  	_ =	shalt  }
0x5a: {  	_ =	shalt  }
0x5b: {  	_ =	shalt  }
0x5c: {  	_ =	shalt  }
0x5d: {  	_ =	shalt  }
0x5e: {  	_ =	shalt  }
0x5f: {  	_ =	shalt  }
0x60: {  	_ =	shalt  }
0x61: {  	_ =	shalt  }
0x62: {  	_ =	shalt  }
0x63: {  	_ =	shalt  }
0x64: {  	_ =	shalt  }
0x65: {  	_ =	shalt  }
0x66: {  	_ =	shalt  }
0x67: {  	_ =	shalt  }
0x68: {  	_ =	shalt  }
0x69: {  	_ =	shalt  }
0x6a: {  	_ =	shalt  }
0x6b: {  	_ =	shalt  }
0x6c: {  	_ =	shalt  }
0x6d: {  	_ =	shalt  }
0x6e: {  	_ =	shalt  }
0x6f: {  	_ =	shalt  }
0x70: {  	_ =	shalt  }
0x71: {  	_ =	shalt  }
0x72: {  	_ =	shalt  }
0x73: {  	_ =	shalt  }
0x74: {  	_ =	shalt  }
0x75: {  	_ =	shalt  }
0x76: {  	_ =	shalt  }
0x77: {  	_ =	shalt  }
0x78: {  	_ =	shalt  }
0x79: {  	_ =	shalt  }
0x7a: {  	_ =	shalt  }
0x7b: {  	_ =	shalt  }
0x7c: {  	_ =	shalt  }
0x7d: {  	_ =	shalt  }
0x7e: {  	_ =	shalt  }
0x7f: {  	_ =	shalt  }
0x80: {  	_ =	shalt  }
0x81: {  	_ =	shalt  }
0x82: {  	_ =	shalt  }
0x83: {  	_ =	shalt  }
0x84: {  	_ =	shalt  }
0x85: {  	_ =	shalt  }
0x86: {  	_ =	shalt  }
0x87: {  	_ =	shalt  }
.Lfunc_end0:
.L_simem_size_0:
called_computation_lowered:
.L_overlay_start_0:
0x88: {  	s2 =	sld [smem:$0x3FD9]  }
0x89: {  	s3 =	sld [smem:$0x3FFE];
	_ =	sdelay $0x1  }
0x8a: {  	s1 =	srdreg.scid  }
0x8b: {  	s0 =	sand.u32 $0x1, s1  }
0x8c: {  	s14 =	sshll.u32 s0, $0xA;
	s2 =	sadd.s32 s3, s2  }
0x8d: {  	s2 =	sadd.s32 s2, s14  }
0x8e: {  	[smem:$0x3FC4] =	sst s2  }
0x8f: {  	_ = 	snop  }
0x90: {  	s2 =	sld [smem:$0x3FD0];
	_ =	sdelay $0x2  }
0x91: {  	s15 =	simm.s32 $0xA;
	s4 =	simm.s32 $0x10  }
0x92: {  	[smem:s4], [sflag:s15] =	dma.local [hbm:s2], $0x1  }
0x93: {  	_ =	swait.eq [sflag:s15], $0x1  }
0x94: {  	[sflag:s15] =	ssyncset.done $0x0  }
0x95: {  	[sflag:s15] =	ssyncadd.s32 $0xFFFFFFFF  }
0x96: {  	s16 =	sld [smem:$0x10];
	(tm) =	ssettm $0x1  }
0x97: {  	s17 =	sld [smem:$0x3FFB];
	_ =	sdelay $0x3  }
0x98: {  	_ =	strace s17  }
0x99: {  	s3 =	sld [smem:$0x3FFC];
	_ =	sdelay $0x3  }
0x9a: {  	_ =	strace s3  }
0x9b: {  	s3 =	sld [smem:$0x3FFD];
	_ =	sdelay $0x3  }
0x9c: {  	_ =	strace s3  }
0x9d: {  	_ =	strace $0x8FFFFFFF  }
0x9e: {  	s18 =	sld [smem:$0x3FDB];
	_ =	sdelay $0x1  }
0x9f: {  	s19 =	simm.s32 $_scs_section_size  }
0xa0: {  	s5 =	simm.s32 $_size__tile_overlayer_lowered;
	s6 =	simm.s32 $_tile_overlayer_lowered  }
0xa1: {  	s22 =	simm.s32 $0x1BFF;
	s21 =	sshll.u32 s6, $0x1;
	s3 =	sadd.s32 s19, s18  }
0xa2: {  	s7 =	simm.s32 $0x0;
	s20 =	sshll.u32 s5, $0x1;
	s5 =	sadd.s32 s21, s3  }
0xa3: {  	[timem:s7], [sflag:s22] =	dma.local [hbm:s5], s20  }
0xa4: {  	_ =	swait.ge [sflag:s22], s20  }
0xa5: {  	s4 =	ssub.s32 $0x0, s20;
	[sflag:s22] =	ssyncset.done $0x0  }
0xa6: {  	[sflag:s22] =	ssyncadd.s32 s4;
	_ =	sdelay $0x1  }
0xa7: {  	s23 =	simm.s32 $0x1B8B  }
0xa8: {  	_ =	swait.ge [sflag:s23], $0x1  }
0xa9: {  	[sflag:s23] =	ssyncset.done $0x0  }
0xaa: {  	s25 =	simm.s32 $0x1B8E;
	s24 =	sld [smem:$0x3FFE];
	[sflag:s23] =	ssyncadd.s32 $0xFFFFFFFF  }
0xab: {  	s26 =	simm.s32 $execute0_lowered;
	[smem:$0x3FD2] =	sst s25  }
0xac: {  	s5 =	sshll.u32 s26, $0x1;
	_ =	strace $0x80000046;
	[dreg:$0x1] =	wrdreg $0xFFFFFFFF  }
0xad: {  	s28 =	simm.s32 $_size_execute0_lowered;
	s3 =	sadd.s32 s3, s5;
	[dreg:$0x0] =	wrdreg $0x0  }
0xae: {  	s5 =	sshll.u32 s28, $0x1;
	[dreg:$0x2] =	wrdreg s3  }
0xaf: {  	[dreg:$0x3] =	wrdreg s5  }
0xb0: {  	[dreg:$0x4] =	wrdreg $0xC0  }
0xb1: {  	_ =	task [dreg:s7], $0x5FFFF  }
0xb2: {  	[dreg:$0x1] =	wrdreg $0xFFFFFFFF  }
0xb3: {  	[dreg:$0x0] =	wrdreg $0x60  }
0xb4: {  	[dreg:$0x2] =	wrdreg s24  }
0xb5: {  	[dreg:$0x3] =	wrdreg s16  }
0xb6: {  	[dreg:$0x4] =	wrdreg $0x9  }
0xb7: {  	_ =	task.clear_ibuf [dreg:s7], $0x5FFFF;
	_ =	strace $0x90000046  }
0xb8: {  	s29 =	simm.s32 $0x9;
	_ =	strace $0x80000048  }
0xb9: {  	_ =	swait.ge [sflag:s29], $0x1  }
0xba: {  	[sflag:s29] =	ssyncadd.s32 $0xFFFFFFFF  }
0xbb: {  	_ =	strace $0x90000048  }
0xbc: {  	_ =	sfence  }
0xbd: {  	s30 =	sld [smem:$0x0];
	_ =	sdelay $0x2  }
0xbe: {  	s31 =	sshll.u32 s1, $0xD;
	s1 =	sshrl.u32 s1, $0x2  }
0xbf: {  	s3 =	sand.u32 $0x4000, s31;
	s1 =	sadd.s32 s1, s30  }
0xc0: {  	s0 =	sor.u32 s3, s0;
	s1 =	sshll.u32 s1, $0x11  }
0xc1: {  	s0 =	sor.u32 s1, s0  }
0xc2: {  	s0 =	sadd.s32 $0x8F2B, s0  }
0xc3: {  	[sflag:s0] =	ssyncadd.remote.s32 $0x1  }
0xc4: {  	_ =	sfence.sel $0xFFFF  }
0xc5: {  	[dreg:$0x0] =	wrdreg $0xFFFFFFFF;
	(pc) =	sbr.abs _section_cstart, $3  }
0xc6: {  	[dreg:$0x1] =	wrdreg $0xFFFFFFFF  }
0xc7: {  	_ =	task.clear_ibuf [dreg:s7], $0x2FFFF;
	_ =	strace $0x9FFFFFFF  }
0xc8: {  	(tm) =	ssettm $0x7FFFFFFF  }
0xc9: {  	_ =	shalt  }
tec
execute0_lowered:
.L_overlay_start_1:
0x0: {  	(tag) =	ssettag $0x1  }
0x1: {  	s1 =	srdreg.scid;
	s2 =	rddreg [dreg:$0x0]  }
0x2: {  	s0 =	stileid.u32;
	s4 =	rddreg [dreg:$0x1];
	s6 =	sand.u32 $0x1, s1  }
0x3: {  	s3 =	simm.s32 $0x0;
	s5 =	sshll.u32 s0, $0x8;
	s7 =	sshll.u32 s6, $0x7  }
0x4: {  	[smem:$0x7FF] =	sst s3;
	s8 =	sor.u32 s7, s5  }
0x5: {  	s1 =	rddreg [dreg:$0x2];
	_ =	strace $0x80000047;
	s5 =	sshrl.u32 s8, $0x3  }
0x6: {  	s9 =	ssub.s32 $0x2, s6;
	s5 =	sadd.s32 s4, s5;
	s4 =	simm.s32 $0x2  }
0x7: {  	[tilespmem:s3], [sflag:$0x2] =	stream.linear.gather [hbm4b:s5+s3], $0x80, $0x38;
	[tilespmem:$0x880] =	vst v63  }
0x8: {  	s10 =	sshrl.u32 s9, $0x1;
	_ =	swait.ge [sflag:s4], $0x80  }
0x9: {  	s6 =	simm.s32 $0x80;
	s9 =	ssub.s32 s9, s10;
	[sflag:s4] =	ssyncset.done $0x0  }
0xa: {  	s7 =	simm.s32 $0x1;
	s9 =	smax.u32 s9, $0x1;
	[sflag:s4] =	ssyncadd.s32 $0xFFFFFF80  }
0xb: {  	[tilespmem:s6], [sflag:$0x1] =	stream.indirect.gather [hbm4b:s2+s6], $0x10, s3, s6, $0xb8;
	[tilespmem:$0x880] =	vst v63  }
0xc: {  	s8 =	sshll.u32 s8, $0x1;
	p0 =	sne.s32 s9, $0x1;
	_ =	swait.ge [sflag:s7], $0x800  }
.Ltmp0:
0xd: {  	s8 =	sadd.s32 s8, s2;
	[sflag:s7] =	ssyncset.done $0x0;
	(pc) =	sbr.rel @!p0 .LBB2_2-.Ltmp0, $4  }
0xe: {  	s8 =	sadd.s32 $0x9E00, s8;
	[sflag:s7] =	ssyncadd.s32 $0xFFFFF800  }
0xf: {  	[hbm4b:s8+s3] =	stream.linear.scatter [tilespmem:s6], [sflag:$0x2], $0x800, $0x38;
	[tilespmem:$0x880] =	vst v63  }
0x10: {  	_ =	swait.ge [sflag:s4], $0x800  }
0x11: {  	s9 =	sadd.s32 $0xFFFFFFFF, s9;
	[sflag:s4] =	ssyncset.done $0x0  }
.LBB2_1:
0x12: {  	p0 =	sne.s32 s9, $0x1;
	s9 =	sadd.s32 $0xFFFFFFFF, s9;
	[sflag:s4] =	ssyncadd.s32 $0xFFFFF800  }
0x13: {  	[tilespmem:s3], [sflag:$0x2] =	stream.linear.gather [hbm4b:s5+s3], $0x80, $0x38;
	[tilespmem:$0x880] =	vst v63  }
0x14: {  	_ =	swait.ge [sflag:s4], $0x80  }
0x15: {  	[sflag:s4] =	ssyncset.done $0x0  }
0x16: {  	[sflag:s4] =	ssyncadd.s32 $0xFFFFFF80  }
0x17: {  	[tilespmem:s6], [sflag:$0x1] =	stream.indirect.gather [hbm4b:s2+s6], $0x10, s3, s6, $0xb8;
	[tilespmem:$0x880] =	vst v63  }
0x18: {  	_ =	swait.ge [sflag:s7], $0x800  }
.Ltmp1:
0x19: {  	[sflag:s7] =	ssyncset.done $0x0;
	(pc) =	sbr.rel @p0 .LBB2_1-.Ltmp1, $4  }
0x1a: {  	[sflag:s7] =	ssyncadd.s32 $0xFFFFF800  }
0x1b: {  	[hbm4b:s8+s3] =	stream.linear.scatter [tilespmem:s6], [sflag:$0x2], $0x800, $0x38;
	[tilespmem:$0x880] =	vst v63  }
0x1c: {  	_ =	swait.ge [sflag:s4], $0x800  }
0x1d: {  	[sflag:s4] =	ssyncset.done $0x0  }
.LBB2_2:
0x1e: {  	[sflag:s4] =	ssyncadd.s32 $0xFFFFF800  }
0x1f: {  	_ =	sfence.sel $0x180000  }
0x20: {  	[bflag:$0x0] =	sbarrier.arrive $0xFFFF  }
0x21: {  	p0 =	sne.s32 s0, $0x0;
	_ =	strace $0x90000047  }
0x22: {  	s0 =	sadd.s32 @!p0 $0x100000, s1;
	[bflag:$0x2] =	sbarrier.arrive $0xFFFF  }
0x23: {  	[sflag:s0] =	ssyncadd.tile.s32 @!p0 $0x1;
	_ =	shalt  }
.Lfunc_end2:
_tile_overlayer_lowered:
.L_overlay_start_2:
0x24: {  	(tag) =	ssettag $0x2  }
0x25: {  	s0 =	rddreg [dreg:$0x0];
	s2 =	stileid.u32  }
0x26: {  	s1 =	rddreg [dreg:$0x1];
	p0 =	sne.s32 s2, $0x0  }
0x27: {  	s3 =	rddreg [dreg:$0x2];
	[bflag:$0x3] =	sbarrier.arrive $0xFFFF;
	s2 =	simm.s32 @!p0 $0x1C02  }
0x28: {  	[timem:s3], [sflag:s2] =	dma.local @!p0 [hbm:s0], s1  }
0x29: {  	s0 =	simm.s32 @!p0 $0x2  }
0x2a: {  	_ =	swait.ge @!p0 [sflag:s0], s1  }
0x2b: {  	s1 =	ssub.s32 @!p0 $0x0, s1;
	[sflag:s0] =	ssyncset.done @!p0 $0x0  }
0x2c: {  	[sflag:s0] =	ssyncadd.s32 @!p0 s1  }
0x2d: {  	[bflag:$0x3] =	sbarrier.arrive $0xFFFF  }
0x2e: {  	_ =	shalt  }

</sc_bundles>
